<compile_context>
chip_gen: v7x
topology: tpu7x:2x2x1
jax: 0.10.2.dev20260603
libtpu: 0.0.44.dev20260713+nightly
codegen_flags: <defaults>
</compile_context>

<pallas_src>
import jax
import jax.numpy as jnp
from jax import lax
from jax.experimental import pallas as pl
from jax.experimental.pallas import tpu as pltpu
from jax.experimental.pallas import tpu_sc as plsc

NB = 2500
EB = 40000
NN = 10000
EE = 160000
F = 256
HF = 128
NS = 16
CE = 125
CF = CE // 16
RPB = EB // CE
TR = RPB // 4
HR = 40
NW = 10
RW = NN // NW
NZF = RW // CE
CR = RPB // 8
RB = 1000
LN_EPS = 1e-5

_MESH = plsc.VectorSubcoreMesh(core_axis_name="c", subcore_axis_name="s")


def _sc_agg_body(table, ei_hbm, agg_out, srcall, dstall,
                 rows0, rows1, acc, gs0, gs1, ss0, ss1):
    c = lax.axis_index("c")
    s = lax.axis_index("s")
    zero16 = jnp.zeros((16,), jnp.float32)
    lane = jnp.arange(16, dtype=jnp.int32)
    tail = lane >= (16 - (CE - CF * 16))

    def zrow(i, carry):
        for j in range(HF // 16):
            rows0[i, pl.ds(j * 16, 16)] = zero16
        return carry

    lax.fori_loop(0, CE, zrow, 0)

    @pl.when(s < NW)
    def _zero():
        for r in range(NZF):
            pltpu.sync_copy(rows0, acc.at[pl.ds(s * RW + r * CE, CE)])

    plsc.subcore_barrier()

    b = s // 4
    boff = b * NB
    soff = boff + c * NN
    srow = (2 * b) * RPB + (s - 4 * b) * TR
    drow = (2 * b + 1) * RPB + (s - 4 * b) * TR

    def _adj(ref, off):
        def arow(i, c2):
            for k in range(CF):
                sl = pl.ds(k * 16, 16)
                ref[i, sl] = ref[i, sl] + off
            sl = pl.ds(CE - 16, 16)
            v = ref[i, sl]
            ref[i, sl] = jnp.where(tail, v + off, v)
            return c2

        lax.fori_loop(0, HR, arow, 0)

    def half(h, carry):
        pltpu.sync_copy(ei_hbm.at[pl.ds(srow + h * HR, HR)], srcall)
        pltpu.sync_copy(ei_hbm.at[pl.ds(drow + h * HR, HR)], dstall)
        _adj(srcall, soff)
        _adj(dstall, boff)

        def pair(g0, c2):
            j0 = 2 * g0
            j1 = j0 + 1

            @pl.when(g0 > 0)
            def _w0():
                pltpu.make_async_copy(rows0, acc.at[dstall.at[j0]],
                                      ss0).wait()

            pltpu.async_copy(table.at[srcall.at[j0]], rows0, gs0)

            @pl.when(g0 > 0)
            def _w1():
                pltpu.make_async_copy(rows1, acc.at[dstall.at[j1]],
                                      ss1).wait()

            pltpu.async_copy(table.at[srcall.at[j1]], rows1, gs1)

            pltpu.make_async_copy(table.at[srcall.at[j0]], rows0, gs0).wait()
            pltpu.async_copy(rows0, acc.at[dstall.at[j0]], ss0, add=True)
            pltpu.make_async_copy(table.at[srcall.at[j1]], rows1, gs1).wait()
            pltpu.async_copy(rows1, acc.at[dstall.at[j1]], ss1, add=True)
            return c2

        lax.fori_loop(0, HR // 2, pair, 0)

        pltpu.make_async_copy(rows0, acc.at[dstall.at[0]], ss0).wait()
        pltpu.make_async_copy(rows1, acc.at[dstall.at[0]], ss1).wait()
        return carry

    lax.fori_loop(0, TR // HR, half, 0)

    plsc.subcore_barrier()

    @pl.when(s < NW)
    def _drain():
        ro = s * RW
        pltpu.sync_copy(acc.at[pl.ds(ro, RW)], agg_out.at[c, pl.ds(ro, RW)])


_sc_agg = pl.kernel(
    _sc_agg_body,
    mesh=_MESH,
    out_type=[jax.ShapeDtypeStruct((2, NN, HF), jnp.float32)],
    scratch_types=[
        pltpu.VMEM((HR, CE), jnp.int32),
        pltpu.VMEM((HR, CE), jnp.int32),
        pltpu.VMEM((CE, HF), jnp.float32),
        pltpu.VMEM((CE, HF), jnp.float32),
        pltpu.VMEM_SHARED((NN, HF), jnp.float32),
        pltpu.SemaphoreType.DMA,
        pltpu.SemaphoreType.DMA,
        pltpu.SemaphoreType.DMA,
        pltpu.SemaphoreType.DMA,
    ],
)


def _sc_count_body(ei_hbm, cnt_out, dstall, onesb, cacc, ss0, ss1):
    c = lax.axis_index("c")
    s = lax.axis_index("s")
    zero16 = jnp.zeros((16,), jnp.float32)
    one16 = jnp.ones((16,), jnp.float32)
    lane = jnp.arange(16, dtype=jnp.int32)
    tail = lane >= (16 - (CE - CF * 16))

    wid = c * NS + s
    b = wid // 8
    boff = b * NB
    drow = (2 * b + 1) * RPB + (wid - 8 * b) * CR
    pltpu.sync_copy(ei_hbm.at[pl.ds(drow, CR)], dstall)

    def arow(i, carry):
        for k in range(CF):
            sl = pl.ds(k * 16, 16)
            dstall[i, sl] = dstall[i, sl] + boff
        sl = pl.ds(CE - 16, 16)
        v = dstall[i, sl]
        dstall[i, sl] = jnp.where(tail, v + boff, v)
        return carry

    lax.fori_loop(0, CR, arow, 0)

    def zrow(i, carry):
        for j in range(HF // 16):
            onesb[i, pl.ds(j * 16, 16)] = zero16
        return carry

    lax.fori_loop(0, CE, zrow, 0)

    @pl.when(s < NW)
    def _zero():
        for r in range(NZF):
            pltpu.sync_copy(onesb, cacc.at[pl.ds(s * RW + r * CE, CE)])

    def orow(i, carry):
        for j in range(HF // 16):
            onesb[i, pl.ds(j * 16, 16)] = one16
        return carry

    lax.fori_loop(0, CE, orow, 0)
    plsc.subcore_barrier()

    def pair(g0, carry):
        j0 = 2 * g0
        j1 = j0 + 1

        @pl.when(g0 > 0)
        def _w0():
            pltpu.make_async_copy(onesb, cacc.at[dstall.at[j0]], ss0).wait()

        pltpu.async_copy(onesb, cacc.at[dstall.at[j0]], ss0, add=True)

        @pl.when(g0 > 0)
        def _w1():
            pltpu.make_async_copy(onesb, cacc.at[dstall.at[j1]], ss1).wait()

        pltpu.async_copy(onesb, cacc.at[dstall.at[j1]], ss1, add=True)
        return carry

    lax.fori_loop(0, CR // 2, pair, 0)

    pltpu.make_async_copy(onesb, cacc.at[dstall.at[0]], ss0).wait()
    pltpu.make_async_copy(onesb, cacc.at[dstall.at[0]], ss1).wait()

    plsc.subcore_barrier()

    @pl.when(s < NW)
    def _drain():
        ro = s * RW
        pltpu.sync_copy(cacc.at[pl.ds(ro, RW)], cnt_out.at[c, pl.ds(ro, RW)])


_sc_count = pl.kernel(
    _sc_count_body,
    mesh=_MESH,
    out_type=[jax.ShapeDtypeStruct((2, NN, HF), jnp.float32)],
    scratch_types=[
        pltpu.VMEM((CR, CE), jnp.int32),
        pltpu.VMEM((CE, HF), jnp.float32),
        pltpu.VMEM_SHARED((NN, HF), jnp.float32),
        pltpu.SemaphoreType.DMA,
        pltpu.SemaphoreType.DMA,
    ],
)


def _mm_table(x_flat, W):
    def body(x_ref, w_ref, o_ref):
        o_ref[...] = jnp.dot(x_ref[...], w_ref[...],
                             preferred_element_type=jnp.float32,
                             precision=lax.Precision.HIGHEST)

    return pl.pallas_call(
        body,
        grid=(2, NN // RB),
        in_specs=[pl.BlockSpec((RB, F), lambda h, i: (i, 0)),
                  pl.BlockSpec((F, HF), lambda h, i: (0, h))],
        out_specs=pl.BlockSpec((RB, HF),
                               lambda h, i: (h * (NN // RB) + i, 0)),
        out_shape=jax.ShapeDtypeStruct((2 * NN, HF), jnp.float32),
    )(x_flat, W)


def _sage_post(agg, cnt, xin, W_r, b_l, ln_g, ln_b):
    def body(agg_ref, cnt_ref, x_ref, wr_ref, bl_ref, g_ref, b_ref, h_ref):
        aggc = jnp.concatenate([agg_ref[0], agg_ref[1]], axis=-1)
        total = cnt_ref[0][:, 0:1] + cnt_ref[1][:, 0:1]
        inv = 1.0 / jnp.maximum(total, 1.0)
        h = aggc * inv + bl_ref[...] + jnp.dot(
            x_ref[...], wr_ref[...], preferred_element_type=jnp.float32,
            precision=lax.Precision.HIGHEST)
        mu = jnp.mean(h, axis=-1, keepdims=True)
        var = jnp.mean(jnp.square(h - mu), axis=-1, keepdims=True)
        hn = (h - mu) * lax.rsqrt(var + LN_EPS) * g_ref[...] + b_ref[...]
        h_ref[...] = jnp.maximum(hn, 0.0)

    return pl.pallas_call(
        body,
        grid=(NN // RB,),
        in_specs=[
            pl.BlockSpec((2, RB, HF), lambda i: (0, i, 0)),
            pl.BlockSpec((2, RB, HF), lambda i: (0, i, 0)),
            pl.BlockSpec((RB, F), lambda i: (i, 0)),
            pl.BlockSpec((F, F), lambda i: (0, 0)),
            pl.BlockSpec((1, F), lambda i: (0, 0)),
            pl.BlockSpec((1, F), lambda i: (0, 0)),
            pl.BlockSpec((1, F), lambda i: (0, 0)),
        ],
        out_specs=pl.BlockSpec((RB, F), lambda i: (i, 0)),
        out_shape=jax.ShapeDtypeStruct((NN, F), jnp.float32),
    )(agg, cnt, xin, W_r, b_l, ln_g, ln_b)


def _final(agg, cnt, h1, W_r, b_l, ln_g, ln_b, W_p, b_p):
    def body(agg_ref, cnt_ref, h_ref, wr_ref, bl_ref, g_ref, b_ref,
             wp_ref, bp_ref, o_ref):
        aggc = jnp.concatenate([agg_ref[0], agg_ref[1]], axis=-1)
        total = cnt_ref[0][:, 0:1] + cnt_ref[1][:, 0:1]
        inv = 1.0 / jnp.maximum(total, 1.0)
        h = aggc * inv + bl_ref[...] + jnp.dot(
            h_ref[...], wr_ref[...], preferred_element_type=jnp.float32,
            precision=lax.Precision.HIGHEST)
        mu = jnp.mean(h, axis=-1, keepdims=True)
        var = jnp.mean(jnp.square(h - mu), axis=-1, keepdims=True)
        hn = (h - mu) * lax.rsqrt(var + LN_EPS) * g_ref[...] + b_ref[...]
        h2 = jnp.maximum(hn, 0.0)
        o_ref[...] = jnp.dot(h2, wp_ref[...],
                             preferred_element_type=jnp.float32,
                             precision=lax.Precision.HIGHEST) + bp_ref[...]

    return pl.pallas_call(
        body,
        grid=(NN // RB,),
        in_specs=[
            pl.BlockSpec((2, RB, HF), lambda i: (0, i, 0)),
            pl.BlockSpec((2, RB, HF), lambda i: (0, i, 0)),
            pl.BlockSpec((RB, F), lambda i: (i, 0)),
            pl.BlockSpec((F, F), lambda i: (0, 0)),
            pl.BlockSpec((1, F), lambda i: (0, 0)),
            pl.BlockSpec((1, F), lambda i: (0, 0)),
            pl.BlockSpec((1, F), lambda i: (0, 0)),
            pl.BlockSpec((F, F), lambda i: (0, 0)),
            pl.BlockSpec((1, F), lambda i: (0, 0)),
        ],
        out_specs=pl.BlockSpec((RB, F), lambda i: (i, 0)),
        out_shape=jax.ShapeDtypeStruct((NN, F), jnp.float32),
    )(agg, cnt, h1, W_r, b_l, ln_g, ln_b, W_p, b_p)


def kernel(x, edge_index, W_l1, b_l1, W_r1, ln1_g, ln1_b,
           W_l2, b_l2, W_r2, ln2_g, ln2_b, W_p, b_p):
    Bv, Nv, _ = x.shape
    x_flat = x.reshape(Bv * Nv, -1)
    ei2 = edge_index.reshape(Bv * 2 * RPB, CE)

    b_l1r = b_l1.reshape(1, F)
    g1r = ln1_g.reshape(1, F)
    be1r = ln1_b.reshape(1, F)
    b_l2r = b_l2.reshape(1, F)
    g2r = ln2_g.reshape(1, F)
    be2r = ln2_b.reshape(1, F)
    b_pr = b_p.reshape(1, F)

    (cnt,) = _sc_count(ei2)
    y1 = _mm_table(x_flat, W_l1)
    (agg1,) = _sc_agg(y1, ei2)
    h1 = _sage_post(agg1, cnt, x_flat, W_r1, b_l1r, g1r, be1r)
    y2 = _mm_table(h1, W_l2)
    (agg2,) = _sc_agg(y2, ei2)
    out = _final(agg2, cnt, h1, W_r2, b_l2r, g2r, be2r, W_p, b_pr)
    return out.reshape(Bv, Nv, F)

# --- scband reference (transcript-rebuilt; emitter-appended) ---
"""Pipeline reference for scband-gnnnode-encoder-36721970381074 (READ-ONLY COPY).

The authoritative reference and input builder live on the scoring server;
editing this copy changes nothing except your own understanding.
"""

import jax, jax.numpy as jnp
import numpy as np

B, N, E = 4, 2500, 40000
IN, H, OUT = 256, 256, 256
EPS = 1e-5


def setup_inputs(seed: int = 0) -> dict:
    key = jax.random.key(seed)
    ks = jax.random.split(key, 16)
    x = jax.random.normal(ks[0], (B, N, IN), dtype=jnp.float32)
    edge_index = jax.random.randint(ks[1], (B, 2, E), 0, N, dtype=jnp.int32)
    def lin(k, fan_in, fan_out):
        bound = 1.0 / np.sqrt(fan_in)
        return jax.random.uniform(k, (fan_in, fan_out), dtype=jnp.float32, minval=-bound, maxval=bound)
    # SAGEConv layer 1: lin_l (aggregated neighbors, with bias), lin_r (root, no bias)
    W_l1 = lin(ks[2], IN, H)
    b_l1 = jnp.zeros((H,), dtype=jnp.float32)
    W_r1 = lin(ks[3], IN, H)
    ln1_g = jnp.ones((H,), dtype=jnp.float32)
    ln1_b = jnp.zeros((H,), dtype=jnp.float32)
    # SAGEConv layer 2
    W_l2 = lin(ks[4], H, H)
    b_l2 = jnp.zeros((H,), dtype=jnp.float32)
    W_r2 = lin(ks[5], H, H)
    ln2_g = jnp.ones((H,), dtype=jnp.float32)
    ln2_b = jnp.zeros((H,), dtype=jnp.float32)
    # final projection
    W_p = lin(ks[6], H, OUT)
    b_p = jnp.zeros((OUT,), dtype=jnp.float32)
    return {"x": x, "edge_index": edge_index,
            "W_l1": W_l1, "b_l1": b_l1, "W_r1": W_r1, "ln1_g": ln1_g, "ln1_b": ln1_b,
            "W_l2": W_l2, "b_l2": b_l2, "W_r2": W_r2, "ln2_g": ln2_g, "ln2_b": ln2_b,
            "W_p": W_p, "b_p": b_p}


def _sage_layer(x_flat, src, dst, W_l, b_l, W_r, ln_g, ln_b, num_nodes):
    # SAGEConv (mean aggregation): out = lin_l(mean_j x_j) + lin_r(x)
    msgs = jnp.take(x_flat, src, axis=0)
    summed = jax.ops.segment_sum(msgs, dst, num_segments=num_nodes)
    cnt = jax.ops.segment_sum(jnp.ones((src.shape[0], 1), dtype=x_flat.dtype), dst, num_segments=num_nodes)
    mean = summed / jnp.clip(cnt, 1.0, None)
    h = mean @ W_l + b_l + x_flat @ W_r
    # LayerNorm
    mu = jnp.mean(h, axis=-1, keepdims=True)
    var = jnp.var(h, axis=-1, keepdims=True)
    h = (h - mu) / jnp.sqrt(var + EPS) * ln_g + ln_b
    # ReLU
    return jax.nn.relu(h)


def reference(x, edge_index,
              W_l1, b_l1, W_r1, ln1_g, ln1_b,
              W_l2, b_l2, W_r2, ln2_g, ln2_b,
              W_p, b_p):
    Bv, Nv, _ = x.shape
    x_flat = x.reshape(Bv * Nv, -1)
    offsets = (jnp.arange(Bv, dtype=edge_index.dtype) * Nv).reshape(Bv, 1, 1)
    ei_flat = jnp.transpose(edge_index + offsets, (1, 0, 2)).reshape(2, -1)
    src, dst = ei_flat[0], ei_flat[1]
    num_nodes = Bv * Nv
    h = _sage_layer(x_flat, src, dst, W_l1, b_l1, W_r1, ln1_g, ln1_b, num_nodes)
    h = _sage_layer(h, src, dst, W_l2, b_l2, W_r2, ln2_g, ln2_b, num_nodes)
    out = h @ W_p + b_p
    return out.reshape(Bv, Nv, -1)

if __name__ == "__main__":
    import jax
    _d = setup_inputs()
    print(jax.jit(kernel)(*tuple(_d.values())))

</pallas_src>

<mosaic_0001>
#map = affine_map<(d0, d1) -> (0, 0)>
#map1 = affine_map<(d0, d1) -> (0, 0, 0)>
module attributes {stable_mosaic.version = 14 : i64} {
  func.func @_sc_count_body(%arg0: i32, %arg1: i32, %arg2: memref<2560x125xi32, #tpu.memory_space<hbm>>, %arg3: memref<2x10000x128xf32, #tpu.memory_space<hbm>>, %arg4: memref<40x125xi32, #tpu.memory_space<vmem>>, %arg5: memref<125x128xf32, #tpu.memory_space<vmem>>, %arg6: memref<10000x128xf32, #tpu.memory_space<vmem_shared>>, %arg7: memref<!tpu.dma_semaphore, #tpu.memory_space<semaphore_mem>>, %arg8: memref<!tpu.dma_semaphore, #tpu.memory_space<semaphore_mem>>) attributes {dimension_semantics = [#tpu.dimension_semantics<core_parallel>, #tpu.dimension_semantics<subcore_parallel>], iteration_bounds = array<i64: 2, 16>, scalar_prefetch = 0 : i64, scratch_operands = 5 : i64, tpu.core_type = #tpu.core_type<sc_vector_subcore>, window_params = [{transform_indices = #map}, {transform_indices = #map1}]} {
    %broadcast_in_dim3A = arith.constant 0.000000e+00 : f32
    %broadcast_in_dim3A_0 = vector.broadcast %broadcast_in_dim3A : f32 to vector<16xf32>
    %broadcast_in_dim3A_1 = arith.constant 1.000000e+00 : f32
    %broadcast_in_dim3A_2 = vector.broadcast %broadcast_in_dim3A_1 : f32 to vector<16xf32>
    %iota3A = tpu.iota {dimensions = array<i32: 0>} : vector<16xi32>
    %ge3A = arith.constant 3 : i32
    %ge3A_3 = vector.broadcast %ge3A : i32 to vector<16xi32>
    %ge3A_4 = arith.cmpi sge, %iota3A, %ge3A_3 : vector<16xi32>
    %mul3A = arith.constant 16 : i32
    %mul3A_5 = arith.muli %arg0, %mul3A : i32
    %add3A = arith.addi %mul3A_5, %arg1 : i32
    %jit3A = arith.constant 8 : i32
    %div3A = arith.divsi %add3A, %jit3A : i32
    %sign3A = arith.constant 0 : i32
    %sign3A_6 = arith.cmpi sgt, %add3A, %sign3A : i32
    %sign3A_7 = arith.extui %sign3A_6 : i1 to i32
    %sign3A_8 = arith.constant 0 : i32
    %sign3A_9 = arith.cmpi slt, %add3A, %sign3A_8 : i32
    %sign3A_10 = arith.extui %sign3A_9 : i1 to i32
    %sign3A_11 = arith.subi %sign3A_7, %sign3A_10 : i32
    %sign3A_12 = arith.constant 0 : i32
    %sign3A_13 = arith.cmpi sgt, %jit3A, %sign3A_12 : i32
    %sign3A_14 = arith.extui %sign3A_13 : i1 to i32
    %sign3A_15 = arith.constant 0 : i32
    %sign3A_16 = arith.cmpi slt, %jit3A, %sign3A_15 : i32
    %sign3A_17 = arith.extui %sign3A_16 : i1 to i32
    %sign3A_18 = arith.subi %sign3A_14, %sign3A_17 : i32
    %ne3A = arith.cmpi ne, %sign3A_11, %sign3A_18 : i32
    %rem3A = arith.remsi %add3A, %jit3A : i32
    %ne3A_19 = arith.constant 0 : i32
    %ne3A_20 = arith.cmpi ne, %rem3A, %ne3A_19 : i32
    %and3A = arith.andi %ne3A, %ne3A_20 : i1
    %sub3A = arith.constant 1 : i32
    %sub3A_21 = arith.subi %div3A, %sub3A : i32
    %select_n3A = arith.select %and3A, %sub3A_21, %div3A : i32
    %mul3A_22 = arith.constant 2500 : i32
    %mul3A_23 = arith.muli %select_n3A, %mul3A_22 : i32
    %mul3A_24 = arith.constant 2 : i32
    %mul3A_25 = arith.muli %mul3A_24, %select_n3A : i32
    %add3A_26 = arith.constant 1 : i32
    %add3A_27 = arith.addi %mul3A_25, %add3A_26 : i32
    %mul3A_28 = arith.constant 320 : i32
    %mul3A_29 = arith.muli %add3A_27, %mul3A_28 : i32
    %mul3A_30 = arith.constant 8 : i32
    %mul3A_31 = arith.muli %mul3A_30, %select_n3A : i32
    %sub3A_32 = arith.subi %add3A, %mul3A_31 : i32
    %mul3A_33 = arith.constant 40 : i32
    %mul3A_34 = arith.muli %sub3A_32, %mul3A_33 : i32
    %add3A_35 = arith.addi %mul3A_29, %mul3A_34 : i32
    "tpu.region"() ({
      %run_scoped3A = tpu.sem_alloc : memref<!tpu.dma_semaphore, #tpu.memory_space<semaphore_mem>>
      %dma_start3A = arith.constant 0 : i32
      %dma_start3A_80 = tpu.memref_slice %arg2[%add3A_35, %dma_start3A] : memref<2560x125xi32, #tpu.memory_space<hbm>> -> memref<40x125xi32, #tpu.memory_space<hbm>>
      %dma_start3A_81 = arith.constant 0 : i32
      %dma_start3A_82 = tpu.memref_slice %arg2[%add3A_35, %dma_start3A_81] : memref<2560x125xi32, #tpu.memory_space<hbm>> -> memref<40x125xi32, #tpu.memory_space<hbm>>
      tpu.enqueue_dma source(%dma_start3A_82 : memref<40x125xi32, #tpu.memory_space<hbm>>) target(%arg4 : memref<40x125xi32, #tpu.memory_space<vmem>>) target_semaphore(%run_scoped3A : memref<!tpu.dma_semaphore, #tpu.memory_space<semaphore_mem>>)
      %dma_wait3A_83 = arith.constant 0 : i32
      %dma_wait3A_84 = tpu.memref_slice %arg2[%add3A_35, %dma_wait3A_83] : memref<2560x125xi32, #tpu.memory_space<hbm>> -> memref<40x125xi32, #tpu.memory_space<hbm>>
      %dma_wait3A_85 = arith.constant 0 : i32
      %dma_wait3A_86 = tpu.memref_slice %arg2[%add3A_35, %dma_wait3A_85] : memref<2560x125xi32, #tpu.memory_space<hbm>> -> memref<40x125xi32, #tpu.memory_space<hbm>>
      tpu.wait_dma2 semaphore(%run_scoped3A : memref<!tpu.dma_semaphore, #tpu.memory_space<semaphore_mem>>) src(%dma_wait3A_86 : memref<40x125xi32, #tpu.memory_space<hbm>>) dst(%arg4 : memref<40x125xi32, #tpu.memory_space<vmem>>)
      tpu.yield
    }) : () -> ()
    %scan3A = arith.constant 0 : i32
    %scan3A_36 = arith.constant 0 : i32
    %scan3A_37 = arith.constant 40 : i32
    %scan3A_38 = arith.addi %scan3A_36, %scan3A_37 : i32
    %scan3A_39 = arith.constant 1 : i32
    scf.for %scan3A_80 = %scan3A_36 to %scan3A_38 step %scan3A_39  : i32 {
      %get3A = arith.index_cast %scan3A_80 : i32 to index
      %get3A_81 = arith.constant 0 : index
      %get3A_82 = tpu.vector_load %arg4[%get3A, %get3A_81] {strides = array<i32>} : memref<40x125xi32, #tpu.memory_space<vmem>>, vector<1x16xi32>,
      %get3A_83 = vector.shape_cast %get3A_82 : vector<1x16xi32> to vector<16xi32>
      %add3A_84 = vector.broadcast %mul3A_23 : i32 to vector<16xi32>
      %add3A_85 = arith.addi %get3A_83, %add3A_84 : vector<16xi32>
      %swap3A = arith.index_cast %scan3A_80 : i32 to index
      %swap3A_86 = arith.constant 0 : index
      %swap3A_87 = tpu.vector_load %arg4[%swap3A, %swap3A_86] {strides = array<i32>} : memref<40x125xi32, #tpu.memory_space<vmem>>, vector<1x16xi32>,
      %swap3A_88 = vector.shape_cast %swap3A_87 : vector<1x16xi32> to vector<16xi32>
      %swap3A_89 = vector.shape_cast %add3A_85 : vector<16xi32> to vector<1x16xi32>
      tpu.vector_store %arg4[%swap3A, %swap3A_86], %swap3A_89 {strides = array<i32>} : memref<40x125xi32, #tpu.memory_space<vmem>>, vector<1x16xi32>,
      %get3A_90 = arith.index_cast %scan3A_80 : i32 to index
      %get3A_91 = arith.constant 16 : index
      %get3A_92 = tpu.vector_load %arg4[%get3A_90, %get3A_91] {strides = array<i32>} : memref<40x125xi32, #tpu.memory_space<vmem>>, vector<1x16xi32>,
      %get3A_93 = vector.shape_cast %get3A_92 : vector<1x16xi32> to vector<16xi32>
      %add3A_94 = vector.broadcast %mul3A_23 : i32 to vector<16xi32>
      %add3A_95 = arith.addi %get3A_93, %add3A_94 : vector<16xi32>
      %swap3A_96 = arith.index_cast %scan3A_80 : i32 to index
      %swap3A_97 = arith.constant 16 : index
      %swap3A_98 = tpu.vector_load %arg4[%swap3A_96, %swap3A_97] {strides = array<i32>} : memref<40x125xi32, #tpu.memory_space<vmem>>, vector<1x16xi32>,
      %swap3A_99 = vector.shape_cast %swap3A_98 : vector<1x16xi32> to vector<16xi32>
      %swap3A_100 = vector.shape_cast %add3A_95 : vector<16xi32> to vector<1x16xi32>
      tpu.vector_store %arg4[%swap3A_96, %swap3A_97], %swap3A_100 {strides = array<i32>} : memref<40x125xi32, #tpu.memory_space<vmem>>, vector<1x16xi32>,
      %get3A_101 = arith.index_cast %scan3A_80 : i32 to index
      %get3A_102 = arith.constant 32 : index
      %get3A_103 = tpu.vector_load %arg4[%get3A_101, %get3A_102] {strides = array<i32>} : memref<40x125xi32, #tpu.memory_space<vmem>>, vector<1x16xi32>,
      %get3A_104 = vector.shape_cast %get3A_103 : vector<1x16xi32> to vector<16xi32>
      %add3A_105 = vector.broadcast %mul3A_23 : i32 to vector<16xi32>
      %add3A_106 = arith.addi %get3A_104, %add3A_105 : vector<16xi32>
      %swap3A_107 = arith.index_cast %scan3A_80 : i32 to index
      %swap3A_108 = arith.constant 32 : index
      %swap3A_109 = tpu.vector_load %arg4[%swap3A_107, %swap3A_108] {strides = array<i32>} : memref<40x125xi32, #tpu.memory_space<vmem>>, vector<1x16xi32>,
      %swap3A_110 = vector.shape_cast %swap3A_109 : vector<1x16xi32> to vector<16xi32>
      %swap3A_111 = vector.shape_cast %add3A_106 : vector<16xi32> to vector<1x16xi32>
      tpu.vector_store %arg4[%swap3A_107, %swap3A_108], %swap3A_111 {strides = array<i32>} : memref<40x125xi32, #tpu.memory_space<vmem>>, vector<1x16xi32>,
      %get3A_112 = arith.index_cast %scan3A_80 : i32 to index
      %get3A_113 = arith.constant 48 : index
      %get3A_114 = tpu.vector_load %arg4[%get3A_112, %get3A_113] {strides = array<i32>} : memref<40x125xi32, #tpu.memory_space<vmem>>, vector<1x16xi32>,
      %get3A_115 = vector.shape_cast %get3A_114 : vector<1x16xi32> to vector<16xi32>
      %add3A_116 = vector.broadcast %mul3A_23 : i32 to vector<16xi32>
      %add3A_117 = arith.addi %get3A_115, %add3A_116 : vector<16xi32>
      %swap3A_118 = arith.index_cast %scan3A_80 : i32 to index
      %swap3A_119 = arith.constant 48 : index
      %swap3A_120 = tpu.vector_load %arg4[%swap3A_118, %swap3A_119] {strides = array<i32>} : memref<40x125xi32, #tpu.memory_space<vmem>>, vector<1x16xi32>,
      %swap3A_121 = vector.shape_cast %swap3A_120 : vector<1x16xi32> to vector<16xi32>
      %swap3A_122 = vector.shape_cast %add3A_117 : vector<16xi32> to vector<1x16xi32>
      tpu.vector_store %arg4[%swap3A_118, %swap3A_119], %swap3A_122 {strides = array<i32>} : memref<40x125xi32, #tpu.memory_space<vmem>>, vector<1x16xi32>,
      %get3A_123 = arith.index_cast %scan3A_80 : i32 to index
      %get3A_124 = arith.constant 64 : index
      %get3A_125 = tpu.vector_load %arg4[%get3A_123, %get3A_124] {strides = array<i32>} : memref<40x125xi32, #tpu.memory_space<vmem>>, vector<1x16xi32>,
      %get3A_126 = vector.shape_cast %get3A_125 : vector<1x16xi32> to vector<16xi32>
      %add3A_127 = vector.broadcast %mul3A_23 : i32 to vector<16xi32>
      %add3A_128 = arith.addi %get3A_126, %add3A_127 : vector<16xi32>
      %swap3A_129 = arith.index_cast %scan3A_80 : i32 to index
      %swap3A_130 = arith.constant 64 : index
      %swap3A_131 = tpu.vector_load %arg4[%swap3A_129, %swap3A_130] {strides = array<i32>} : memref<40x125xi32, #tpu.memory_space<vmem>>, vector<1x16xi32>,
      %swap3A_132 = vector.shape_cast %swap3A_131 : vector<1x16xi32> to vector<16xi32>
      %swap3A_133 = vector.shape_cast %add3A_128 : vector<16xi32> to vector<1x16xi32>
      tpu.vector_store %arg4[%swap3A_129, %swap3A_130], %swap3A_133 {strides = array<i32>} : memref<40x125xi32, #tpu.memory_space<vmem>>, vector<1x16xi32>,
      %get3A_134 = arith.index_cast %scan3A_80 : i32 to index
      %get3A_135 = arith.constant 80 : index
      %get3A_136 = tpu.vector_load %arg4[%get3A_134, %get3A_135] {strides = array<i32>} : memref<40x125xi32, #tpu.memory_space<vmem>>, vector<1x16xi32>,
      %get3A_137 = vector.shape_cast %get3A_136 : vector<1x16xi32> to vector<16xi32>
      %add3A_138 = vector.broadcast %mul3A_23 : i32 to vector<16xi32>
      %add3A_139 = arith.addi %get3A_137, %add3A_138 : vector<16xi32>
      %swap3A_140 = arith.index_cast %scan3A_80 : i32 to index
      %swap3A_141 = arith.constant 80 : index
      %swap3A_142 = tpu.vector_load %arg4[%swap3A_140, %swap3A_141] {strides = array<i32>} : memref<40x125xi32, #tpu.memory_space<vmem>>, vector<1x16xi32>,
      %swap3A_143 = vector.shape_cast %swap3A_142 : vector<1x16xi32> to vector<16xi32>
      %swap3A_144 = vector.shape_cast %add3A_139 : vector<16xi32> to vector<1x16xi32>
      tpu.vector_store %arg4[%swap3A_140, %swap3A_141], %swap3A_144 {strides = array<i32>} : memref<40x125xi32, #tpu.memory_space<vmem>>, vector<1x16xi32>,
      %get3A_145 = arith.index_cast %scan3A_80 : i32 to index
      %get3A_146 = arith.constant 96 : index
      %get3A_147 = tpu.vector_load %arg4[%get3A_145, %get3A_146] {strides = array<i32>} : memref<40x125xi32, #tpu.memory_space<vmem>>, vector<1x16xi32>,
      %get3A_148 = vector.shape_cast %get3A_147 : vector<1x16xi32> to vector<16xi32>
      %add3A_149 = vector.broadcast %mul3A_23 : i32 to vector<16xi32>
      %add3A_150 = arith.addi %get3A_148, %add3A_149 : vector<16xi32>
      %swap3A_151 = arith.index_cast %scan3A_80 : i32 to index
      %swap3A_152 = arith.constant 96 : index
      %swap3A_153 = tpu.vector_load %arg4[%swap3A_151, %swap3A_152] {strides = array<i32>} : memref<40x125xi32, #tpu.memory_space<vmem>>, vector<1x16xi32>,
      %swap3A_154 = vector.shape_cast %swap3A_153 : vector<1x16xi32> to vector<16xi32>
      %swap3A_155 = vector.shape_cast %add3A_150 : vector<16xi32> to vector<1x16xi32>
      tpu.vector_store %arg4[%swap3A_151, %swap3A_152], %swap3A_155 {strides = array<i32>} : memref<40x125xi32, #tpu.memory_space<vmem>>, vector<1x16xi32>,
      %get3A_156 = arith.index_cast %scan3A_80 : i32 to index
      %get3A_157 = arith.constant 109 : index
      %get3A_158 = tpu.vector_load %arg4[%get3A_156, %get3A_157] {strides = array<i32>} : memref<40x125xi32, #tpu.memory_space<vmem>>, vector<1x16xi32>,
      %get3A_159 = vector.shape_cast %get3A_158 : vector<1x16xi32> to vector<16xi32>
      %add3A_160 = vector.broadcast %mul3A_23 : i32 to vector<16xi32>
      %add3A_161 = arith.addi %get3A_159, %add3A_160 : vector<16xi32>
      %select_n3A_162 = arith.select %ge3A_4, %add3A_161, %get3A_159 : vector<16xi1>, vector<16xi32>
      %swap3A_163 = arith.index_cast %scan3A_80 : i32 to index
      %swap3A_164 = arith.constant 109 : index
      %swap3A_165 = tpu.vector_load %arg4[%swap3A_163, %swap3A_164] {strides = array<i32>} : memref<40x125xi32, #tpu.memory_space<vmem>>, vector<1x16xi32>,
      %swap3A_166 = vector.shape_cast %swap3A_165 : vector<1x16xi32> to vector<16xi32>
      %swap3A_167 = vector.shape_cast %select_n3A_162 : vector<16xi32> to vector<1x16xi32>
      tpu.vector_store %arg4[%swap3A_163, %swap3A_164], %swap3A_167 {strides = array<i32>} : memref<40x125xi32, #tpu.memory_space<vmem>>, vector<1x16xi32>,
    }
    %scan3A_40 = arith.constant 40 : i32
    %scan3A_41 = arith.constant 0 : i32
    %scan3A_42 = arith.constant 0 : i32
    %scan3A_43 = arith.constant 125 : i32
    %scan3A_44 = arith.addi %scan3A_42, %scan3A_43 : i32
    %scan3A_45 = arith.constant 1 : i32
    scf.for %scan3A_80 = %scan3A_42 to %scan3A_44 step %scan3A_45  : i32 {
      %swap3A = arith.index_cast %scan3A_80 : i32 to index
      %swap3A_81 = arith.constant 0 : index
      %swap3A_82 = tpu.vector_load %arg5[%swap3A, %swap3A_81] {strides = array<i32>} : memref<125x128xf32, #tpu.memory_space<vmem>>, vector<1x16xf32>,
      %swap3A_83 = vector.shape_cast %swap3A_82 : vector<1x16xf32> to vector<16xf32>
      %swap3A_84 = vector.shape_cast %broadcast_in_dim3A_0 : vector<16xf32> to vector<1x16xf32>
      tpu.vector_store %arg5[%swap3A, %swap3A_81], %swap3A_84 {strides = array<i32>} : memref<125x128xf32, #tpu.memory_space<vmem>>, vector<1x16xf32>,
      %swap3A_85 = arith.index_cast %scan3A_80 : i32 to index
      %swap3A_86 = arith.constant 16 : index
      %swap3A_87 = tpu.vector_load %arg5[%swap3A_85, %swap3A_86] {strides = array<i32>} : memref<125x128xf32, #tpu.memory_space<vmem>>, vector<1x16xf32>,
      %swap3A_88 = vector.shape_cast %swap3A_87 : vector<1x16xf32> to vector<16xf32>
      %swap3A_89 = vector.shape_cast %broadcast_in_dim3A_0 : vector<16xf32> to vector<1x16xf32>
      tpu.vector_store %arg5[%swap3A_85, %swap3A_86], %swap3A_89 {strides = array<i32>} : memref<125x128xf32, #tpu.memory_space<vmem>>, vector<1x16xf32>,
      %swap3A_90 = arith.index_cast %scan3A_80 : i32 to index
      %swap3A_91 = arith.constant 32 : index
      %swap3A_92 = tpu.vector_load %arg5[%swap3A_90, %swap3A_91] {strides = array<i32>} : memref<125x128xf32, #tpu.memory_space<vmem>>, vector<1x16xf32>,
      %swap3A_93 = vector.shape_cast %swap3A_92 : vector<1x16xf32> to vector<16xf32>
      %swap3A_94 = vector.shape_cast %broadcast_in_dim3A_0 : vector<16xf32> to vector<1x16xf32>
      tpu.vector_store %arg5[%swap3A_90, %swap3A_91], %swap3A_94 {strides = array<i32>} : memref<125x128xf32, #tpu.memory_space<vmem>>, vector<1x16xf32>,
      %swap3A_95 = arith.index_cast %scan3A_80 : i32 to index
      %swap3A_96 = arith.constant 48 : index
      %swap3A_97 = tpu.vector_load %arg5[%swap3A_95, %swap3A_96] {strides = array<i32>} : memref<125x128xf32, #tpu.memory_space<vmem>>, vector<1x16xf32>,
      %swap3A_98 = vector.shape_cast %swap3A_97 : vector<1x16xf32> to vector<16xf32>
      %swap3A_99 = vector.shape_cast %broadcast_in_dim3A_0 : vector<16xf32> to vector<1x16xf32>
      tpu.vector_store %arg5[%swap3A_95, %swap3A_96], %swap3A_99 {strides = array<i32>} : memref<125x128xf32, #tpu.memory_space<vmem>>, vector<1x16xf32>,
      %swap3A_100 = arith.index_cast %scan3A_80 : i32 to index
      %swap3A_101 = arith.constant 64 : index
      %swap3A_102 = tpu.vector_load %arg5[%swap3A_100, %swap3A_101] {strides = array<i32>} : memref<125x128xf32, #tpu.memory_space<vmem>>, vector<1x16xf32>,
      %swap3A_103 = vector.shape_cast %swap3A_102 : vector<1x16xf32> to vector<16xf32>
      %swap3A_104 = vector.shape_cast %broadcast_in_dim3A_0 : vector<16xf32> to vector<1x16xf32>
      tpu.vector_store %arg5[%swap3A_100, %swap3A_101], %swap3A_104 {strides = array<i32>} : memref<125x128xf32, #tpu.memory_space<vmem>>, vector<1x16xf32>,
      %swap3A_105 = arith.index_cast %scan3A_80 : i32 to index
      %swap3A_106 = arith.constant 80 : index
      %swap3A_107 = tpu.vector_load %arg5[%swap3A_105, %swap3A_106] {strides = array<i32>} : memref<125x128xf32, #tpu.memory_space<vmem>>, vector<1x16xf32>,
      %swap3A_108 = vector.shape_cast %swap3A_107 : vector<1x16xf32> to vector<16xf32>
      %swap3A_109 = vector.shape_cast %broadcast_in_dim3A_0 : vector<16xf32> to vector<1x16xf32>
      tpu.vector_store %arg5[%swap3A_105, %swap3A_106], %swap3A_109 {strides = array<i32>} : memref<125x128xf32, #tpu.memory_space<vmem>>, vector<1x16xf32>,
      %swap3A_110 = arith.index_cast %scan3A_80 : i32 to index
      %swap3A_111 = arith.constant 96 : index
      %swap3A_112 = tpu.vector_load %arg5[%swap3A_110, %swap3A_111] {strides = array<i32>} : memref<125x128xf32, #tpu.memory_space<vmem>>, vector<1x16xf32>,
      %swap3A_113 = vector.shape_cast %swap3A_112 : vector<1x16xf32> to vector<16xf32>
      %swap3A_114 = vector.shape_cast %broadcast_in_dim3A_0 : vector<16xf32> to vector<1x16xf32>
      tpu.vector_store %arg5[%swap3A_110, %swap3A_111], %swap3A_114 {strides = array<i32>} : memref<125x128xf32, #tpu.memory_space<vmem>>, vector<1x16xf32>,
      %swap3A_115 = arith.index_cast %scan3A_80 : i32 to index
      %swap3A_116 = arith.constant 112 : index
      %swap3A_117 = tpu.vector_load %arg5[%swap3A_115, %swap3A_116] {strides = array<i32>} : memref<125x128xf32, #tpu.memory_space<vmem>>, vector<1x16xf32>,
      %swap3A_118 = vector.shape_cast %swap3A_117 : vector<1x16xf32> to vector<16xf32>
      %swap3A_119 = vector.shape_cast %broadcast_in_dim3A_0 : vector<16xf32> to vector<1x16xf32>
      tpu.vector_store %arg5[%swap3A_115, %swap3A_116], %swap3A_119 {strides = array<i32>} : memref<125x128xf32, #tpu.memory_space<vmem>>, vector<1x16xf32>,
    }
    %scan3A_46 = arith.constant 125 : i32
    %lt3A = arith.constant 10 : i32
    %lt3A_47 = arith.cmpi slt, %arg1, %lt3A : i32
    %convert_element_type3A = arith.extui %lt3A_47 : i1 to i32
    %cond3A = arith.constant 0 : i32
    %cond3A_48 = arith.cmpi ne, %convert_element_type3A, %cond3A : i32
    scf.if %cond3A_48 {
      %mul3A_80 = arith.constant 1000 : i32
      %mul3A_81 = arith.muli %arg1, %mul3A_80 : i32
      %add3A_82 = arith.constant 0 : i32
      %add3A_83 = arith.addi %mul3A_81, %add3A_82 : i32
      "tpu.region"() ({
        %run_scoped3A = tpu.sem_alloc : memref<!tpu.dma_semaphore, #tpu.memory_space<semaphore_mem>>
        %dma_start3A = arith.constant 0 : i32
        %dma_start3A_112 = tpu.memref_slice %arg6[%add3A_83, %dma_start3A] : memref<10000x128xf32, #tpu.memory_space<vmem_shared>> -> memref<125x128xf32, #tpu.memory_space<vmem_shared>>
        %dma_start3A_113 = arith.constant 0 : i32
        %dma_start3A_114 = tpu.memref_slice %arg6[%add3A_83, %dma_start3A_113] : memref<10000x128xf32, #tpu.memory_space<vmem_shared>> -> memref<125x128xf32, #tpu.memory_space<vmem_shared>>
        tpu.enqueue_dma source(%arg5 : memref<125x128xf32, #tpu.memory_space<vmem>>) target(%dma_start3A_114 : memref<125x128xf32, #tpu.memory_space<vmem_shared>>) target_semaphore(%run_scoped3A : memref<!tpu.dma_semaphore, #tpu.memory_space<semaphore_mem>>)
        %dma_wait3A_115 = arith.constant 0 : i32
        %dma_wait3A_116 = tpu.memref_slice %arg6[%add3A_83, %dma_wait3A_115] : memref<10000x128xf32, #tpu.memory_space<vmem_shared>> -> memref<125x128xf32, #tpu.memory_space<vmem_shared>>
        %dma_wait3A_117 = arith.constant 0 : i32
        %dma_wait3A_118 = tpu.memref_slice %arg6[%add3A_83, %dma_wait3A_117] : memref<10000x128xf32, #tpu.memory_space<vmem_shared>> -> memref<125x128xf32, #tpu.memory_space<vmem_shared>>
        tpu.wait_dma2 semaphore(%run_scoped3A : memref<!tpu.dma_semaphore, #tpu.memory_space<semaphore_mem>>) src(%arg5 : memref<125x128xf32, #tpu.memory_space<vmem>>) dst(%dma_wait3A_118 : memref<125x128xf32, #tpu.memory_space<vmem_shared>>)
        tpu.yield
      }) : () -> ()
      %mul3A_84 = arith.constant 1000 : i32
      %mul3A_85 = arith.muli %arg1, %mul3A_84 : i32
      %add3A_86 = arith.constant 125 : i32
      %add3A_87 = arith.addi %mul3A_85, %add3A_86 : i32
      "tpu.region"() ({
        %run_scoped3A = tpu.sem_alloc : memref<!tpu.dma_semaphore, #tpu.memory_space<semaphore_mem>>
        %dma_start3A = arith.constant 0 : i32
        %dma_start3A_112 = tpu.memref_slice %arg6[%add3A_87, %dma_start3A] : memref<10000x128xf32, #tpu.memory_space<vmem_shared>> -> memref<125x128xf32, #tpu.memory_space<vmem_shared>>
        %dma_start3A_113 = arith.constant 0 : i32
        %dma_start3A_114 = tpu.memref_slice %arg6[%add3A_87, %dma_start3A_113] : memref<10000x128xf32, #tpu.memory_space<vmem_shared>> -> memref<125x128xf32, #tpu.memory_space<vmem_shared>>
        tpu.enqueue_dma source(%arg5 : memref<125x128xf32, #tpu.memory_space<vmem>>) target(%dma_start3A_114 : memref<125x128xf32, #tpu.memory_space<vmem_shared>>) target_semaphore(%run_scoped3A : memref<!tpu.dma_semaphore, #tpu.memory_space<semaphore_mem>>)
        %dma_wait3A_115 = arith.constant 0 : i32
        %dma_wait3A_116 = tpu.memref_slice %arg6[%add3A_87, %dma_wait3A_115] : memref<10000x128xf32, #tpu.memory_space<vmem_shared>> -> memref<125x128xf32, #tpu.memory_space<vmem_shared>>
        %dma_wait3A_117 = arith.constant 0 : i32
        %dma_wait3A_118 = tpu.memref_slice %arg6[%add3A_87, %dma_wait3A_117] : memref<10000x128xf32, #tpu.memory_space<vmem_shared>> -> memref<125x128xf32, #tpu.memory_space<vmem_shared>>
        tpu.wait_dma2 semaphore(%run_scoped3A : memref<!tpu.dma_semaphore, #tpu.memory_space<semaphore_mem>>) src(%arg5 : memref<125x128xf32, #tpu.memory_space<vmem>>) dst(%dma_wait3A_118 : memref<125x128xf32, #tpu.memory_space<vmem_shared>>)
        tpu.yield
      }) : () -> ()
      %mul3A_88 = arith.constant 1000 : i32
      %mul3A_89 = arith.muli %arg1, %mul3A_88 : i32
      %add3A_90 = arith.constant 250 : i32
      %add3A_91 = arith.addi %mul3A_89, %add3A_90 : i32
      "tpu.region"() ({
        %run_scoped3A = tpu.sem_alloc : memref<!tpu.dma_semaphore, #tpu.memory_space<semaphore_mem>>
        %dma_start3A = arith.constant 0 : i32
        %dma_start3A_112 = tpu.memref_slice %arg6[%add3A_91, %dma_start3A] : memref<10000x128xf32, #tpu.memory_space<vmem_shared>> -> memref<125x128xf32, #tpu.memory_space<vmem_shared>>
        %dma_start3A_113 = arith.constant 0 : i32
        %dma_start3A_114 = tpu.memref_slice %arg6[%add3A_91, %dma_start3A_113] : memref<10000x128xf32, #tpu.memory_space<vmem_shared>> -> memref<125x128xf32, #tpu.memory_space<vmem_shared>>
        tpu.enqueue_dma source(%arg5 : memref<125x128xf32, #tpu.memory_space<vmem>>) target(%dma_start3A_114 : memref<125x128xf32, #tpu.memory_space<vmem_shared>>) target_semaphore(%run_scoped3A : memref<!tpu.dma_semaphore, #tpu.memory_space<semaphore_mem>>)
        %dma_wait3A_115 = arith.constant 0 : i32
        %dma_wait3A_116 = tpu.memref_slice %arg6[%add3A_91, %dma_wait3A_115] : memref<10000x128xf32, #tpu.memory_space<vmem_shared>> -> memref<125x128xf32, #tpu.memory_space<vmem_shared>>
        %dma_wait3A_117 = arith.constant 0 : i32
        %dma_wait3A_118 = tpu.memref_slice %arg6[%add3A_91, %dma_wait3A_117] : memref<10000x128xf32, #tpu.memory_space<vmem_shared>> -> memref<125x128xf32, #tpu.memory_space<vmem_shared>>
        tpu.wait_dma2 semaphore(%run_scoped3A : memref<!tpu.dma_semaphore, #tpu.memory_space<semaphore_mem>>) src(%arg5 : memref<125x128xf32, #tpu.memory_space<vmem>>) dst(%dma_wait3A_118 : memref<125x128xf32, #tpu.memory_space<vmem_shared>>)
        tpu.yield
      }) : () -> ()
      %mul3A_92 = arith.constant 1000 : i32
      %mul3A_93 = arith.muli %arg1, %mul3A_92 : i32
      %add3A_94 = arith.constant 375 : i32
      %add3A_95 = arith.addi %mul3A_93, %add3A_94 : i32
      "tpu.region"() ({
        %run_scoped3A = tpu.sem_alloc : memref<!tpu.dma_semaphore, #tpu.memory_space<semaphore_mem>>
        %dma_start3A = arith.constant 0 : i32
        %dma_start3A_112 = tpu.memref_slice %arg6[%add3A_95, %dma_start3A] : memref<10000x128xf32, #tpu.memory_space<vmem_shared>> -> memref<125x128xf32, #tpu.memory_space<vmem_shared>>
        %dma_start3A_113 = arith.constant 0 : i32
        %dma_start3A_114 = tpu.memref_slice %arg6[%add3A_95, %dma_start3A_113] : memref<10000x128xf32, #tpu.memory_space<vmem_shared>> -> memref<125x128xf32, #tpu.memory_space<vmem_shared>>
        tpu.enqueue_dma source(%arg5 : memref<125x128xf32, #tpu.memory_space<vmem>>) target(%dma_start3A_114 : memref<125x128xf32, #tpu.memory_space<vmem_shared>>) target_semaphore(%run_scoped3A : memref<!tpu.dma_semaphore, #tpu.memory_space<semaphore_mem>>)
        %dma_wait3A_115 = arith.constant 0 : i32
        %dma_wait3A_116 = tpu.memref_slice %arg6[%add3A_95, %dma_wait3A_115] : memref<10000x128xf32, #tpu.memory_space<vmem_shared>> -> memref<125x128xf32, #tpu.memory_space<vmem_shared>>
        %dma_wait3A_117 = arith.constant 0 : i32
        %dma_wait3A_118 = tpu.memref_slice %arg6[%add3A_95, %dma_wait3A_117] : memref<10000x128xf32, #tpu.memory_space<vmem_shared>> -> memref<125x128xf32, #tpu.memory_space<vmem_shared>>
        tpu.wait_dma2 semaphore(%run_scoped3A : memref<!tpu.dma_semaphore, #tpu.memory_space<semaphore_mem>>) src(%arg5 : memref<125x128xf32, #tpu.memory_space<vmem>>) dst(%dma_wait3A_118 : memref<125x128xf32, #tpu.memory_space<vmem_shared>>)
        tpu.yield
      }) : () -> ()
      %mul3A_96 = arith.constant 1000 : i32
      %mul3A_97 = arith.muli %arg1, %mul3A_96 : i32
      %add3A_98 = arith.constant 500 : i32
      %add3A_99 = arith.addi %mul3A_97, %add3A_98 : i32
      "tpu.region"() ({
        %run_scoped3A = tpu.sem_alloc : memref<!tpu.dma_semaphore, #tpu.memory_space<semaphore_mem>>
        %dma_start3A = arith.constant 0 : i32
        %dma_start3A_112 = tpu.memref_slice %arg6[%add3A_99, %dma_start3A] : memref<10000x128xf32, #tpu.memory_space<vmem_shared>> -> memref<125x128xf32, #tpu.memory_space<vmem_shared>>
        %dma_start3A_113 = arith.constant 0 : i32
        %dma_start3A_114 = tpu.memref_slice %arg6[%add3A_99, %dma_start3A_113] : memref<10000x128xf32, #tpu.memory_space<vmem_shared>> -> memref<125x128xf32, #tpu.memory_space<vmem_shared>>
        tpu.enqueue_dma source(%arg5 : memref<125x128xf32, #tpu.memory_space<vmem>>) target(%dma_start3A_114 : memref<125x128xf32, #tpu.memory_space<vmem_shared>>) target_semaphore(%run_scoped3A : memref<!tpu.dma_semaphore, #tpu.memory_space<semaphore_mem>>)
        %dma_wait3A_115 = arith.constant 0 : i32
        %dma_wait3A_116 = tpu.memref_slice %arg6[%add3A_99, %dma_wait3A_115] : memref<10000x128xf32, #tpu.memory_space<vmem_shared>> -> memref<125x128xf32, #tpu.memory_space<vmem_shared>>
        %dma_wait3A_117 = arith.constant 0 : i32
        %dma_wait3A_118 = tpu.memref_slice %arg6[%add3A_99, %dma_wait3A_117] : memref<10000x128xf32, #tpu.memory_space<vmem_shared>> -> memref<125x128xf32, #tpu.memory_space<vmem_shared>>
        tpu.wait_dma2 semaphore(%run_scoped3A : memref<!tpu.dma_semaphore, #tpu.memory_space<semaphore_mem>>) src(%arg5 : memref<125x128xf32, #tpu.memory_space<vmem>>) dst(%dma_wait3A_118 : memref<125x128xf32, #tpu.memory_space<vmem_shared>>)
        tpu.yield
      }) : () -> ()
      %mul3A_100 = arith.constant 1000 : i32
      %mul3A_101 = arith.muli %arg1, %mul3A_100 : i32
      %add3A_102 = arith.constant 625 : i32
      %add3A_103 = arith.addi %mul3A_101, %add3A_102 : i32
      "tpu.region"() ({
        %run_scoped3A = tpu.sem_alloc : memref<!tpu.dma_semaphore, #tpu.memory_space<semaphore_mem>>
        %dma_start3A = arith.constant 0 : i32
        %dma_start3A_112 = tpu.memref_slice %arg6[%add3A_103, %dma_start3A] : memref<10000x128xf32, #tpu.memory_space<vmem_shared>> -> memref<125x128xf32, #tpu.memory_space<vmem_shared>>
        %dma_start3A_113 = arith.constant 0 : i32
        %dma_start3A_114 = tpu.memref_slice %arg6[%add3A_103, %dma_start3A_113] : memref<10000x128xf32, #tpu.memory_space<vmem_shared>> -> memref<125x128xf32, #tpu.memory_space<vmem_shared>>
        tpu.enqueue_dma source(%arg5 : memref<125x128xf32, #tpu.memory_space<vmem>>) target(%dma_start3A_114 : memref<125x128xf32, #tpu.memory_space<vmem_shared>>) target_semaphore(%run_scoped3A : memref<!tpu.dma_semaphore, #tpu.memory_space<semaphore_mem>>)
        %dma_wait3A_115 = arith.constant 0 : i32
        %dma_wait3A_116 = tpu.memref_slice %arg6[%add3A_103, %dma_wait3A_115] : memref<10000x128xf32, #tpu.memory_space<vmem_shared>> -> memref<125x128xf32, #tpu.memory_space<vmem_shared>>
        %dma_wait3A_117 = arith.constant 0 : i32
        %dma_wait3A_118 = tpu.memref_slice %arg6[%add3A_103, %dma_wait3A_117] : memref<10000x128xf32, #tpu.memory_space<vmem_shared>> -> memref<125x128xf32, #tpu.memory_space<vmem_shared>>
        tpu.wait_dma2 semaphore(%run_scoped3A : memref<!tpu.dma_semaphore, #tpu.memory_space<semaphore_mem>>) src(%arg5 : memref<125x128xf32, #tpu.memory_space<vmem>>) dst(%dma_wait3A_118 : memref<125x128xf32, #tpu.memory_space<vmem_shared>>)
        tpu.yield
      }) : () -> ()
      %mul3A_104 = arith.constant 1000 : i32
      %mul3A_105 = arith.muli %arg1, %mul3A_104 : i32
      %add3A_106 = arith.constant 750 : i32
      %add3A_107 = arith.addi %mul3A_105, %add3A_106 : i32
      "tpu.region"() ({
        %run_scoped3A = tpu.sem_alloc : memref<!tpu.dma_semaphore, #tpu.memory_space<semaphore_mem>>
        %dma_start3A = arith.constant 0 : i32
        %dma_start3A_112 = tpu.memref_slice %arg6[%add3A_107, %dma_start3A] : memref<10000x128xf32, #tpu.memory_space<vmem_shared>> -> memref<125x128xf32, #tpu.memory_space<vmem_shared>>
        %dma_start3A_113 = arith.constant 0 : i32
        %dma_start3A_114 = tpu.memref_slice %arg6[%add3A_107, %dma_start3A_113] : memref<10000x128xf32, #tpu.memory_space<vmem_shared>> -> memref<125x128xf32, #tpu.memory_space<vmem_shared>>
        tpu.enqueue_dma source(%arg5 : memref<125x128xf32, #tpu.memory_space<vmem>>) target(%dma_start3A_114 : memref<125x128xf32, #tpu.memory_space<vmem_shared>>) target_semaphore(%run_scoped3A : memref<!tpu.dma_semaphore, #tpu.memory_space<semaphore_mem>>)
        %dma_wait3A_115 = arith.constant 0 : i32
        %dma_wait3A_116 = tpu.memref_slice %arg6[%add3A_107, %dma_wait3A_115] : memref<10000x128xf32, #tpu.memory_space<vmem_shared>> -> memref<125x128xf32, #tpu.memory_space<vmem_shared>>
        %dma_wait3A_117 = arith.constant 0 : i32
        %dma_wait3A_118 = tpu.memref_slice %arg6[%add3A_107, %dma_wait3A_117] : memref<10000x128xf32, #tpu.memory_space<vmem_shared>> -> memref<125x128xf32, #tpu.memory_space<vmem_shared>>
        tpu.wait_dma2 semaphore(%run_scoped3A : memref<!tpu.dma_semaphore, #tpu.memory_space<semaphore_mem>>) src(%arg5 : memref<125x128xf32, #tpu.memory_space<vmem>>) dst(%dma_wait3A_118 : memref<125x128xf32, #tpu.memory_space<vmem_shared>>)
        tpu.yield
      }) : () -> ()
      %mul3A_108 = arith.constant 1000 : i32
      %mul3A_109 = arith.muli %arg1, %mul3A_108 : i32
      %add3A_110 = arith.constant 875 : i32
      %add3A_111 = arith.addi %mul3A_109, %add3A_110 : i32
      "tpu.region"() ({
        %run_scoped3A = tpu.sem_alloc : memref<!tpu.dma_semaphore, #tpu.memory_space<semaphore_mem>>
        %dma_start3A = arith.constant 0 : i32
        %dma_start3A_112 = tpu.memref_slice %arg6[%add3A_111, %dma_start3A] : memref<10000x128xf32, #tpu.memory_space<vmem_shared>> -> memref<125x128xf32, #tpu.memory_space<vmem_shared>>
        %dma_start3A_113 = arith.constant 0 : i32
        %dma_start3A_114 = tpu.memref_slice %arg6[%add3A_111, %dma_start3A_113] : memref<10000x128xf32, #tpu.memory_space<vmem_shared>> -> memref<125x128xf32, #tpu.memory_space<vmem_shared>>
        tpu.enqueue_dma source(%arg5 : memref<125x128xf32, #tpu.memory_space<vmem>>) target(%dma_start3A_114 : memref<125x128xf32, #tpu.memory_space<vmem_shared>>) target_semaphore(%run_scoped3A : memref<!tpu.dma_semaphore, #tpu.memory_space<semaphore_mem>>)
        %dma_wait3A_115 = arith.constant 0 : i32
        %dma_wait3A_116 = tpu.memref_slice %arg6[%add3A_111, %dma_wait3A_115] : memref<10000x128xf32, #tpu.memory_space<vmem_shared>> -> memref<125x128xf32, #tpu.memory_space<vmem_shared>>
        %dma_wait3A_117 = arith.constant 0 : i32
        %dma_wait3A_118 = tpu.memref_slice %arg6[%add3A_111, %dma_wait3A_117] : memref<10000x128xf32, #tpu.memory_space<vmem_shared>> -> memref<125x128xf32, #tpu.memory_space<vmem_shared>>
        tpu.wait_dma2 semaphore(%run_scoped3A : memref<!tpu.dma_semaphore, #tpu.memory_space<semaphore_mem>>) src(%arg5 : memref<125x128xf32, #tpu.memory_space<vmem>>) dst(%dma_wait3A_118 : memref<125x128xf32, #tpu.memory_space<vmem_shared>>)
        tpu.yield
      }) : () -> ()
    } else {
    }
    %scan3A_49 = arith.constant 0 : i32
    %scan3A_50 = arith.constant 0 : i32
    %scan3A_51 = arith.constant 125 : i32
    %scan3A_52 = arith.addi %scan3A_50, %scan3A_51 : i32
    %scan3A_53 = arith.constant 1 : i32
    scf.for %scan3A_80 = %scan3A_50 to %scan3A_52 step %scan3A_53  : i32 {
      %swap3A = arith.index_cast %scan3A_80 : i32 to index
      %swap3A_81 = arith.constant 0 : index
      %swap3A_82 = tpu.vector_load %arg5[%swap3A, %swap3A_81] {strides = array<i32>} : memref<125x128xf32, #tpu.memory_space<vmem>>, vector<1x16xf32>,
      %swap3A_83 = vector.shape_cast %swap3A_82 : vector<1x16xf32> to vector<16xf32>
      %swap3A_84 = vector.shape_cast %broadcast_in_dim3A_2 : vector<16xf32> to vector<1x16xf32>
      tpu.vector_store %arg5[%swap3A, %swap3A_81], %swap3A_84 {strides = array<i32>} : memref<125x128xf32, #tpu.memory_space<vmem>>, vector<1x16xf32>,
      %swap3A_85 = arith.index_cast %scan3A_80 : i32 to index
      %swap3A_86 = arith.constant 16 : index
      %swap3A_87 = tpu.vector_load %arg5[%swap3A_85, %swap3A_86] {strides = array<i32>} : memref<125x128xf32, #tpu.memory_space<vmem>>, vector<1x16xf32>,
      %swap3A_88 = vector.shape_cast %swap3A_87 : vector<1x16xf32> to vector<16xf32>
      %swap3A_89 = vector.shape_cast %broadcast_in_dim3A_2 : vector<16xf32> to vector<1x16xf32>
      tpu.vector_store %arg5[%swap3A_85, %swap3A_86], %swap3A_89 {strides = array<i32>} : memref<125x128xf32, #tpu.memory_space<vmem>>, vector<1x16xf32>,
      %swap3A_90 = arith.index_cast %scan3A_80 : i32 to index
      %swap3A_91 = arith.constant 32 : index
      %swap3A_92 = tpu.vector_load %arg5[%swap3A_90, %swap3A_91] {strides = array<i32>} : memref<125x128xf32, #tpu.memory_space<vmem>>, vector<1x16xf32>,
      %swap3A_93 = vector.shape_cast %swap3A_92 : vector<1x16xf32> to vector<16xf32>
      %swap3A_94 = vector.shape_cast %broadcast_in_dim3A_2 : vector<16xf32> to vector<1x16xf32>
      tpu.vector_store %arg5[%swap3A_90, %swap3A_91], %swap3A_94 {strides = array<i32>} : memref<125x128xf32, #tpu.memory_space<vmem>>, vector<1x16xf32>,
      %swap3A_95 = arith.index_cast %scan3A_80 : i32 to index
      %swap3A_96 = arith.constant 48 : index
      %swap3A_97 = tpu.vector_load %arg5[%swap3A_95, %swap3A_96] {strides = array<i32>} : memref<125x128xf32, #tpu.memory_space<vmem>>, vector<1x16xf32>,
      %swap3A_98 = vector.shape_cast %swap3A_97 : vector<1x16xf32> to vector<16xf32>
      %swap3A_99 = vector.shape_cast %broadcast_in_dim3A_2 : vector<16xf32> to vector<1x16xf32>
      tpu.vector_store %arg5[%swap3A_95, %swap3A_96], %swap3A_99 {strides = array<i32>} : memref<125x128xf32, #tpu.memory_space<vmem>>, vector<1x16xf32>,
      %swap3A_100 = arith.index_cast %scan3A_80 : i32 to index
      %swap3A_101 = arith.constant 64 : index
      %swap3A_102 = tpu.vector_load %arg5[%swap3A_100, %swap3A_101] {strides = array<i32>} : memref<125x128xf32, #tpu.memory_space<vmem>>, vector<1x16xf32>,
      %swap3A_103 = vector.shape_cast %swap3A_102 : vector<1x16xf32> to vector<16xf32>
      %swap3A_104 = vector.shape_cast %broadcast_in_dim3A_2 : vector<16xf32> to vector<1x16xf32>
      tpu.vector_store %arg5[%swap3A_100, %swap3A_101], %swap3A_104 {strides = array<i32>} : memref<125x128xf32, #tpu.memory_space<vmem>>, vector<1x16xf32>,
      %swap3A_105 = arith.index_cast %scan3A_80 : i32 to index
      %swap3A_106 = arith.constant 80 : index
      %swap3A_107 = tpu.vector_load %arg5[%swap3A_105, %swap3A_106] {strides = array<i32>} : memref<125x128xf32, #tpu.memory_space<vmem>>, vector<1x16xf32>,
      %swap3A_108 = vector.shape_cast %swap3A_107 : vector<1x16xf32> to vector<16xf32>
      %swap3A_109 = vector.shape_cast %broadcast_in_dim3A_2 : vector<16xf32> to vector<1x16xf32>
      tpu.vector_store %arg5[%swap3A_105, %swap3A_106], %swap3A_109 {strides = array<i32>} : memref<125x128xf32, #tpu.memory_space<vmem>>, vector<1x16xf32>,
      %swap3A_110 = arith.index_cast %scan3A_80 : i32 to index
      %swap3A_111 = arith.constant 96 : index
      %swap3A_112 = tpu.vector_load %arg5[%swap3A_110, %swap3A_111] {strides = array<i32>} : memref<125x128xf32, #tpu.memory_space<vmem>>, vector<1x16xf32>,
      %swap3A_113 = vector.shape_cast %swap3A_112 : vector<1x16xf32> to vector<16xf32>
      %swap3A_114 = vector.shape_cast %broadcast_in_dim3A_2 : vector<16xf32> to vector<1x16xf32>
      tpu.vector_store %arg5[%swap3A_110, %swap3A_111], %swap3A_114 {strides = array<i32>} : memref<125x128xf32, #tpu.memory_space<vmem>>, vector<1x16xf32>,
      %swap3A_115 = arith.index_cast %scan3A_80 : i32 to index
      %swap3A_116 = arith.constant 112 : index
      %swap3A_117 = tpu.vector_load %arg5[%swap3A_115, %swap3A_116] {strides = array<i32>} : memref<125x128xf32, #tpu.memory_space<vmem>>, vector<1x16xf32>,
      %swap3A_118 = vector.shape_cast %swap3A_117 : vector<1x16xf32> to vector<16xf32>
      %swap3A_119 = vector.shape_cast %broadcast_in_dim3A_2 : vector<16xf32> to vector<1x16xf32>
      tpu.vector_store %arg5[%swap3A_115, %swap3A_116], %swap3A_119 {strides = array<i32>} : memref<125x128xf32, #tpu.memory_space<vmem>>, vector<1x16xf32>,
    }
    %scan3A_54 = arith.constant 125 : i32
    %barrier3A = arith.constant 0 : index
    tpu.barrier barrier_id(%barrier3A)
    %scan3A_55 = arith.constant 0 : i32
    %scan3A_56 = arith.constant 0 : i32
    %scan3A_57 = arith.constant 20 : i32
    %scan3A_58 = arith.addi %scan3A_56, %scan3A_57 : i32
    %scan3A_59 = arith.constant 1 : i32
    scf.for %scan3A_80 = %scan3A_56 to %scan3A_58 step %scan3A_59  : i32 {
      %mul3A_81 = arith.constant 2 : i32
      %mul3A_82 = arith.muli %mul3A_81, %scan3A_80 : i32
      %add3A_83 = arith.constant 1 : i32
      %add3A_84 = arith.addi %mul3A_82, %add3A_83 : i32
      %gt3A = arith.constant 0 : i32
      %gt3A_85 = arith.cmpi sgt, %scan3A_80, %gt3A : i32
      %convert_element_type3A_86 = arith.extui %gt3A_85 : i1 to i32
      %cond3A_87 = arith.constant 0 : i32
      %cond3A_88 = arith.cmpi ne, %convert_element_type3A_86, %cond3A_87 : i32
      scf.if %cond3A_88 {
        %dma_wait3A_105 = arith.constant 0 : i32
        %dma_wait3A_106 = tpu.memref_slice %arg4[%mul3A_82, %dma_wait3A_105] : memref<40x125xi32, #tpu.memory_space<vmem>> -> memref<1x125xi32, #tpu.memory_space<vmem>>
        %dma_wait3A_107 = tpu.memref_squeeze %dma_wait3A_106 : memref<1x125xi32, #tpu.memory_space<vmem>> -> memref<125xi32, #tpu.memory_space<vmem>>
        %dma_wait3A_108 = arith.constant 0 : i32
        %dma_wait3A_109 = arith.constant 0 : i32
        %dma_wait3A_110 = tpu.memref_slice %arg6[%dma_wait3A_108, %dma_wait3A_109] : memref<10000x128xf32, #tpu.memory_space<vmem_shared>> -> memref<10000x128xf32, #tpu.memory_space<vmem_shared>>
        tpu.wait_indirect_dma semaphore(%arg7 : memref<!tpu.dma_semaphore, #tpu.memory_space<semaphore_mem>>) src(%arg5 : memref<125x128xf32, #tpu.memory_space<vmem>>) dst(%dma_wait3A_110 : memref<10000x128xf32, #tpu.memory_space<vmem_shared>>)
      } else {
      }
      %dma_start3A = arith.constant 0 : i32
      %dma_start3A_89 = tpu.memref_slice %arg4[%mul3A_82, %dma_start3A] : memref<40x125xi32, #tpu.memory_space<vmem>> -> memref<1x125xi32, #tpu.memory_space<vmem>>
      %dma_start3A_90 = tpu.memref_squeeze %dma_start3A_89 : memref<1x125xi32, #tpu.memory_space<vmem>> -> memref<125xi32, #tpu.memory_space<vmem>>
      %dma_start3A_91 = arith.constant 0 : i32
      %dma_start3A_92 = arith.constant 0 : i32
      %dma_start3A_93 = tpu.memref_slice %arg6[%dma_start3A_91, %dma_start3A_92] : memref<10000x128xf32, #tpu.memory_space<vmem_shared>> -> memref<10000x128xf32, #tpu.memory_space<vmem_shared>>
      tpu.enqueue_indirect_dma source(%arg5 : memref<125x128xf32, #tpu.memory_space<vmem>>) target(%dma_start3A_93 : memref<10000x128xf32, #tpu.memory_space<vmem_shared>>) offsets(%dma_start3A_90 : memref<125xi32, #tpu.memory_space<vmem>>) semaphore(%arg7 : memref<!tpu.dma_semaphore, #tpu.memory_space<semaphore_mem>>) {add = true}
      %gt3A_94 = arith.constant 0 : i32
      %gt3A_95 = arith.cmpi sgt, %scan3A_80, %gt3A_94 : i32
      %convert_element_type3A_96 = arith.extui %gt3A_95 : i1 to i32
      %cond3A_97 = arith.constant 0 : i32
      %cond3A_98 = arith.cmpi ne, %convert_element_type3A_96, %cond3A_97 : i32
      scf.if %cond3A_98 {
        %dma_wait3A_105 = arith.constant 0 : i32
        %dma_wait3A_106 = tpu.memref_slice %arg4[%add3A_84, %dma_wait3A_105] : memref<40x125xi32, #tpu.memory_space<vmem>> -> memref<1x125xi32, #tpu.memory_space<vmem>>
        %dma_wait3A_107 = tpu.memref_squeeze %dma_wait3A_106 : memref<1x125xi32, #tpu.memory_space<vmem>> -> memref<125xi32, #tpu.memory_space<vmem>>
        %dma_wait3A_108 = arith.constant 0 : i32
        %dma_wait3A_109 = arith.constant 0 : i32
        %dma_wait3A_110 = tpu.memref_slice %arg6[%dma_wait3A_108, %dma_wait3A_109] : memref<10000x128xf32, #tpu.memory_space<vmem_shared>> -> memref<10000x128xf32, #tpu.memory_space<vmem_shared>>
        tpu.wait_indirect_dma semaphore(%arg8 : memref<!tpu.dma_semaphore, #tpu.memory_space<semaphore_mem>>) src(%arg5 : memref<125x128xf32, #tpu.memory_space<vmem>>) dst(%dma_wait3A_110 : memref<10000x128xf32, #tpu.memory_space<vmem_shared>>)
      } else {
      }
      %dma_start3A_99 = arith.constant 0 : i32
      %dma_start3A_100 = tpu.memref_slice %arg4[%add3A_84, %dma_start3A_99] : memref<40x125xi32, #tpu.memory_space<vmem>> -> memref<1x125xi32, #tpu.memory_space<vmem>>
      %dma_start3A_101 = tpu.memref_squeeze %dma_start3A_100 : memref<1x125xi32, #tpu.memory_space<vmem>> -> memref<125xi32, #tpu.memory_space<vmem>>
      %dma_start3A_102 = arith.constant 0 : i32
      %dma_start3A_103 = arith.constant 0 : i32
      %dma_start3A_104 = tpu.memref_slice %arg6[%dma_start3A_102, %dma_start3A_103] : memref<10000x128xf32, #tpu.memory_space<vmem_shared>> -> memref<10000x128xf32, #tpu.memory_space<vmem_shared>>
      tpu.enqueue_indirect_dma source(%arg5 : memref<125x128xf32, #tpu.memory_space<vmem>>) target(%dma_start3A_104 : memref<10000x128xf32, #tpu.memory_space<vmem_shared>>) offsets(%dma_start3A_101 : memref<125xi32, #tpu.memory_space<vmem>>) semaphore(%arg8 : memref<!tpu.dma_semaphore, #tpu.memory_space<semaphore_mem>>) {add = true}
    }
    %scan3A_60 = arith.constant 20 : i32
    %dma_wait3A = arith.constant 0 : i32
    %dma_wait3A_61 = arith.constant 0 : i32
    %dma_wait3A_62 = tpu.memref_slice %arg4[%dma_wait3A, %dma_wait3A_61] : memref<40x125xi32, #tpu.memory_space<vmem>> -> memref<1x125xi32, #tpu.memory_space<vmem>>
    %dma_wait3A_63 = tpu.memref_squeeze %dma_wait3A_62 : memref<1x125xi32, #tpu.memory_space<vmem>> -> memref<125xi32, #tpu.memory_space<vmem>>
    %dma_wait3A_64 = arith.constant 0 : i32
    %dma_wait3A_65 = arith.constant 0 : i32
    %dma_wait3A_66 = tpu.memref_slice %arg6[%dma_wait3A_64, %dma_wait3A_65] : memref<10000x128xf32, #tpu.memory_space<vmem_shared>> -> memref<10000x128xf32, #tpu.memory_space<vmem_shared>>
    tpu.wait_indirect_dma semaphore(%arg7 : memref<!tpu.dma_semaphore, #tpu.memory_space<semaphore_mem>>) src(%arg5 : memref<125x128xf32, #tpu.memory_space<vmem>>) dst(%dma_wait3A_66 : memref<10000x128xf32, #tpu.memory_space<vmem_shared>>)
    %dma_wait3A_67 = arith.constant 0 : i32
    %dma_wait3A_68 = arith.constant 0 : i32
    %dma_wait3A_69 = tpu.memref_slice %arg4[%dma_wait3A_67, %dma_wait3A_68] : memref<40x125xi32, #tpu.memory_space<vmem>> -> memref<1x125xi32, #tpu.memory_space<vmem>>
    %dma_wait3A_70 = tpu.memref_squeeze %dma_wait3A_69 : memref<1x125xi32, #tpu.memory_space<vmem>> -> memref<125xi32, #tpu.memory_space<vmem>>
    %dma_wait3A_71 = arith.constant 0 : i32
    %dma_wait3A_72 = arith.constant 0 : i32
    %dma_wait3A_73 = tpu.memref_slice %arg6[%dma_wait3A_71, %dma_wait3A_72] : memref<10000x128xf32, #tpu.memory_space<vmem_shared>> -> memref<10000x128xf32, #tpu.memory_space<vmem_shared>>
    tpu.wait_indirect_dma semaphore(%arg8 : memref<!tpu.dma_semaphore, #tpu.memory_space<semaphore_mem>>) src(%arg5 : memref<125x128xf32, #tpu.memory_space<vmem>>) dst(%dma_wait3A_73 : memref<10000x128xf32, #tpu.memory_space<vmem_shared>>)
    %barrier3A_74 = arith.constant 0 : index
    tpu.barrier barrier_id(%barrier3A_74)
    %lt3A_75 = arith.constant 10 : i32
    %lt3A_76 = arith.cmpi slt, %arg1, %lt3A_75 : i32
    %convert_element_type3A_77 = arith.extui %lt3A_76 : i1 to i32
    %cond3A_78 = arith.constant 0 : i32
    %cond3A_79 = arith.cmpi ne, %convert_element_type3A_77, %cond3A_78 : i32
    scf.if %cond3A_79 {
      %mul3A_80 = arith.constant 1000 : i32
      %mul3A_81 = arith.muli %arg1, %mul3A_80 : i32
      "tpu.region"() ({
        %run_scoped3A = tpu.sem_alloc : memref<!tpu.dma_semaphore, #tpu.memory_space<semaphore_mem>>
        %dma_start3A = arith.constant 0 : i32
        %dma_start3A_82 = tpu.memref_slice %arg3[%arg0, %mul3A_81, %dma_start3A] : memref<2x10000x128xf32, #tpu.memory_space<hbm>> -> memref<1x1000x128xf32, #tpu.memory_space<hbm>>
        %dma_start3A_83 = tpu.memref_squeeze %dma_start3A_82 : memref<1x1000x128xf32, #tpu.memory_space<hbm>> -> memref<1000x128xf32, #tpu.memory_space<hbm>>
        %dma_start3A_84 = arith.constant 0 : i32
        %dma_start3A_85 = tpu.memref_slice %arg6[%mul3A_81, %dma_start3A_84] : memref<10000x128xf32, #tpu.memory_space<vmem_shared>> -> memref<1000x128xf32, #tpu.memory_space<vmem_shared>>
        tpu.enqueue_dma source(%dma_start3A_85 : memref<1000x128xf32, #tpu.memory_space<vmem_shared>>) target(%dma_start3A_83 : memref<1000x128xf32, #tpu.memory_space<hbm>>) target_semaphore(%run_scoped3A : memref<!tpu.dma_semaphore, #tpu.memory_space<semaphore_mem>>)
        %dma_wait3A_86 = arith.constant 0 : i32
        %dma_wait3A_87 = tpu.memref_slice %arg3[%arg0, %mul3A_81, %dma_wait3A_86] : memref<2x10000x128xf32, #tpu.memory_space<hbm>> -> memref<1x1000x128xf32, #tpu.memory_space<hbm>>
        %dma_wait3A_88 = tpu.memref_squeeze %dma_wait3A_87 : memref<1x1000x128xf32, #tpu.memory_space<hbm>> -> memref<1000x128xf32, #tpu.memory_space<hbm>>
        %dma_wait3A_89 = arith.constant 0 : i32
        %dma_wait3A_90 = tpu.memref_slice %arg6[%mul3A_81, %dma_wait3A_89] : memref<10000x128xf32, #tpu.memory_space<vmem_shared>> -> memref<1000x128xf32, #tpu.memory_space<vmem_shared>>
        tpu.wait_dma2 semaphore(%run_scoped3A : memref<!tpu.dma_semaphore, #tpu.memory_space<semaphore_mem>>) src(%dma_wait3A_90 : memref<1000x128xf32, #tpu.memory_space<vmem_shared>>) dst(%dma_wait3A_88 : memref<1000x128xf32, #tpu.memory_space<hbm>>)
        tpu.yield
      }) : () -> ()
    } else {
    }
    return
  }
}

#map = affine_map<(d0, d1) -> (0, 0)>
#map1 = affine_map<(d0, d1) -> (0, 0, 0)>
module attributes {stable_mosaic.version = 14 : i64} {
  func.func @_sc_agg_body(%arg0: i32, %arg1: i32, %arg2: memref<20000x128xf32, #tpu.memory_space<hbm>>, %arg3: memref<2560x125xi32, #tpu.memory_space<hbm>>, %arg4: memref<2x10000x128xf32, #tpu.memory_space<hbm>>, %arg5: memref<40x125xi32, #tpu.memory_space<vmem>>, %arg6: memref<40x125xi32, #tpu.memory_space<vmem>>, %arg7: memref<125x128xf32, #tpu.memory_space<vmem>>, %arg8: memref<125x128xf32, #tpu.memory_space<vmem>>, %arg9: memref<10000x128xf32, #tpu.memory_space<vmem_shared>>, %arg10: memref<!tpu.dma_semaphore, #tpu.memory_space<semaphore_mem>>, %arg11: memref<!tpu.dma_semaphore, #tpu.memory_space<semaphore_mem>>, %arg12: memref<!tpu.dma_semaphore, #tpu.memory_space<semaphore_mem>>, %arg13: memref<!tpu.dma_semaphore, #tpu.memory_space<semaphore_mem>>) attributes {dimension_semantics = [#tpu.dimension_semantics<core_parallel>, #tpu.dimension_semantics<subcore_parallel>], iteration_bounds = array<i64: 2, 16>, scalar_prefetch = 0 : i64, scratch_operands = 9 : i64, tpu.core_type = #tpu.core_type<sc_vector_subcore>, window_params = [{transform_indices = #map}, {transform_indices = #map}, {transform_indices = #map1}]} {
    %broadcast_in_dim3A = arith.constant 0.000000e+00 : f32
    %broadcast_in_dim3A_0 = vector.broadcast %broadcast_in_dim3A : f32 to vector<16xf32>
    %iota3A = tpu.iota {dimensions = array<i32: 0>} : vector<16xi32>
    %ge3A = arith.constant 3 : i32
    %ge3A_1 = vector.broadcast %ge3A : i32 to vector<16xi32>
    %ge3A_2 = arith.cmpi sge, %iota3A, %ge3A_1 : vector<16xi32>
    %scan3A = arith.constant 0 : i32
    %scan3A_3 = arith.constant 0 : i32
    %scan3A_4 = arith.constant 125 : i32
    %scan3A_5 = arith.addi %scan3A_3, %scan3A_4 : i32
    %scan3A_6 = arith.constant 1 : i32
    scf.for %scan3A_63 = %scan3A_3 to %scan3A_5 step %scan3A_6  : i32 {
      %swap3A = arith.index_cast %scan3A_63 : i32 to index
      %swap3A_64 = arith.constant 0 : index
      %swap3A_65 = tpu.vector_load %arg7[%swap3A, %swap3A_64] {strides = array<i32>} : memref<125x128xf32, #tpu.memory_space<vmem>>, vector<1x16xf32>,
      %swap3A_66 = vector.shape_cast %swap3A_65 : vector<1x16xf32> to vector<16xf32>
      %swap3A_67 = vector.shape_cast %broadcast_in_dim3A_0 : vector<16xf32> to vector<1x16xf32>
      tpu.vector_store %arg7[%swap3A, %swap3A_64], %swap3A_67 {strides = array<i32>} : memref<125x128xf32, #tpu.memory_space<vmem>>, vector<1x16xf32>,
      %swap3A_68 = arith.index_cast %scan3A_63 : i32 to index
      %swap3A_69 = arith.constant 16 : index
      %swap3A_70 = tpu.vector_load %arg7[%swap3A_68, %swap3A_69] {strides = array<i32>} : memref<125x128xf32, #tpu.memory_space<vmem>>, vector<1x16xf32>,
      %swap3A_71 = vector.shape_cast %swap3A_70 : vector<1x16xf32> to vector<16xf32>
      %swap3A_72 = vector.shape_cast %broadcast_in_dim3A_0 : vector<16xf32> to vector<1x16xf32>
      tpu.vector_store %arg7[%swap3A_68, %swap3A_69], %swap3A_72 {strides = array<i32>} : memref<125x128xf32, #tpu.memory_space<vmem>>, vector<1x16xf32>,
      %swap3A_73 = arith.index_cast %scan3A_63 : i32 to index
      %swap3A_74 = arith.constant 32 : index
      %swap3A_75 = tpu.vector_load %arg7[%swap3A_73, %swap3A_74] {strides = array<i32>} : memref<125x128xf32, #tpu.memory_space<vmem>>, vector<1x16xf32>,
      %swap3A_76 = vector.shape_cast %swap3A_75 : vector<1x16xf32> to vector<16xf32>
      %swap3A_77 = vector.shape_cast %broadcast_in_dim3A_0 : vector<16xf32> to vector<1x16xf32>
      tpu.vector_store %arg7[%swap3A_73, %swap3A_74], %swap3A_77 {strides = array<i32>} : memref<125x128xf32, #tpu.memory_space<vmem>>, vector<1x16xf32>,
      %swap3A_78 = arith.index_cast %scan3A_63 : i32 to index
      %swap3A_79 = arith.constant 48 : index
      %swap3A_80 = tpu.vector_load %arg7[%swap3A_78, %swap3A_79] {strides = array<i32>} : memref<125x128xf32, #tpu.memory_space<vmem>>, vector<1x16xf32>,
      %swap3A_81 = vector.shape_cast %swap3A_80 : vector<1x16xf32> to vector<16xf32>
      %swap3A_82 = vector.shape_cast %broadcast_in_dim3A_0 : vector<16xf32> to vector<1x16xf32>
      tpu.vector_store %arg7[%swap3A_78, %swap3A_79], %swap3A_82 {strides = array<i32>} : memref<125x128xf32, #tpu.memory_space<vmem>>, vector<1x16xf32>,
      %swap3A_83 = arith.index_cast %scan3A_63 : i32 to index
      %swap3A_84 = arith.constant 64 : index
      %swap3A_85 = tpu.vector_load %arg7[%swap3A_83, %swap3A_84] {strides = array<i32>} : memref<125x128xf32, #tpu.memory_space<vmem>>, vector<1x16xf32>,
      %swap3A_86 = vector.shape_cast %swap3A_85 : vector<1x16xf32> to vector<16xf32>
      %swap3A_87 = vector.shape_cast %broadcast_in_dim3A_0 : vector<16xf32> to vector<1x16xf32>
      tpu.vector_store %arg7[%swap3A_83, %swap3A_84], %swap3A_87 {strides = array<i32>} : memref<125x128xf32, #tpu.memory_space<vmem>>, vector<1x16xf32>,
      %swap3A_88 = arith.index_cast %scan3A_63 : i32 to index
      %swap3A_89 = arith.constant 80 : index
      %swap3A_90 = tpu.vector_load %arg7[%swap3A_88, %swap3A_89] {strides = array<i32>} : memref<125x128xf32, #tpu.memory_space<vmem>>, vector<1x16xf32>,
      %swap3A_91 = vector.shape_cast %swap3A_90 : vector<1x16xf32> to vector<16xf32>
      %swap3A_92 = vector.shape_cast %broadcast_in_dim3A_0 : vector<16xf32> to vector<1x16xf32>
      tpu.vector_store %arg7[%swap3A_88, %swap3A_89], %swap3A_92 {strides = array<i32>} : memref<125x128xf32, #tpu.memory_space<vmem>>, vector<1x16xf32>,
      %swap3A_93 = arith.index_cast %scan3A_63 : i32 to index
      %swap3A_94 = arith.constant 96 : index
      %swap3A_95 = tpu.vector_load %arg7[%swap3A_93, %swap3A_94] {strides = array<i32>} : memref<125x128xf32, #tpu.memory_space<vmem>>, vector<1x16xf32>,
      %swap3A_96 = vector.shape_cast %swap3A_95 : vector<1x16xf32> to vector<16xf32>
      %swap3A_97 = vector.shape_cast %broadcast_in_dim3A_0 : vector<16xf32> to vector<1x16xf32>
      tpu.vector_store %arg7[%swap3A_93, %swap3A_94], %swap3A_97 {strides = array<i32>} : memref<125x128xf32, #tpu.memory_space<vmem>>, vector<1x16xf32>,
      %swap3A_98 = arith.index_cast %scan3A_63 : i32 to index
      %swap3A_99 = arith.constant 112 : index
      %swap3A_100 = tpu.vector_load %arg7[%swap3A_98, %swap3A_99] {strides = array<i32>} : memref<125x128xf32, #tpu.memory_space<vmem>>, vector<1x16xf32>,
      %swap3A_101 = vector.shape_cast %swap3A_100 : vector<1x16xf32> to vector<16xf32>
      %swap3A_102 = vector.shape_cast %broadcast_in_dim3A_0 : vector<16xf32> to vector<1x16xf32>
      tpu.vector_store %arg7[%swap3A_98, %swap3A_99], %swap3A_102 {strides = array<i32>} : memref<125x128xf32, #tpu.memory_space<vmem>>, vector<1x16xf32>,
    }
    %scan3A_7 = arith.constant 125 : i32
    %lt3A = arith.constant 10 : i32
    %lt3A_8 = arith.cmpi slt, %arg1, %lt3A : i32
    %convert_element_type3A = arith.extui %lt3A_8 : i1 to i32
    %cond3A = arith.constant 0 : i32
    %cond3A_9 = arith.cmpi ne, %convert_element_type3A, %cond3A : i32
    scf.if %cond3A_9 {
      %mul3A_63 = arith.constant 1000 : i32
      %mul3A_64 = arith.muli %arg1, %mul3A_63 : i32
      %add3A_65 = arith.constant 0 : i32
      %add3A_66 = arith.addi %mul3A_64, %add3A_65 : i32
      "tpu.region"() ({
        %run_scoped3A = tpu.sem_alloc : memref<!tpu.dma_semaphore, #tpu.memory_space<semaphore_mem>>
        %dma_start3A = arith.constant 0 : i32
        %dma_start3A_95 = tpu.memref_slice %arg9[%add3A_66, %dma_start3A] : memref<10000x128xf32, #tpu.memory_space<vmem_shared>> -> memref<125x128xf32, #tpu.memory_space<vmem_shared>>
        %dma_start3A_96 = arith.constant 0 : i32
        %dma_start3A_97 = tpu.memref_slice %arg9[%add3A_66, %dma_start3A_96] : memref<10000x128xf32, #tpu.memory_space<vmem_shared>> -> memref<125x128xf32, #tpu.memory_space<vmem_shared>>
        tpu.enqueue_dma source(%arg7 : memref<125x128xf32, #tpu.memory_space<vmem>>) target(%dma_start3A_97 : memref<125x128xf32, #tpu.memory_space<vmem_shared>>) target_semaphore(%run_scoped3A : memref<!tpu.dma_semaphore, #tpu.memory_space<semaphore_mem>>)
        %dma_wait3A = arith.constant 0 : i32
        %dma_wait3A_98 = tpu.memref_slice %arg9[%add3A_66, %dma_wait3A] : memref<10000x128xf32, #tpu.memory_space<vmem_shared>> -> memref<125x128xf32, #tpu.memory_space<vmem_shared>>
        %dma_wait3A_99 = arith.constant 0 : i32
        %dma_wait3A_100 = tpu.memref_slice %arg9[%add3A_66, %dma_wait3A_99] : memref<10000x128xf32, #tpu.memory_space<vmem_shared>> -> memref<125x128xf32, #tpu.memory_space<vmem_shared>>
        tpu.wait_dma2 semaphore(%run_scoped3A : memref<!tpu.dma_semaphore, #tpu.memory_space<semaphore_mem>>) src(%arg7 : memref<125x128xf32, #tpu.memory_space<vmem>>) dst(%dma_wait3A_100 : memref<125x128xf32, #tpu.memory_space<vmem_shared>>)
        tpu.yield
      }) : () -> ()
      %mul3A_67 = arith.constant 1000 : i32
      %mul3A_68 = arith.muli %arg1, %mul3A_67 : i32
      %add3A_69 = arith.constant 125 : i32
      %add3A_70 = arith.addi %mul3A_68, %add3A_69 : i32
      "tpu.region"() ({
        %run_scoped3A = tpu.sem_alloc : memref<!tpu.dma_semaphore, #tpu.memory_space<semaphore_mem>>
        %dma_start3A = arith.constant 0 : i32
        %dma_start3A_95 = tpu.memref_slice %arg9[%add3A_70, %dma_start3A] : memref<10000x128xf32, #tpu.memory_space<vmem_shared>> -> memref<125x128xf32, #tpu.memory_space<vmem_shared>>
        %dma_start3A_96 = arith.constant 0 : i32
        %dma_start3A_97 = tpu.memref_slice %arg9[%add3A_70, %dma_start3A_96] : memref<10000x128xf32, #tpu.memory_space<vmem_shared>> -> memref<125x128xf32, #tpu.memory_space<vmem_shared>>
        tpu.enqueue_dma source(%arg7 : memref<125x128xf32, #tpu.memory_space<vmem>>) target(%dma_start3A_97 : memref<125x128xf32, #tpu.memory_space<vmem_shared>>) target_semaphore(%run_scoped3A : memref<!tpu.dma_semaphore, #tpu.memory_space<semaphore_mem>>)
        %dma_wait3A = arith.constant 0 : i32
        %dma_wait3A_98 = tpu.memref_slice %arg9[%add3A_70, %dma_wait3A] : memref<10000x128xf32, #tpu.memory_space<vmem_shared>> -> memref<125x128xf32, #tpu.memory_space<vmem_shared>>
        %dma_wait3A_99 = arith.constant 0 : i32
        %dma_wait3A_100 = tpu.memref_slice %arg9[%add3A_70, %dma_wait3A_99] : memref<10000x128xf32, #tpu.memory_space<vmem_shared>> -> memref<125x128xf32, #tpu.memory_space<vmem_shared>>
        tpu.wait_dma2 semaphore(%run_scoped3A : memref<!tpu.dma_semaphore, #tpu.memory_space<semaphore_mem>>) src(%arg7 : memref<125x128xf32, #tpu.memory_space<vmem>>) dst(%dma_wait3A_100 : memref<125x128xf32, #tpu.memory_space<vmem_shared>>)
        tpu.yield
      }) : () -> ()
      %mul3A_71 = arith.constant 1000 : i32
      %mul3A_72 = arith.muli %arg1, %mul3A_71 : i32
      %add3A_73 = arith.constant 250 : i32
      %add3A_74 = arith.addi %mul3A_72, %add3A_73 : i32
      "tpu.region"() ({
        %run_scoped3A = tpu.sem_alloc : memref<!tpu.dma_semaphore, #tpu.memory_space<semaphore_mem>>
        %dma_start3A = arith.constant 0 : i32
        %dma_start3A_95 = tpu.memref_slice %arg9[%add3A_74, %dma_start3A] : memref<10000x128xf32, #tpu.memory_space<vmem_shared>> -> memref<125x128xf32, #tpu.memory_space<vmem_shared>>
        %dma_start3A_96 = arith.constant 0 : i32
        %dma_start3A_97 = tpu.memref_slice %arg9[%add3A_74, %dma_start3A_96] : memref<10000x128xf32, #tpu.memory_space<vmem_shared>> -> memref<125x128xf32, #tpu.memory_space<vmem_shared>>
        tpu.enqueue_dma source(%arg7 : memref<125x128xf32, #tpu.memory_space<vmem>>) target(%dma_start3A_97 : memref<125x128xf32, #tpu.memory_space<vmem_shared>>) target_semaphore(%run_scoped3A : memref<!tpu.dma_semaphore, #tpu.memory_space<semaphore_mem>>)
        %dma_wait3A = arith.constant 0 : i32
        %dma_wait3A_98 = tpu.memref_slice %arg9[%add3A_74, %dma_wait3A] : memref<10000x128xf32, #tpu.memory_space<vmem_shared>> -> memref<125x128xf32, #tpu.memory_space<vmem_shared>>
        %dma_wait3A_99 = arith.constant 0 : i32
        %dma_wait3A_100 = tpu.memref_slice %arg9[%add3A_74, %dma_wait3A_99] : memref<10000x128xf32, #tpu.memory_space<vmem_shared>> -> memref<125x128xf32, #tpu.memory_space<vmem_shared>>
        tpu.wait_dma2 semaphore(%run_scoped3A : memref<!tpu.dma_semaphore, #tpu.memory_space<semaphore_mem>>) src(%arg7 : memref<125x128xf32, #tpu.memory_space<vmem>>) dst(%dma_wait3A_100 : memref<125x128xf32, #tpu.memory_space<vmem_shared>>)
        tpu.yield
      }) : () -> ()
      %mul3A_75 = arith.constant 1000 : i32
      %mul3A_76 = arith.muli %arg1, %mul3A_75 : i32
      %add3A_77 = arith.constant 375 : i32
      %add3A_78 = arith.addi %mul3A_76, %add3A_77 : i32
      "tpu.region"() ({
        %run_scoped3A = tpu.sem_alloc : memref<!tpu.dma_semaphore, #tpu.memory_space<semaphore_mem>>
        %dma_start3A = arith.constant 0 : i32
        %dma_start3A_95 = tpu.memref_slice %arg9[%add3A_78, %dma_start3A] : memref<10000x128xf32, #tpu.memory_space<vmem_shared>> -> memref<125x128xf32, #tpu.memory_space<vmem_shared>>
        %dma_start3A_96 = arith.constant 0 : i32
        %dma_start3A_97 = tpu.memref_slice %arg9[%add3A_78, %dma_start3A_96] : memref<10000x128xf32, #tpu.memory_space<vmem_shared>> -> memref<125x128xf32, #tpu.memory_space<vmem_shared>>
        tpu.enqueue_dma source(%arg7 : memref<125x128xf32, #tpu.memory_space<vmem>>) target(%dma_start3A_97 : memref<125x128xf32, #tpu.memory_space<vmem_shared>>) target_semaphore(%run_scoped3A : memref<!tpu.dma_semaphore, #tpu.memory_space<semaphore_mem>>)
        %dma_wait3A = arith.constant 0 : i32
        %dma_wait3A_98 = tpu.memref_slice %arg9[%add3A_78, %dma_wait3A] : memref<10000x128xf32, #tpu.memory_space<vmem_shared>> -> memref<125x128xf32, #tpu.memory_space<vmem_shared>>
        %dma_wait3A_99 = arith.constant 0 : i32
        %dma_wait3A_100 = tpu.memref_slice %arg9[%add3A_78, %dma_wait3A_99] : memref<10000x128xf32, #tpu.memory_space<vmem_shared>> -> memref<125x128xf32, #tpu.memory_space<vmem_shared>>
        tpu.wait_dma2 semaphore(%run_scoped3A : memref<!tpu.dma_semaphore, #tpu.memory_space<semaphore_mem>>) src(%arg7 : memref<125x128xf32, #tpu.memory_space<vmem>>) dst(%dma_wait3A_100 : memref<125x128xf32, #tpu.memory_space<vmem_shared>>)
        tpu.yield
      }) : () -> ()
      %mul3A_79 = arith.constant 1000 : i32
      %mul3A_80 = arith.muli %arg1, %mul3A_79 : i32
      %add3A_81 = arith.constant 500 : i32
      %add3A_82 = arith.addi %mul3A_80, %add3A_81 : i32
      "tpu.region"() ({
        %run_scoped3A = tpu.sem_alloc : memref<!tpu.dma_semaphore, #tpu.memory_space<semaphore_mem>>
        %dma_start3A = arith.constant 0 : i32
        %dma_start3A_95 = tpu.memref_slice %arg9[%add3A_82, %dma_start3A] : memref<10000x128xf32, #tpu.memory_space<vmem_shared>> -> memref<125x128xf32, #tpu.memory_space<vmem_shared>>
        %dma_start3A_96 = arith.constant 0 : i32
        %dma_start3A_97 = tpu.memref_slice %arg9[%add3A_82, %dma_start3A_96] : memref<10000x128xf32, #tpu.memory_space<vmem_shared>> -> memref<125x128xf32, #tpu.memory_space<vmem_shared>>
        tpu.enqueue_dma source(%arg7 : memref<125x128xf32, #tpu.memory_space<vmem>>) target(%dma_start3A_97 : memref<125x128xf32, #tpu.memory_space<vmem_shared>>) target_semaphore(%run_scoped3A : memref<!tpu.dma_semaphore, #tpu.memory_space<semaphore_mem>>)
        %dma_wait3A = arith.constant 0 : i32
        %dma_wait3A_98 = tpu.memref_slice %arg9[%add3A_82, %dma_wait3A] : memref<10000x128xf32, #tpu.memory_space<vmem_shared>> -> memref<125x128xf32, #tpu.memory_space<vmem_shared>>
        %dma_wait3A_99 = arith.constant 0 : i32
        %dma_wait3A_100 = tpu.memref_slice %arg9[%add3A_82, %dma_wait3A_99] : memref<10000x128xf32, #tpu.memory_space<vmem_shared>> -> memref<125x128xf32, #tpu.memory_space<vmem_shared>>
        tpu.wait_dma2 semaphore(%run_scoped3A : memref<!tpu.dma_semaphore, #tpu.memory_space<semaphore_mem>>) src(%arg7 : memref<125x128xf32, #tpu.memory_space<vmem>>) dst(%dma_wait3A_100 : memref<125x128xf32, #tpu.memory_space<vmem_shared>>)
        tpu.yield
      }) : () -> ()
      %mul3A_83 = arith.constant 1000 : i32
      %mul3A_84 = arith.muli %arg1, %mul3A_83 : i32
      %add3A_85 = arith.constant 625 : i32
      %add3A_86 = arith.addi %mul3A_84, %add3A_85 : i32
      "tpu.region"() ({
        %run_scoped3A = tpu.sem_alloc : memref<!tpu.dma_semaphore, #tpu.memory_space<semaphore_mem>>
        %dma_start3A = arith.constant 0 : i32
        %dma_start3A_95 = tpu.memref_slice %arg9[%add3A_86, %dma_start3A] : memref<10000x128xf32, #tpu.memory_space<vmem_shared>> -> memref<125x128xf32, #tpu.memory_space<vmem_shared>>
        %dma_start3A_96 = arith.constant 0 : i32
        %dma_start3A_97 = tpu.memref_slice %arg9[%add3A_86, %dma_start3A_96] : memref<10000x128xf32, #tpu.memory_space<vmem_shared>> -> memref<125x128xf32, #tpu.memory_space<vmem_shared>>
        tpu.enqueue_dma source(%arg7 : memref<125x128xf32, #tpu.memory_space<vmem>>) target(%dma_start3A_97 : memref<125x128xf32, #tpu.memory_space<vmem_shared>>) target_semaphore(%run_scoped3A : memref<!tpu.dma_semaphore, #tpu.memory_space<semaphore_mem>>)
        %dma_wait3A = arith.constant 0 : i32
        %dma_wait3A_98 = tpu.memref_slice %arg9[%add3A_86, %dma_wait3A] : memref<10000x128xf32, #tpu.memory_space<vmem_shared>> -> memref<125x128xf32, #tpu.memory_space<vmem_shared>>
        %dma_wait3A_99 = arith.constant 0 : i32
        %dma_wait3A_100 = tpu.memref_slice %arg9[%add3A_86, %dma_wait3A_99] : memref<10000x128xf32, #tpu.memory_space<vmem_shared>> -> memref<125x128xf32, #tpu.memory_space<vmem_shared>>
        tpu.wait_dma2 semaphore(%run_scoped3A : memref<!tpu.dma_semaphore, #tpu.memory_space<semaphore_mem>>) src(%arg7 : memref<125x128xf32, #tpu.memory_space<vmem>>) dst(%dma_wait3A_100 : memref<125x128xf32, #tpu.memory_space<vmem_shared>>)
        tpu.yield
      }) : () -> ()
      %mul3A_87 = arith.constant 1000 : i32
      %mul3A_88 = arith.muli %arg1, %mul3A_87 : i32
      %add3A_89 = arith.constant 750 : i32
      %add3A_90 = arith.addi %mul3A_88, %add3A_89 : i32
      "tpu.region"() ({
        %run_scoped3A = tpu.sem_alloc : memref<!tpu.dma_semaphore, #tpu.memory_space<semaphore_mem>>
        %dma_start3A = arith.constant 0 : i32
        %dma_start3A_95 = tpu.memref_slice %arg9[%add3A_90, %dma_start3A] : memref<10000x128xf32, #tpu.memory_space<vmem_shared>> -> memref<125x128xf32, #tpu.memory_space<vmem_shared>>
        %dma_start3A_96 = arith.constant 0 : i32
        %dma_start3A_97 = tpu.memref_slice %arg9[%add3A_90, %dma_start3A_96] : memref<10000x128xf32, #tpu.memory_space<vmem_shared>> -> memref<125x128xf32, #tpu.memory_space<vmem_shared>>
        tpu.enqueue_dma source(%arg7 : memref<125x128xf32, #tpu.memory_space<vmem>>) target(%dma_start3A_97 : memref<125x128xf32, #tpu.memory_space<vmem_shared>>) target_semaphore(%run_scoped3A : memref<!tpu.dma_semaphore, #tpu.memory_space<semaphore_mem>>)
        %dma_wait3A = arith.constant 0 : i32
        %dma_wait3A_98 = tpu.memref_slice %arg9[%add3A_90, %dma_wait3A] : memref<10000x128xf32, #tpu.memory_space<vmem_shared>> -> memref<125x128xf32, #tpu.memory_space<vmem_shared>>
        %dma_wait3A_99 = arith.constant 0 : i32
        %dma_wait3A_100 = tpu.memref_slice %arg9[%add3A_90, %dma_wait3A_99] : memref<10000x128xf32, #tpu.memory_space<vmem_shared>> -> memref<125x128xf32, #tpu.memory_space<vmem_shared>>
        tpu.wait_dma2 semaphore(%run_scoped3A : memref<!tpu.dma_semaphore, #tpu.memory_space<semaphore_mem>>) src(%arg7 : memref<125x128xf32, #tpu.memory_space<vmem>>) dst(%dma_wait3A_100 : memref<125x128xf32, #tpu.memory_space<vmem_shared>>)
        tpu.yield
      }) : () -> ()
      %mul3A_91 = arith.constant 1000 : i32
      %mul3A_92 = arith.muli %arg1, %mul3A_91 : i32
      %add3A_93 = arith.constant 875 : i32
      %add3A_94 = arith.addi %mul3A_92, %add3A_93 : i32
      "tpu.region"() ({
        %run_scoped3A = tpu.sem_alloc : memref<!tpu.dma_semaphore, #tpu.memory_space<semaphore_mem>>
        %dma_start3A = arith.constant 0 : i32
        %dma_start3A_95 = tpu.memref_slice %arg9[%add3A_94, %dma_start3A] : memref<10000x128xf32, #tpu.memory_space<vmem_shared>> -> memref<125x128xf32, #tpu.memory_space<vmem_shared>>
        %dma_start3A_96 = arith.constant 0 : i32
        %dma_start3A_97 = tpu.memref_slice %arg9[%add3A_94, %dma_start3A_96] : memref<10000x128xf32, #tpu.memory_space<vmem_shared>> -> memref<125x128xf32, #tpu.memory_space<vmem_shared>>
        tpu.enqueue_dma source(%arg7 : memref<125x128xf32, #tpu.memory_space<vmem>>) target(%dma_start3A_97 : memref<125x128xf32, #tpu.memory_space<vmem_shared>>) target_semaphore(%run_scoped3A : memref<!tpu.dma_semaphore, #tpu.memory_space<semaphore_mem>>)
        %dma_wait3A = arith.constant 0 : i32
        %dma_wait3A_98 = tpu.memref_slice %arg9[%add3A_94, %dma_wait3A] : memref<10000x128xf32, #tpu.memory_space<vmem_shared>> -> memref<125x128xf32, #tpu.memory_space<vmem_shared>>
        %dma_wait3A_99 = arith.constant 0 : i32
        %dma_wait3A_100 = tpu.memref_slice %arg9[%add3A_94, %dma_wait3A_99] : memref<10000x128xf32, #tpu.memory_space<vmem_shared>> -> memref<125x128xf32, #tpu.memory_space<vmem_shared>>
        tpu.wait_dma2 semaphore(%run_scoped3A : memref<!tpu.dma_semaphore, #tpu.memory_space<semaphore_mem>>) src(%arg7 : memref<125x128xf32, #tpu.memory_space<vmem>>) dst(%dma_wait3A_100 : memref<125x128xf32, #tpu.memory_space<vmem_shared>>)
        tpu.yield
      }) : () -> ()
    } else {
    }
    %barrier3A = arith.constant 0 : index
    tpu.barrier barrier_id(%barrier3A)
    %jit3A = arith.constant 4 : i32
    %div3A = arith.divsi %arg1, %jit3A : i32
    %sign3A = arith.constant 0 : i32
    %sign3A_10 = arith.cmpi sgt, %arg1, %sign3A : i32
    %sign3A_11 = arith.extui %sign3A_10 : i1 to i32
    %sign3A_12 = arith.constant 0 : i32
    %sign3A_13 = arith.cmpi slt, %arg1, %sign3A_12 : i32
    %sign3A_14 = arith.extui %sign3A_13 : i1 to i32
    %sign3A_15 = arith.subi %sign3A_11, %sign3A_14 : i32
    %sign3A_16 = arith.constant 0 : i32
    %sign3A_17 = arith.cmpi sgt, %jit3A, %sign3A_16 : i32
    %sign3A_18 = arith.extui %sign3A_17 : i1 to i32
    %sign3A_19 = arith.constant 0 : i32
    %sign3A_20 = arith.cmpi slt, %jit3A, %sign3A_19 : i32
    %sign3A_21 = arith.extui %sign3A_20 : i1 to i32
    %sign3A_22 = arith.subi %sign3A_18, %sign3A_21 : i32
    %ne3A = arith.cmpi ne, %sign3A_15, %sign3A_22 : i32
    %rem3A = arith.remsi %arg1, %jit3A : i32
    %ne3A_23 = arith.constant 0 : i32
    %ne3A_24 = arith.cmpi ne, %rem3A, %ne3A_23 : i32
    %and3A = arith.andi %ne3A, %ne3A_24 : i1
    %sub3A = arith.constant 1 : i32
    %sub3A_25 = arith.subi %div3A, %sub3A : i32
    %select_n3A = arith.select %and3A, %sub3A_25, %div3A : i32
    %mul3A = arith.constant 2500 : i32
    %mul3A_26 = arith.muli %select_n3A, %mul3A : i32
    %mul3A_27 = arith.constant 10000 : i32
    %mul3A_28 = arith.muli %arg0, %mul3A_27 : i32
    %add3A = arith.addi %mul3A_26, %mul3A_28 : i32
    %mul3A_29 = arith.constant 2 : i32
    %mul3A_30 = arith.muli %mul3A_29, %select_n3A : i32
    %mul3A_31 = arith.constant 320 : i32
    %mul3A_32 = arith.muli %mul3A_30, %mul3A_31 : i32
    %mul3A_33 = arith.constant 4 : i32
    %mul3A_34 = arith.muli %mul3A_33, %select_n3A : i32
    %sub3A_35 = arith.subi %arg1, %mul3A_34 : i32
    %mul3A_36 = arith.constant 80 : i32
    %mul3A_37 = arith.muli %sub3A_35, %mul3A_36 : i32
    %add3A_38 = arith.addi %mul3A_32, %mul3A_37 : i32
    %mul3A_39 = arith.constant 2 : i32
    %mul3A_40 = arith.muli %mul3A_39, %select_n3A : i32
    %add3A_41 = arith.constant 1 : i32
    %add3A_42 = arith.addi %mul3A_40, %add3A_41 : i32
    %mul3A_43 = arith.constant 320 : i32
    %mul3A_44 = arith.muli %add3A_42, %mul3A_43 : i32
    %mul3A_45 = arith.constant 4 : i32
    %mul3A_46 = arith.muli %mul3A_45, %select_n3A : i32
    %sub3A_47 = arith.subi %arg1, %mul3A_46 : i32
    %mul3A_48 = arith.constant 80 : i32
    %mul3A_49 = arith.muli %sub3A_47, %mul3A_48 : i32
    %add3A_50 = arith.addi %mul3A_44, %mul3A_49 : i32
    %scan3A_51 = arith.constant 0 : i32
    %scan3A_52 = arith.constant 0 : i32
    %scan3A_53 = arith.constant 2 : i32
    %scan3A_54 = arith.addi %scan3A_52, %scan3A_53 : i32
    %scan3A_55 = arith.constant 1 : i32
    scf.for %scan3A_63 = %scan3A_52 to %scan3A_54 step %scan3A_55  : i32 {
      %mul3A_64 = arith.constant 40 : i32
      %mul3A_65 = arith.muli %scan3A_63, %mul3A_64 : i32
      %add3A_66 = arith.addi %add3A_38, %mul3A_65 : i32
      "tpu.region"() ({
        %run_scoped3A = tpu.sem_alloc : memref<!tpu.dma_semaphore, #tpu.memory_space<semaphore_mem>>
        %dma_start3A = arith.constant 0 : i32
        %dma_start3A_101 = tpu.memref_slice %arg3[%add3A_66, %dma_start3A] : memref<2560x125xi32, #tpu.memory_space<hbm>> -> memref<40x125xi32, #tpu.memory_space<hbm>>
        %dma_start3A_102 = arith.constant 0 : i32
        %dma_start3A_103 = tpu.memref_slice %arg3[%add3A_66, %dma_start3A_102] : memref<2560x125xi32, #tpu.memory_space<hbm>> -> memref<40x125xi32, #tpu.memory_space<hbm>>
        tpu.enqueue_dma source(%dma_start3A_103 : memref<40x125xi32, #tpu.memory_space<hbm>>) target(%arg5 : memref<40x125xi32, #tpu.memory_space<vmem>>) target_semaphore(%run_scoped3A : memref<!tpu.dma_semaphore, #tpu.memory_space<semaphore_mem>>)
        %dma_wait3A_104 = arith.constant 0 : i32
        %dma_wait3A_105 = tpu.memref_slice %arg3[%add3A_66, %dma_wait3A_104] : memref<2560x125xi32, #tpu.memory_space<hbm>> -> memref<40x125xi32, #tpu.memory_space<hbm>>
        %dma_wait3A_106 = arith.constant 0 : i32
        %dma_wait3A_107 = tpu.memref_slice %arg3[%add3A_66, %dma_wait3A_106] : memref<2560x125xi32, #tpu.memory_space<hbm>> -> memref<40x125xi32, #tpu.memory_space<hbm>>
        tpu.wait_dma2 semaphore(%run_scoped3A : memref<!tpu.dma_semaphore, #tpu.memory_space<semaphore_mem>>) src(%dma_wait3A_107 : memref<40x125xi32, #tpu.memory_space<hbm>>) dst(%arg5 : memref<40x125xi32, #tpu.memory_space<vmem>>)
        tpu.yield
      }) : () -> ()
      %mul3A_67 = arith.constant 40 : i32
      %mul3A_68 = arith.muli %scan3A_63, %mul3A_67 : i32
      %add3A_69 = arith.addi %add3A_50, %mul3A_68 : i32
      "tpu.region"() ({
        %run_scoped3A = tpu.sem_alloc : memref<!tpu.dma_semaphore, #tpu.memory_space<semaphore_mem>>
        %dma_start3A = arith.constant 0 : i32
        %dma_start3A_101 = tpu.memref_slice %arg3[%add3A_69, %dma_start3A] : memref<2560x125xi32, #tpu.memory_space<hbm>> -> memref<40x125xi32, #tpu.memory_space<hbm>>
        %dma_start3A_102 = arith.constant 0 : i32
        %dma_start3A_103 = tpu.memref_slice %arg3[%add3A_69, %dma_start3A_102] : memref<2560x125xi32, #tpu.memory_space<hbm>> -> memref<40x125xi32, #tpu.memory_space<hbm>>
        tpu.enqueue_dma source(%dma_start3A_103 : memref<40x125xi32, #tpu.memory_space<hbm>>) target(%arg6 : memref<40x125xi32, #tpu.memory_space<vmem>>) target_semaphore(%run_scoped3A : memref<!tpu.dma_semaphore, #tpu.memory_space<semaphore_mem>>)
        %dma_wait3A_104 = arith.constant 0 : i32
        %dma_wait3A_105 = tpu.memref_slice %arg3[%add3A_69, %dma_wait3A_104] : memref<2560x125xi32, #tpu.memory_space<hbm>> -> memref<40x125xi32, #tpu.memory_space<hbm>>
        %dma_wait3A_106 = arith.constant 0 : i32
        %dma_wait3A_107 = tpu.memref_slice %arg3[%add3A_69, %dma_wait3A_106] : memref<2560x125xi32, #tpu.memory_space<hbm>> -> memref<40x125xi32, #tpu.memory_space<hbm>>
        tpu.wait_dma2 semaphore(%run_scoped3A : memref<!tpu.dma_semaphore, #tpu.memory_space<semaphore_mem>>) src(%dma_wait3A_107 : memref<40x125xi32, #tpu.memory_space<hbm>>) dst(%arg6 : memref<40x125xi32, #tpu.memory_space<vmem>>)
        tpu.yield
      }) : () -> ()
      %scan3A_70 = arith.constant 0 : i32
      %scan3A_71 = arith.constant 0 : i32
      %scan3A_72 = arith.constant 40 : i32
      %scan3A_73 = arith.addi %scan3A_71, %scan3A_72 : i32
      %scan3A_74 = arith.constant 1 : i32
      scf.for %scan3A_101 = %scan3A_71 to %scan3A_73 step %scan3A_74  : i32 {
        %get3A = arith.index_cast %scan3A_101 : i32 to index
        %get3A_102 = arith.constant 0 : index
        %get3A_103 = tpu.vector_load %arg5[%get3A, %get3A_102] {strides = array<i32>} : memref<40x125xi32, #tpu.memory_space<vmem>>, vector<1x16xi32>,
        %get3A_104 = vector.shape_cast %get3A_103 : vector<1x16xi32> to vector<16xi32>
        %add3A_105 = vector.broadcast %add3A : i32 to vector<16xi32>
        %add3A_106 = arith.addi %get3A_104, %add3A_105 : vector<16xi32>
        %swap3A = arith.index_cast %scan3A_101 : i32 to index
        %swap3A_107 = arith.constant 0 : index
        %swap3A_108 = tpu.vector_load %arg5[%swap3A, %swap3A_107] {strides = array<i32>} : memref<40x125xi32, #tpu.memory_space<vmem>>, vector<1x16xi32>,
        %swap3A_109 = vector.shape_cast %swap3A_108 : vector<1x16xi32> to vector<16xi32>
        %swap3A_110 = vector.shape_cast %add3A_106 : vector<16xi32> to vector<1x16xi32>
        tpu.vector_store %arg5[%swap3A, %swap3A_107], %swap3A_110 {strides = array<i32>} : memref<40x125xi32, #tpu.memory_space<vmem>>, vector<1x16xi32>,
        %get3A_111 = arith.index_cast %scan3A_101 : i32 to index
        %get3A_112 = arith.constant 16 : index
        %get3A_113 = tpu.vector_load %arg5[%get3A_111, %get3A_112] {strides = array<i32>} : memref<40x125xi32, #tpu.memory_space<vmem>>, vector<1x16xi32>,
        %get3A_114 = vector.shape_cast %get3A_113 : vector<1x16xi32> to vector<16xi32>
        %add3A_115 = vector.broadcast %add3A : i32 to vector<16xi32>
        %add3A_116 = arith.addi %get3A_114, %add3A_115 : vector<16xi32>
        %swap3A_117 = arith.index_cast %scan3A_101 : i32 to index
        %swap3A_118 = arith.constant 16 : index
        %swap3A_119 = tpu.vector_load %arg5[%swap3A_117, %swap3A_118] {strides = array<i32>} : memref<40x125xi32, #tpu.memory_space<vmem>>, vector<1x16xi32>,
        %swap3A_120 = vector.shape_cast %swap3A_119 : vector<1x16xi32> to vector<16xi32>
        %swap3A_121 = vector.shape_cast %add3A_116 : vector<16xi32> to vector<1x16xi32>
        tpu.vector_store %arg5[%swap3A_117, %swap3A_118], %swap3A_121 {strides = array<i32>} : memref<40x125xi32, #tpu.memory_space<vmem>>, vector<1x16xi32>,
        %get3A_122 = arith.index_cast %scan3A_101 : i32 to index
        %get3A_123 = arith.constant 32 : index
        %get3A_124 = tpu.vector_load %arg5[%get3A_122, %get3A_123] {strides = array<i32>} : memref<40x125xi32, #tpu.memory_space<vmem>>, vector<1x16xi32>,
        %get3A_125 = vector.shape_cast %get3A_124 : vector<1x16xi32> to vector<16xi32>
        %add3A_126 = vector.broadcast %add3A : i32 to vector<16xi32>
        %add3A_127 = arith.addi %get3A_125, %add3A_126 : vector<16xi32>
        %swap3A_128 = arith.index_cast %scan3A_101 : i32 to index
        %swap3A_129 = arith.constant 32 : index
        %swap3A_130 = tpu.vector_load %arg5[%swap3A_128, %swap3A_129] {strides = array<i32>} : memref<40x125xi32, #tpu.memory_space<vmem>>, vector<1x16xi32>,
        %swap3A_131 = vector.shape_cast %swap3A_130 : vector<1x16xi32> to vector<16xi32>
        %swap3A_132 = vector.shape_cast %add3A_127 : vector<16xi32> to vector<1x16xi32>
        tpu.vector_store %arg5[%swap3A_128, %swap3A_129], %swap3A_132 {strides = array<i32>} : memref<40x125xi32, #tpu.memory_space<vmem>>, vector<1x16xi32>,
        %get3A_133 = arith.index_cast %scan3A_101 : i32 to index
        %get3A_134 = arith.constant 48 : index
        %get3A_135 = tpu.vector_load %arg5[%get3A_133, %get3A_134] {strides = array<i32>} : memref<40x125xi32, #tpu.memory_space<vmem>>, vector<1x16xi32>,
        %get3A_136 = vector.shape_cast %get3A_135 : vector<1x16xi32> to vector<16xi32>
        %add3A_137 = vector.broadcast %add3A : i32 to vector<16xi32>
        %add3A_138 = arith.addi %get3A_136, %add3A_137 : vector<16xi32>
        %swap3A_139 = arith.index_cast %scan3A_101 : i32 to index
        %swap3A_140 = arith.constant 48 : index
        %swap3A_141 = tpu.vector_load %arg5[%swap3A_139, %swap3A_140] {strides = array<i32>} : memref<40x125xi32, #tpu.memory_space<vmem>>, vector<1x16xi32>,
        %swap3A_142 = vector.shape_cast %swap3A_141 : vector<1x16xi32> to vector<16xi32>
        %swap3A_143 = vector.shape_cast %add3A_138 : vector<16xi32> to vector<1x16xi32>
        tpu.vector_store %arg5[%swap3A_139, %swap3A_140], %swap3A_143 {strides = array<i32>} : memref<40x125xi32, #tpu.memory_space<vmem>>, vector<1x16xi32>,
        %get3A_144 = arith.index_cast %scan3A_101 : i32 to index
        %get3A_145 = arith.constant 64 : index
        %get3A_146 = tpu.vector_load %arg5[%get3A_144, %get3A_145] {strides = array<i32>} : memref<40x125xi32, #tpu.memory_space<vmem>>, vector<1x16xi32>,
        %get3A_147 = vector.shape_cast %get3A_146 : vector<1x16xi32> to vector<16xi32>
        %add3A_148 = vector.broadcast %add3A : i32 to vector<16xi32>
        %add3A_149 = arith.addi %get3A_147, %add3A_148 : vector<16xi32>
        %swap3A_150 = arith.index_cast %scan3A_101 : i32 to index
        %swap3A_151 = arith.constant 64 : index
        %swap3A_152 = tpu.vector_load %arg5[%swap3A_150, %swap3A_151] {strides = array<i32>} : memref<40x125xi32, #tpu.memory_space<vmem>>, vector<1x16xi32>,
        %swap3A_153 = vector.shape_cast %swap3A_152 : vector<1x16xi32> to vector<16xi32>
        %swap3A_154 = vector.shape_cast %add3A_149 : vector<16xi32> to vector<1x16xi32>
        tpu.vector_store %arg5[%swap3A_150, %swap3A_151], %swap3A_154 {strides = array<i32>} : memref<40x125xi32, #tpu.memory_space<vmem>>, vector<1x16xi32>,
        %get3A_155 = arith.index_cast %scan3A_101 : i32 to index
        %get3A_156 = arith.constant 80 : index
        %get3A_157 = tpu.vector_load %arg5[%get3A_155, %get3A_156] {strides = array<i32>} : memref<40x125xi32, #tpu.memory_space<vmem>>, vector<1x16xi32>,
        %get3A_158 = vector.shape_cast %get3A_157 : vector<1x16xi32> to vector<16xi32>
        %add3A_159 = vector.broadcast %add3A : i32 to vector<16xi32>
        %add3A_160 = arith.addi %get3A_158, %add3A_159 : vector<16xi32>
        %swap3A_161 = arith.index_cast %scan3A_101 : i32 to index
        %swap3A_162 = arith.constant 80 : index
        %swap3A_163 = tpu.vector_load %arg5[%swap3A_161, %swap3A_162] {strides = array<i32>} : memref<40x125xi32, #tpu.memory_space<vmem>>, vector<1x16xi32>,
        %swap3A_164 = vector.shape_cast %swap3A_163 : vector<1x16xi32> to vector<16xi32>
        %swap3A_165 = vector.shape_cast %add3A_160 : vector<16xi32> to vector<1x16xi32>
        tpu.vector_store %arg5[%swap3A_161, %swap3A_162], %swap3A_165 {strides = array<i32>} : memref<40x125xi32, #tpu.memory_space<vmem>>, vector<1x16xi32>,
        %get3A_166 = arith.index_cast %scan3A_101 : i32 to index
        %get3A_167 = arith.constant 96 : index
        %get3A_168 = tpu.vector_load %arg5[%get3A_166, %get3A_167] {strides = array<i32>} : memref<40x125xi32, #tpu.memory_space<vmem>>, vector<1x16xi32>,
        %get3A_169 = vector.shape_cast %get3A_168 : vector<1x16xi32> to vector<16xi32>
        %add3A_170 = vector.broadcast %add3A : i32 to vector<16xi32>
        %add3A_171 = arith.addi %get3A_169, %add3A_170 : vector<16xi32>
        %swap3A_172 = arith.index_cast %scan3A_101 : i32 to index
        %swap3A_173 = arith.constant 96 : index
        %swap3A_174 = tpu.vector_load %arg5[%swap3A_172, %swap3A_173] {strides = array<i32>} : memref<40x125xi32, #tpu.memory_space<vmem>>, vector<1x16xi32>,
        %swap3A_175 = vector.shape_cast %swap3A_174 : vector<1x16xi32> to vector<16xi32>
        %swap3A_176 = vector.shape_cast %add3A_171 : vector<16xi32> to vector<1x16xi32>
        tpu.vector_store %arg5[%swap3A_172, %swap3A_173], %swap3A_176 {strides = array<i32>} : memref<40x125xi32, #tpu.memory_space<vmem>>, vector<1x16xi32>,
        %get3A_177 = arith.index_cast %scan3A_101 : i32 to index
        %get3A_178 = arith.constant 109 : index
        %get3A_179 = tpu.vector_load %arg5[%get3A_177, %get3A_178] {strides = array<i32>} : memref<40x125xi32, #tpu.memory_space<vmem>>, vector<1x16xi32>,
        %get3A_180 = vector.shape_cast %get3A_179 : vector<1x16xi32> to vector<16xi32>
        %add3A_181 = vector.broadcast %add3A : i32 to vector<16xi32>
        %add3A_182 = arith.addi %get3A_180, %add3A_181 : vector<16xi32>
        %select_n3A_183 = arith.select %ge3A_2, %add3A_182, %get3A_180 : vector<16xi1>, vector<16xi32>
        %swap3A_184 = arith.index_cast %scan3A_101 : i32 to index
        %swap3A_185 = arith.constant 109 : index
        %swap3A_186 = tpu.vector_load %arg5[%swap3A_184, %swap3A_185] {strides = array<i32>} : memref<40x125xi32, #tpu.memory_space<vmem>>, vector<1x16xi32>,
        %swap3A_187 = vector.shape_cast %swap3A_186 : vector<1x16xi32> to vector<16xi32>
        %swap3A_188 = vector.shape_cast %select_n3A_183 : vector<16xi32> to vector<1x16xi32>
        tpu.vector_store %arg5[%swap3A_184, %swap3A_185], %swap3A_188 {strides = array<i32>} : memref<40x125xi32, #tpu.memory_space<vmem>>, vector<1x16xi32>,
      }
      %scan3A_75 = arith.constant 40 : i32
      %scan3A_76 = arith.constant 0 : i32
      %scan3A_77 = arith.constant 0 : i32
      %scan3A_78 = arith.constant 40 : i32
      %scan3A_79 = arith.addi %scan3A_77, %scan3A_78 : i32
      %scan3A_80 = arith.constant 1 : i32
      scf.for %scan3A_101 = %scan3A_77 to %scan3A_79 step %scan3A_80  : i32 {
        %get3A = arith.index_cast %scan3A_101 : i32 to index
        %get3A_102 = arith.constant 0 : index
        %get3A_103 = tpu.vector_load %arg6[%get3A, %get3A_102] {strides = array<i32>} : memref<40x125xi32, #tpu.memory_space<vmem>>, vector<1x16xi32>,
        %get3A_104 = vector.shape_cast %get3A_103 : vector<1x16xi32> to vector<16xi32>
        %add3A_105 = vector.broadcast %mul3A_26 : i32 to vector<16xi32>
        %add3A_106 = arith.addi %get3A_104, %add3A_105 : vector<16xi32>
        %swap3A = arith.index_cast %scan3A_101 : i32 to index
        %swap3A_107 = arith.constant 0 : index
        %swap3A_108 = tpu.vector_load %arg6[%swap3A, %swap3A_107] {strides = array<i32>} : memref<40x125xi32, #tpu.memory_space<vmem>>, vector<1x16xi32>,
        %swap3A_109 = vector.shape_cast %swap3A_108 : vector<1x16xi32> to vector<16xi32>
        %swap3A_110 = vector.shape_cast %add3A_106 : vector<16xi32> to vector<1x16xi32>
        tpu.vector_store %arg6[%swap3A, %swap3A_107], %swap3A_110 {strides = array<i32>} : memref<40x125xi32, #tpu.memory_space<vmem>>, vector<1x16xi32>,
        %get3A_111 = arith.index_cast %scan3A_101 : i32 to index
        %get3A_112 = arith.constant 16 : index
        %get3A_113 = tpu.vector_load %arg6[%get3A_111, %get3A_112] {strides = array<i32>} : memref<40x125xi32, #tpu.memory_space<vmem>>, vector<1x16xi32>,
        %get3A_114 = vector.shape_cast %get3A_113 : vector<1x16xi32> to vector<16xi32>
        %add3A_115 = vector.broadcast %mul3A_26 : i32 to vector<16xi32>
        %add3A_116 = arith.addi %get3A_114, %add3A_115 : vector<16xi32>
        %swap3A_117 = arith.index_cast %scan3A_101 : i32 to index
        %swap3A_118 = arith.constant 16 : index
        %swap3A_119 = tpu.vector_load %arg6[%swap3A_117, %swap3A_118] {strides = array<i32>} : memref<40x125xi32, #tpu.memory_space<vmem>>, vector<1x16xi32>,
        %swap3A_120 = vector.shape_cast %swap3A_119 : vector<1x16xi32> to vector<16xi32>
        %swap3A_121 = vector.shape_cast %add3A_116 : vector<16xi32> to vector<1x16xi32>
        tpu.vector_store %arg6[%swap3A_117, %swap3A_118], %swap3A_121 {strides = array<i32>} : memref<40x125xi32, #tpu.memory_space<vmem>>, vector<1x16xi32>,
        %get3A_122 = arith.index_cast %scan3A_101 : i32 to index
        %get3A_123 = arith.constant 32 : index
        %get3A_124 = tpu.vector_load %arg6[%get3A_122, %get3A_123] {strides = array<i32>} : memref<40x125xi32, #tpu.memory_space<vmem>>, vector<1x16xi32>,
        %get3A_125 = vector.shape_cast %get3A_124 : vector<1x16xi32> to vector<16xi32>
        %add3A_126 = vector.broadcast %mul3A_26 : i32 to vector<16xi32>
        %add3A_127 = arith.addi %get3A_125, %add3A_126 : vector<16xi32>
        %swap3A_128 = arith.index_cast %scan3A_101 : i32 to index
        %swap3A_129 = arith.constant 32 : index
        %swap3A_130 = tpu.vector_load %arg6[%swap3A_128, %swap3A_129] {strides = array<i32>} : memref<40x125xi32, #tpu.memory_space<vmem>>, vector<1x16xi32>,
        %swap3A_131 = vector.shape_cast %swap3A_130 : vector<1x16xi32> to vector<16xi32>
        %swap3A_132 = vector.shape_cast %add3A_127 : vector<16xi32> to vector<1x16xi32>
        tpu.vector_store %arg6[%swap3A_128, %swap3A_129], %swap3A_132 {strides = array<i32>} : memref<40x125xi32, #tpu.memory_space<vmem>>, vector<1x16xi32>,
        %get3A_133 = arith.index_cast %scan3A_101 : i32 to index
        %get3A_134 = arith.constant 48 : index
        %get3A_135 = tpu.vector_load %arg6[%get3A_133, %get3A_134] {strides = array<i32>} : memref<40x125xi32, #tpu.memory_space<vmem>>, vector<1x16xi32>,
        %get3A_136 = vector.shape_cast %get3A_135 : vector<1x16xi32> to vector<16xi32>
        %add3A_137 = vector.broadcast %mul3A_26 : i32 to vector<16xi32>
        %add3A_138 = arith.addi %get3A_136, %add3A_137 : vector<16xi32>
        %swap3A_139 = arith.index_cast %scan3A_101 : i32 to index
        %swap3A_140 = arith.constant 48 : index
        %swap3A_141 = tpu.vector_load %arg6[%swap3A_139, %swap3A_140] {strides = array<i32>} : memref<40x125xi32, #tpu.memory_space<vmem>>, vector<1x16xi32>,
        %swap3A_142 = vector.shape_cast %swap3A_141 : vector<1x16xi32> to vector<16xi32>
        %swap3A_143 = vector.shape_cast %add3A_138 : vector<16xi32> to vector<1x16xi32>
        tpu.vector_store %arg6[%swap3A_139, %swap3A_140], %swap3A_143 {strides = array<i32>} : memref<40x125xi32, #tpu.memory_space<vmem>>, vector<1x16xi32>,
        %get3A_144 = arith.index_cast %scan3A_101 : i32 to index
        %get3A_145 = arith.constant 64 : index
        %get3A_146 = tpu.vector_load %arg6[%get3A_144, %get3A_145] {strides = array<i32>} : memref<40x125xi32, #tpu.memory_space<vmem>>, vector<1x16xi32>,
        %get3A_147 = vector.shape_cast %get3A_146 : vector<1x16xi32> to vector<16xi32>
        %add3A_148 = vector.broadcast %mul3A_26 : i32 to vector<16xi32>
        %add3A_149 = arith.addi %get3A_147, %add3A_148 : vector<16xi32>
        %swap3A_150 = arith.index_cast %scan3A_101 : i32 to index
        %swap3A_151 = arith.constant 64 : index
        %swap3A_152 = tpu.vector_load %arg6[%swap3A_150, %swap3A_151] {strides = array<i32>} : memref<40x125xi32, #tpu.memory_space<vmem>>, vector<1x16xi32>,
        %swap3A_153 = vector.shape_cast %swap3A_152 : vector<1x16xi32> to vector<16xi32>
        %swap3A_154 = vector.shape_cast %add3A_149 : vector<16xi32> to vector<1x16xi32>
        tpu.vector_store %arg6[%swap3A_150, %swap3A_151], %swap3A_154 {strides = array<i32>} : memref<40x125xi32, #tpu.memory_space<vmem>>, vector<1x16xi32>,
        %get3A_155 = arith.index_cast %scan3A_101 : i32 to index
        %get3A_156 = arith.constant 80 : index
        %get3A_157 = tpu.vector_load %arg6[%get3A_155, %get3A_156] {strides = array<i32>} : memref<40x125xi32, #tpu.memory_space<vmem>>, vector<1x16xi32>,
        %get3A_158 = vector.shape_cast %get3A_157 : vector<1x16xi32> to vector<16xi32>
        %add3A_159 = vector.broadcast %mul3A_26 : i32 to vector<16xi32>
        %add3A_160 = arith.addi %get3A_158, %add3A_159 : vector<16xi32>
        %swap3A_161 = arith.index_cast %scan3A_101 : i32 to index
        %swap3A_162 = arith.constant 80 : index
        %swap3A_163 = tpu.vector_load %arg6[%swap3A_161, %swap3A_162] {strides = array<i32>} : memref<40x125xi32, #tpu.memory_space<vmem>>, vector<1x16xi32>,
        %swap3A_164 = vector.shape_cast %swap3A_163 : vector<1x16xi32> to vector<16xi32>
        %swap3A_165 = vector.shape_cast %add3A_160 : vector<16xi32> to vector<1x16xi32>
        tpu.vector_store %arg6[%swap3A_161, %swap3A_162], %swap3A_165 {strides = array<i32>} : memref<40x125xi32, #tpu.memory_space<vmem>>, vector<1x16xi32>,
        %get3A_166 = arith.index_cast %scan3A_101 : i32 to index
        %get3A_167 = arith.constant 96 : index
        %get3A_168 = tpu.vector_load %arg6[%get3A_166, %get3A_167] {strides = array<i32>} : memref<40x125xi32, #tpu.memory_space<vmem>>, vector<1x16xi32>,
        %get3A_169 = vector.shape_cast %get3A_168 : vector<1x16xi32> to vector<16xi32>
        %add3A_170 = vector.broadcast %mul3A_26 : i32 to vector<16xi32>
        %add3A_171 = arith.addi %get3A_169, %add3A_170 : vector<16xi32>
        %swap3A_172 = arith.index_cast %scan3A_101 : i32 to index
        %swap3A_173 = arith.constant 96 : index
        %swap3A_174 = tpu.vector_load %arg6[%swap3A_172, %swap3A_173] {strides = array<i32>} : memref<40x125xi32, #tpu.memory_space<vmem>>, vector<1x16xi32>,
        %swap3A_175 = vector.shape_cast %swap3A_174 : vector<1x16xi32> to vector<16xi32>
        %swap3A_176 = vector.shape_cast %add3A_171 : vector<16xi32> to vector<1x16xi32>
        tpu.vector_store %arg6[%swap3A_172, %swap3A_173], %swap3A_176 {strides = array<i32>} : memref<40x125xi32, #tpu.memory_space<vmem>>, vector<1x16xi32>,
        %get3A_177 = arith.index_cast %scan3A_101 : i32 to index
        %get3A_178 = arith.constant 109 : index
        %get3A_179 = tpu.vector_load %arg6[%get3A_177, %get3A_178] {strides = array<i32>} : memref<40x125xi32, #tpu.memory_space<vmem>>, vector<1x16xi32>,
        %get3A_180 = vector.shape_cast %get3A_179 : vector<1x16xi32> to vector<16xi32>
        %add3A_181 = vector.broadcast %mul3A_26 : i32 to vector<16xi32>
        %add3A_182 = arith.addi %get3A_180, %add3A_181 : vector<16xi32>
        %select_n3A_183 = arith.select %ge3A_2, %add3A_182, %get3A_180 : vector<16xi1>, vector<16xi32>
        %swap3A_184 = arith.index_cast %scan3A_101 : i32 to index
        %swap3A_185 = arith.constant 109 : index
        %swap3A_186 = tpu.vector_load %arg6[%swap3A_184, %swap3A_185] {strides = array<i32>} : memref<40x125xi32, #tpu.memory_space<vmem>>, vector<1x16xi32>,
        %swap3A_187 = vector.shape_cast %swap3A_186 : vector<1x16xi32> to vector<16xi32>
        %swap3A_188 = vector.shape_cast %select_n3A_183 : vector<16xi32> to vector<1x16xi32>
        tpu.vector_store %arg6[%swap3A_184, %swap3A_185], %swap3A_188 {strides = array<i32>} : memref<40x125xi32, #tpu.memory_space<vmem>>, vector<1x16xi32>,
      }
      %scan3A_81 = arith.constant 40 : i32
      %scan3A_82 = arith.constant 0 : i32
      %scan3A_83 = arith.constant 0 : i32
      %scan3A_84 = arith.constant 20 : i32
      %scan3A_85 = arith.addi %scan3A_83, %scan3A_84 : i32
      %scan3A_86 = arith.constant 1 : i32
      scf.for %scan3A_101 = %scan3A_83 to %scan3A_85 step %scan3A_86  : i32 {
        %mul3A_102 = arith.constant 2 : i32
        %mul3A_103 = arith.muli %mul3A_102, %scan3A_101 : i32
        %add3A_104 = arith.constant 1 : i32
        %add3A_105 = arith.addi %mul3A_103, %add3A_104 : i32
        %gt3A = arith.constant 0 : i32
        %gt3A_106 = arith.cmpi sgt, %scan3A_101, %gt3A : i32
        %convert_element_type3A_107 = arith.extui %gt3A_106 : i1 to i32
        %cond3A_108 = arith.constant 0 : i32
        %cond3A_109 = arith.cmpi ne, %convert_element_type3A_107, %cond3A_108 : i32
        scf.if %cond3A_109 {
          %dma_wait3A_150 = arith.constant 0 : i32
          %dma_wait3A_151 = tpu.memref_slice %arg6[%mul3A_103, %dma_wait3A_150] : memref<40x125xi32, #tpu.memory_space<vmem>> -> memref<1x125xi32, #tpu.memory_space<vmem>>
          %dma_wait3A_152 = tpu.memref_squeeze %dma_wait3A_151 : memref<1x125xi32, #tpu.memory_space<vmem>> -> memref<125xi32, #tpu.memory_space<vmem>>
          %dma_wait3A_153 = arith.constant 0 : i32
          %dma_wait3A_154 = arith.constant 0 : i32
          %dma_wait3A_155 = tpu.memref_slice %arg9[%dma_wait3A_153, %dma_wait3A_154] : memref<10000x128xf32, #tpu.memory_space<vmem_shared>> -> memref<10000x128xf32, #tpu.memory_space<vmem_shared>>
          tpu.wait_indirect_dma semaphore(%arg12 : memref<!tpu.dma_semaphore, #tpu.memory_space<semaphore_mem>>) src(%arg7 : memref<125x128xf32, #tpu.memory_space<vmem>>) dst(%dma_wait3A_155 : memref<10000x128xf32, #tpu.memory_space<vmem_shared>>)
        } else {
        }
        %dma_start3A = arith.constant 0 : i32
        %dma_start3A_110 = tpu.memref_slice %arg5[%mul3A_103, %dma_start3A] : memref<40x125xi32, #tpu.memory_space<vmem>> -> memref<1x125xi32, #tpu.memory_space<vmem>>
        %dma_start3A_111 = tpu.memref_squeeze %dma_start3A_110 : memref<1x125xi32, #tpu.memory_space<vmem>> -> memref<125xi32, #tpu.memory_space<vmem>>
        %dma_start3A_112 = arith.constant 0 : i32
        %dma_start3A_113 = arith.constant 0 : i32
        %dma_start3A_114 = tpu.memref_slice %arg2[%dma_start3A_112, %dma_start3A_113] : memref<20000x128xf32, #tpu.memory_space<hbm>> -> memref<20000x128xf32, #tpu.memory_space<hbm>>
        tpu.enqueue_indirect_dma source(%dma_start3A_114 : memref<20000x128xf32, #tpu.memory_space<hbm>>) target(%arg7 : memref<125x128xf32, #tpu.memory_space<vmem>>) offsets(%dma_start3A_111 : memref<125xi32, #tpu.memory_space<vmem>>) semaphore(%arg10 : memref<!tpu.dma_semaphore, #tpu.memory_space<semaphore_mem>>)
        %gt3A_115 = arith.constant 0 : i32
        %gt3A_116 = arith.cmpi sgt, %scan3A_101, %gt3A_115 : i32
        %convert_element_type3A_117 = arith.extui %gt3A_116 : i1 to i32
        %cond3A_118 = arith.constant 0 : i32
        %cond3A_119 = arith.cmpi ne, %convert_element_type3A_117, %cond3A_118 : i32
        scf.if %cond3A_119 {
          %dma_wait3A_150 = arith.constant 0 : i32
          %dma_wait3A_151 = tpu.memref_slice %arg6[%add3A_105, %dma_wait3A_150] : memref<40x125xi32, #tpu.memory_space<vmem>> -> memref<1x125xi32, #tpu.memory_space<vmem>>
          %dma_wait3A_152 = tpu.memref_squeeze %dma_wait3A_151 : memref<1x125xi32, #tpu.memory_space<vmem>> -> memref<125xi32, #tpu.memory_space<vmem>>
          %dma_wait3A_153 = arith.constant 0 : i32
          %dma_wait3A_154 = arith.constant 0 : i32
          %dma_wait3A_155 = tpu.memref_slice %arg9[%dma_wait3A_153, %dma_wait3A_154] : memref<10000x128xf32, #tpu.memory_space<vmem_shared>> -> memref<10000x128xf32, #tpu.memory_space<vmem_shared>>
          tpu.wait_indirect_dma semaphore(%arg13 : memref<!tpu.dma_semaphore, #tpu.memory_space<semaphore_mem>>) src(%arg8 : memref<125x128xf32, #tpu.memory_space<vmem>>) dst(%dma_wait3A_155 : memref<10000x128xf32, #tpu.memory_space<vmem_shared>>)
        } else {
        }
        %dma_start3A_120 = arith.constant 0 : i32
        %dma_start3A_121 = tpu.memref_slice %arg5[%add3A_105, %dma_start3A_120] : memref<40x125xi32, #tpu.memory_space<vmem>> -> memref<1x125xi32, #tpu.memory_space<vmem>>
        %dma_start3A_122 = tpu.memref_squeeze %dma_start3A_121 : memref<1x125xi32, #tpu.memory_space<vmem>> -> memref<125xi32, #tpu.memory_space<vmem>>
        %dma_start3A_123 = arith.constant 0 : i32
        %dma_start3A_124 = arith.constant 0 : i32
        %dma_start3A_125 = tpu.memref_slice %arg2[%dma_start3A_123, %dma_start3A_124] : memref<20000x128xf32, #tpu.memory_space<hbm>> -> memref<20000x128xf32, #tpu.memory_space<hbm>>
        tpu.enqueue_indirect_dma source(%dma_start3A_125 : memref<20000x128xf32, #tpu.memory_space<hbm>>) target(%arg8 : memref<125x128xf32, #tpu.memory_space<vmem>>) offsets(%dma_start3A_122 : memref<125xi32, #tpu.memory_space<vmem>>) semaphore(%arg11 : memref<!tpu.dma_semaphore, #tpu.memory_space<semaphore_mem>>)
        %dma_wait3A_126 = arith.constant 0 : i32
        %dma_wait3A_127 = tpu.memref_slice %arg5[%mul3A_103, %dma_wait3A_126] : memref<40x125xi32, #tpu.memory_space<vmem>> -> memref<1x125xi32, #tpu.memory_space<vmem>>
        %dma_wait3A_128 = tpu.memref_squeeze %dma_wait3A_127 : memref<1x125xi32, #tpu.memory_space<vmem>> -> memref<125xi32, #tpu.memory_space<vmem>>
        %dma_wait3A_129 = arith.constant 0 : i32
        %dma_wait3A_130 = arith.constant 0 : i32
        %dma_wait3A_131 = tpu.memref_slice %arg2[%dma_wait3A_129, %dma_wait3A_130] : memref<20000x128xf32, #tpu.memory_space<hbm>> -> memref<20000x128xf32, #tpu.memory_space<hbm>>
        tpu.wait_indirect_dma semaphore(%arg10 : memref<!tpu.dma_semaphore, #tpu.memory_space<semaphore_mem>>) src(%dma_wait3A_131 : memref<20000x128xf32, #tpu.memory_space<hbm>>) dst(%arg7 : memref<125x128xf32, #tpu.memory_space<vmem>>)
        %dma_start3A_132 = arith.constant 0 : i32
        %dma_start3A_133 = tpu.memref_slice %arg6[%mul3A_103, %dma_start3A_132] : memref<40x125xi32, #tpu.memory_space<vmem>> -> memref<1x125xi32, #tpu.memory_space<vmem>>
        %dma_start3A_134 = tpu.memref_squeeze %dma_start3A_133 : memref<1x125xi32, #tpu.memory_space<vmem>> -> memref<125xi32, #tpu.memory_space<vmem>>
        %dma_start3A_135 = arith.constant 0 : i32
        %dma_start3A_136 = arith.constant 0 : i32
        %dma_start3A_137 = tpu.memref_slice %arg9[%dma_start3A_135, %dma_start3A_136] : memref<10000x128xf32, #tpu.memory_space<vmem_shared>> -> memref<10000x128xf32, #tpu.memory_space<vmem_shared>>
        tpu.enqueue_indirect_dma source(%arg7 : memref<125x128xf32, #tpu.memory_space<vmem>>) target(%dma_start3A_137 : memref<10000x128xf32, #tpu.memory_space<vmem_shared>>) offsets(%dma_start3A_134 : memref<125xi32, #tpu.memory_space<vmem>>) semaphore(%arg12 : memref<!tpu.dma_semaphore, #tpu.memory_space<semaphore_mem>>) {add = true}
        %dma_wait3A_138 = arith.constant 0 : i32
        %dma_wait3A_139 = tpu.memref_slice %arg5[%add3A_105, %dma_wait3A_138] : memref<40x125xi32, #tpu.memory_space<vmem>> -> memref<1x125xi32, #tpu.memory_space<vmem>>
        %dma_wait3A_140 = tpu.memref_squeeze %dma_wait3A_139 : memref<1x125xi32, #tpu.memory_space<vmem>> -> memref<125xi32, #tpu.memory_space<vmem>>
        %dma_wait3A_141 = arith.constant 0 : i32
        %dma_wait3A_142 = arith.constant 0 : i32
        %dma_wait3A_143 = tpu.memref_slice %arg2[%dma_wait3A_141, %dma_wait3A_142] : memref<20000x128xf32, #tpu.memory_space<hbm>> -> memref<20000x128xf32, #tpu.memory_space<hbm>>
        tpu.wait_indirect_dma semaphore(%arg11 : memref<!tpu.dma_semaphore, #tpu.memory_space<semaphore_mem>>) src(%dma_wait3A_143 : memref<20000x128xf32, #tpu.memory_space<hbm>>) dst(%arg8 : memref<125x128xf32, #tpu.memory_space<vmem>>)
        %dma_start3A_144 = arith.constant 0 : i32
        %dma_start3A_145 = tpu.memref_slice %arg6[%add3A_105, %dma_start3A_144] : memref<40x125xi32, #tpu.memory_space<vmem>> -> memref<1x125xi32, #tpu.memory_space<vmem>>
        %dma_start3A_146 = tpu.memref_squeeze %dma_start3A_145 : memref<1x125xi32, #tpu.memory_space<vmem>> -> memref<125xi32, #tpu.memory_space<vmem>>
        %dma_start3A_147 = arith.constant 0 : i32
        %dma_start3A_148 = arith.constant 0 : i32
        %dma_start3A_149 = tpu.memref_slice %arg9[%dma_start3A_147, %dma_start3A_148] : memref<10000x128xf32, #tpu.memory_space<vmem_shared>> -> memref<10000x128xf32, #tpu.memory_space<vmem_shared>>
        tpu.enqueue_indirect_dma source(%arg8 : memref<125x128xf32, #tpu.memory_space<vmem>>) target(%dma_start3A_149 : memref<10000x128xf32, #tpu.memory_space<vmem_shared>>) offsets(%dma_start3A_146 : memref<125xi32, #tpu.memory_space<vmem>>) semaphore(%arg13 : memref<!tpu.dma_semaphore, #tpu.memory_space<semaphore_mem>>) {add = true}
      }
      %scan3A_87 = arith.constant 20 : i32
      %dma_wait3A = arith.constant 0 : i32
      %dma_wait3A_88 = arith.constant 0 : i32
      %dma_wait3A_89 = tpu.memref_slice %arg6[%dma_wait3A, %dma_wait3A_88] : memref<40x125xi32, #tpu.memory_space<vmem>> -> memref<1x125xi32, #tpu.memory_space<vmem>>
      %dma_wait3A_90 = tpu.memref_squeeze %dma_wait3A_89 : memref<1x125xi32, #tpu.memory_space<vmem>> -> memref<125xi32, #tpu.memory_space<vmem>>
      %dma_wait3A_91 = arith.constant 0 : i32
      %dma_wait3A_92 = arith.constant 0 : i32
      %dma_wait3A_93 = tpu.memref_slice %arg9[%dma_wait3A_91, %dma_wait3A_92] : memref<10000x128xf32, #tpu.memory_space<vmem_shared>> -> memref<10000x128xf32, #tpu.memory_space<vmem_shared>>
      tpu.wait_indirect_dma semaphore(%arg12 : memref<!tpu.dma_semaphore, #tpu.memory_space<semaphore_mem>>) src(%arg7 : memref<125x128xf32, #tpu.memory_space<vmem>>) dst(%dma_wait3A_93 : memref<10000x128xf32, #tpu.memory_space<vmem_shared>>)
      %dma_wait3A_94 = arith.constant 0 : i32
      %dma_wait3A_95 = arith.constant 0 : i32
      %dma_wait3A_96 = tpu.memref_slice %arg6[%dma_wait3A_94, %dma_wait3A_95] : memref<40x125xi32, #tpu.memory_space<vmem>> -> memref<1x125xi32, #tpu.memory_space<vmem>>
      %dma_wait3A_97 = tpu.memref_squeeze %dma_wait3A_96 : memref<1x125xi32, #tpu.memory_space<vmem>> -> memref<125xi32, #tpu.memory_space<vmem>>
      %dma_wait3A_98 = arith.constant 0 : i32
      %dma_wait3A_99 = arith.constant 0 : i32
      %dma_wait3A_100 = tpu.memref_slice %arg9[%dma_wait3A_98, %dma_wait3A_99] : memref<10000x128xf32, #tpu.memory_space<vmem_shared>> -> memref<10000x128xf32, #tpu.memory_space<vmem_shared>>
      tpu.wait_indirect_dma semaphore(%arg13 : memref<!tpu.dma_semaphore, #tpu.memory_space<semaphore_mem>>) src(%arg8 : memref<125x128xf32, #tpu.memory_space<vmem>>) dst(%dma_wait3A_100 : memref<10000x128xf32, #tpu.memory_space<vmem_shared>>)
    }
    %scan3A_56 = arith.constant 2 : i32
    %barrier3A_57 = arith.constant 0 : index
    tpu.barrier barrier_id(%barrier3A_57)
    %lt3A_58 = arith.constant 10 : i32
    %lt3A_59 = arith.cmpi slt, %arg1, %lt3A_58 : i32
    %convert_element_type3A_60 = arith.extui %lt3A_59 : i1 to i32
    %cond3A_61 = arith.constant 0 : i32
    %cond3A_62 = arith.cmpi ne, %convert_element_type3A_60, %cond3A_61 : i32
    scf.if %cond3A_62 {
      %mul3A_63 = arith.constant 1000 : i32
      %mul3A_64 = arith.muli %arg1, %mul3A_63 : i32
      "tpu.region"() ({
        %run_scoped3A = tpu.sem_alloc : memref<!tpu.dma_semaphore, #tpu.memory_space<semaphore_mem>>
        %dma_start3A = arith.constant 0 : i32
        %dma_start3A_65 = tpu.memref_slice %arg4[%arg0, %mul3A_64, %dma_start3A] : memref<2x10000x128xf32, #tpu.memory_space<hbm>> -> memref<1x1000x128xf32, #tpu.memory_space<hbm>>
        %dma_start3A_66 = tpu.memref_squeeze %dma_start3A_65 : memref<1x1000x128xf32, #tpu.memory_space<hbm>> -> memref<1000x128xf32, #tpu.memory_space<hbm>>
        %dma_start3A_67 = arith.constant 0 : i32
        %dma_start3A_68 = tpu.memref_slice %arg9[%mul3A_64, %dma_start3A_67] : memref<10000x128xf32, #tpu.memory_space<vmem_shared>> -> memref<1000x128xf32, #tpu.memory_space<vmem_shared>>
        tpu.enqueue_dma source(%dma_start3A_68 : memref<1000x128xf32, #tpu.memory_space<vmem_shared>>) target(%dma_start3A_66 : memref<1000x128xf32, #tpu.memory_space<hbm>>) target_semaphore(%run_scoped3A : memref<!tpu.dma_semaphore, #tpu.memory_space<semaphore_mem>>)
        %dma_wait3A = arith.constant 0 : i32
        %dma_wait3A_69 = tpu.memref_slice %arg4[%arg0, %mul3A_64, %dma_wait3A] : memref<2x10000x128xf32, #tpu.memory_space<hbm>> -> memref<1x1000x128xf32, #tpu.memory_space<hbm>>
        %dma_wait3A_70 = tpu.memref_squeeze %dma_wait3A_69 : memref<1x1000x128xf32, #tpu.memory_space<hbm>> -> memref<1000x128xf32, #tpu.memory_space<hbm>>
        %dma_wait3A_71 = arith.constant 0 : i32
        %dma_wait3A_72 = tpu.memref_slice %arg9[%mul3A_64, %dma_wait3A_71] : memref<10000x128xf32, #tpu.memory_space<vmem_shared>> -> memref<1000x128xf32, #tpu.memory_space<vmem_shared>>
        tpu.wait_dma2 semaphore(%run_scoped3A : memref<!tpu.dma_semaphore, #tpu.memory_space<semaphore_mem>>) src(%dma_wait3A_72 : memref<1000x128xf32, #tpu.memory_space<vmem_shared>>) dst(%dma_wait3A_70 : memref<1000x128xf32, #tpu.memory_space<hbm>>)
        tpu.yield
      }) : () -> ()
    } else {
    }
    return
  }
}

#map = affine_map<(d0, d1) -> (0, 0)>
#map1 = affine_map<(d0, d1) -> (0, 0, 0)>
module attributes {stable_mosaic.version = 14 : i64} {
  func.func @_sc_agg_body(%arg0: i32, %arg1: i32, %arg2: memref<20000x128xf32, #tpu.memory_space<hbm>>, %arg3: memref<2560x125xi32, #tpu.memory_space<hbm>>, %arg4: memref<2x10000x128xf32, #tpu.memory_space<hbm>>, %arg5: memref<40x125xi32, #tpu.memory_space<vmem>>, %arg6: memref<40x125xi32, #tpu.memory_space<vmem>>, %arg7: memref<125x128xf32, #tpu.memory_space<vmem>>, %arg8: memref<125x128xf32, #tpu.memory_space<vmem>>, %arg9: memref<10000x128xf32, #tpu.memory_space<vmem_shared>>, %arg10: memref<!tpu.dma_semaphore, #tpu.memory_space<semaphore_mem>>, %arg11: memref<!tpu.dma_semaphore, #tpu.memory_space<semaphore_mem>>, %arg12: memref<!tpu.dma_semaphore, #tpu.memory_space<semaphore_mem>>, %arg13: memref<!tpu.dma_semaphore, #tpu.memory_space<semaphore_mem>>) attributes {dimension_semantics = [#tpu.dimension_semantics<core_parallel>, #tpu.dimension_semantics<subcore_parallel>], iteration_bounds = array<i64: 2, 16>, scalar_prefetch = 0 : i64, scratch_operands = 9 : i64, tpu.core_type = #tpu.core_type<sc_vector_subcore>, window_params = [{transform_indices = #map}, {transform_indices = #map}, {transform_indices = #map1}]} {
    %broadcast_in_dim3A = arith.constant 0.000000e+00 : f32
    %broadcast_in_dim3A_0 = vector.broadcast %broadcast_in_dim3A : f32 to vector<16xf32>
    %iota3A = tpu.iota {dimensions = array<i32: 0>} : vector<16xi32>
    %ge3A = arith.constant 3 : i32
    %ge3A_1 = vector.broadcast %ge3A : i32 to vector<16xi32>
    %ge3A_2 = arith.cmpi sge, %iota3A, %ge3A_1 : vector<16xi32>
    %scan3A = arith.constant 0 : i32
    %scan3A_3 = arith.constant 0 : i32
    %scan3A_4 = arith.constant 125 : i32
    %scan3A_5 = arith.addi %scan3A_3, %scan3A_4 : i32
    %scan3A_6 = arith.constant 1 : i32
    scf.for %scan3A_63 = %scan3A_3 to %scan3A_5 step %scan3A_6  : i32 {
      %swap3A = arith.index_cast %scan3A_63 : i32 to index
      %swap3A_64 = arith.constant 0 : index
      %swap3A_65 = tpu.vector_load %arg7[%swap3A, %swap3A_64] {strides = array<i32>} : memref<125x128xf32, #tpu.memory_space<vmem>>, vector<1x16xf32>,
      %swap3A_66 = vector.shape_cast %swap3A_65 : vector<1x16xf32> to vector<16xf32>
      %swap3A_67 = vector.shape_cast %broadcast_in_dim3A_0 : vector<16xf32> to vector<1x16xf32>
      tpu.vector_store %arg7[%swap3A, %swap3A_64], %swap3A_67 {strides = array<i32>} : memref<125x128xf32, #tpu.memory_space<vmem>>, vector<1x16xf32>,
      %swap3A_68 = arith.index_cast %scan3A_63 : i32 to index
      %swap3A_69 = arith.constant 16 : index
      %swap3A_70 = tpu.vector_load %arg7[%swap3A_68, %swap3A_69] {strides = array<i32>} : memref<125x128xf32, #tpu.memory_space<vmem>>, vector<1x16xf32>,
      %swap3A_71 = vector.shape_cast %swap3A_70 : vector<1x16xf32> to vector<16xf32>
      %swap3A_72 = vector.shape_cast %broadcast_in_dim3A_0 : vector<16xf32> to vector<1x16xf32>
      tpu.vector_store %arg7[%swap3A_68, %swap3A_69], %swap3A_72 {strides = array<i32>} : memref<125x128xf32, #tpu.memory_space<vmem>>, vector<1x16xf32>,
      %swap3A_73 = arith.index_cast %scan3A_63 : i32 to index
      %swap3A_74 = arith.constant 32 : index
      %swap3A_75 = tpu.vector_load %arg7[%swap3A_73, %swap3A_74] {strides = array<i32>} : memref<125x128xf32, #tpu.memory_space<vmem>>, vector<1x16xf32>,
      %swap3A_76 = vector.shape_cast %swap3A_75 : vector<1x16xf32> to vector<16xf32>
      %swap3A_77 = vector.shape_cast %broadcast_in_dim3A_0 : vector<16xf32> to vector<1x16xf32>
      tpu.vector_store %arg7[%swap3A_73, %swap3A_74], %swap3A_77 {strides = array<i32>} : memref<125x128xf32, #tpu.memory_space<vmem>>, vector<1x16xf32>,
      %swap3A_78 = arith.index_cast %scan3A_63 : i32 to index
      %swap3A_79 = arith.constant 48 : index
      %swap3A_80 = tpu.vector_load %arg7[%swap3A_78, %swap3A_79] {strides = array<i32>} : memref<125x128xf32, #tpu.memory_space<vmem>>, vector<1x16xf32>,
      %swap3A_81 = vector.shape_cast %swap3A_80 : vector<1x16xf32> to vector<16xf32>
      %swap3A_82 = vector.shape_cast %broadcast_in_dim3A_0 : vector<16xf32> to vector<1x16xf32>
      tpu.vector_store %arg7[%swap3A_78, %swap3A_79], %swap3A_82 {strides = array<i32>} : memref<125x128xf32, #tpu.memory_space<vmem>>, vector<1x16xf32>,
      %swap3A_83 = arith.index_cast %scan3A_63 : i32 to index
      %swap3A_84 = arith.constant 64 : index
      %swap3A_85 = tpu.vector_load %arg7[%swap3A_83, %swap3A_84] {strides = array<i32>} : memref<125x128xf32, #tpu.memory_space<vmem>>, vector<1x16xf32>,
      %swap3A_86 = vector.shape_cast %swap3A_85 : vector<1x16xf32> to vector<16xf32>
      %swap3A_87 = vector.shape_cast %broadcast_in_dim3A_0 : vector<16xf32> to vector<1x16xf32>
      tpu.vector_store %arg7[%swap3A_83, %swap3A_84], %swap3A_87 {strides = array<i32>} : memref<125x128xf32, #tpu.memory_space<vmem>>, vector<1x16xf32>,
      %swap3A_88 = arith.index_cast %scan3A_63 : i32 to index
      %swap3A_89 = arith.constant 80 : index
      %swap3A_90 = tpu.vector_load %arg7[%swap3A_88, %swap3A_89] {strides = array<i32>} : memref<125x128xf32, #tpu.memory_space<vmem>>, vector<1x16xf32>,
      %swap3A_91 = vector.shape_cast %swap3A_90 : vector<1x16xf32> to vector<16xf32>
      %swap3A_92 = vector.shape_cast %broadcast_in_dim3A_0 : vector<16xf32> to vector<1x16xf32>
      tpu.vector_store %arg7[%swap3A_88, %swap3A_89], %swap3A_92 {strides = array<i32>} : memref<125x128xf32, #tpu.memory_space<vmem>>, vector<1x16xf32>,
      %swap3A_93 = arith.index_cast %scan3A_63 : i32 to index
      %swap3A_94 = arith.constant 96 : index
      %swap3A_95 = tpu.vector_load %arg7[%swap3A_93, %swap3A_94] {strides = array<i32>} : memref<125x128xf32, #tpu.memory_space<vmem>>, vector<1x16xf32>,
      %swap3A_96 = vector.shape_cast %swap3A_95 : vector<1x16xf32> to vector<16xf32>
      %swap3A_97 = vector.shape_cast %broadcast_in_dim3A_0 : vector<16xf32> to vector<1x16xf32>
      tpu.vector_store %arg7[%swap3A_93, %swap3A_94], %swap3A_97 {strides = array<i32>} : memref<125x128xf32, #tpu.memory_space<vmem>>, vector<1x16xf32>,
      %swap3A_98 = arith.index_cast %scan3A_63 : i32 to index
      %swap3A_99 = arith.constant 112 : index
      %swap3A_100 = tpu.vector_load %arg7[%swap3A_98, %swap3A_99] {strides = array<i32>} : memref<125x128xf32, #tpu.memory_space<vmem>>, vector<1x16xf32>,
      %swap3A_101 = vector.shape_cast %swap3A_100 : vector<1x16xf32> to vector<16xf32>
      %swap3A_102 = vector.shape_cast %broadcast_in_dim3A_0 : vector<16xf32> to vector<1x16xf32>
      tpu.vector_store %arg7[%swap3A_98, %swap3A_99], %swap3A_102 {strides = array<i32>} : memref<125x128xf32, #tpu.memory_space<vmem>>, vector<1x16xf32>,
    }
    %scan3A_7 = arith.constant 125 : i32
    %lt3A = arith.constant 10 : i32
    %lt3A_8 = arith.cmpi slt, %arg1, %lt3A : i32
    %convert_element_type3A = arith.extui %lt3A_8 : i1 to i32
    %cond3A = arith.constant 0 : i32
    %cond3A_9 = arith.cmpi ne, %convert_element_type3A, %cond3A : i32
    scf.if %cond3A_9 {
      %mul3A_63 = arith.constant 1000 : i32
      %mul3A_64 = arith.muli %arg1, %mul3A_63 : i32
      %add3A_65 = arith.constant 0 : i32
      %add3A_66 = arith.addi %mul3A_64, %add3A_65 : i32
      "tpu.region"() ({
        %run_scoped3A = tpu.sem_alloc : memref<!tpu.dma_semaphore, #tpu.memory_space<semaphore_mem>>
        %dma_start3A = arith.constant 0 : i32
        %dma_start3A_95 = tpu.memref_slice %arg9[%add3A_66, %dma_start3A] : memref<10000x128xf32, #tpu.memory_space<vmem_shared>> -> memref<125x128xf32, #tpu.memory_space<vmem_shared>>
        %dma_start3A_96 = arith.constant 0 : i32
        %dma_start3A_97 = tpu.memref_slice %arg9[%add3A_66, %dma_start3A_96] : memref<10000x128xf32, #tpu.memory_space<vmem_shared>> -> memref<125x128xf32, #tpu.memory_space<vmem_shared>>
        tpu.enqueue_dma source(%arg7 : memref<125x128xf32, #tpu.memory_space<vmem>>) target(%dma_start3A_97 : memref<125x128xf32, #tpu.memory_space<vmem_shared>>) target_semaphore(%run_scoped3A : memref<!tpu.dma_semaphore, #tpu.memory_space<semaphore_mem>>)
        %dma_wait3A = arith.constant 0 : i32
        %dma_wait3A_98 = tpu.memref_slice %arg9[%add3A_66, %dma_wait3A] : memref<10000x128xf32, #tpu.memory_space<vmem_shared>> -> memref<125x128xf32, #tpu.memory_space<vmem_shared>>
        %dma_wait3A_99 = arith.constant 0 : i32
        %dma_wait3A_100 = tpu.memref_slice %arg9[%add3A_66, %dma_wait3A_99] : memref<10000x128xf32, #tpu.memory_space<vmem_shared>> -> memref<125x128xf32, #tpu.memory_space<vmem_shared>>
        tpu.wait_dma2 semaphore(%run_scoped3A : memref<!tpu.dma_semaphore, #tpu.memory_space<semaphore_mem>>) src(%arg7 : memref<125x128xf32, #tpu.memory_space<vmem>>) dst(%dma_wait3A_100 : memref<125x128xf32, #tpu.memory_space<vmem_shared>>)
        tpu.yield
      }) : () -> ()
      %mul3A_67 = arith.constant 1000 : i32
      %mul3A_68 = arith.muli %arg1, %mul3A_67 : i32
      %add3A_69 = arith.constant 125 : i32
      %add3A_70 = arith.addi %mul3A_68, %add3A_69 : i32
      "tpu.region"() ({
        %run_scoped3A = tpu.sem_alloc : memref<!tpu.dma_semaphore, #tpu.memory_space<semaphore_mem>>
        %dma_start3A = arith.constant 0 : i32
        %dma_start3A_95 = tpu.memref_slice %arg9[%add3A_70, %dma_start3A] : memref<10000x128xf32, #tpu.memory_space<vmem_shared>> -> memref<125x128xf32, #tpu.memory_space<vmem_shared>>
        %dma_start3A_96 = arith.constant 0 : i32
        %dma_start3A_97 = tpu.memref_slice %arg9[%add3A_70, %dma_start3A_96] : memref<10000x128xf32, #tpu.memory_space<vmem_shared>> -> memref<125x128xf32, #tpu.memory_space<vmem_shared>>
        tpu.enqueue_dma source(%arg7 : memref<125x128xf32, #tpu.memory_space<vmem>>) target(%dma_start3A_97 : memref<125x128xf32, #tpu.memory_space<vmem_shared>>) target_semaphore(%run_scoped3A : memref<!tpu.dma_semaphore, #tpu.memory_space<semaphore_mem>>)
        %dma_wait3A = arith.constant 0 : i32
        %dma_wait3A_98 = tpu.memref_slice %arg9[%add3A_70, %dma_wait3A] : memref<10000x128xf32, #tpu.memory_space<vmem_shared>> -> memref<125x128xf32, #tpu.memory_space<vmem_shared>>
        %dma_wait3A_99 = arith.constant 0 : i32
        %dma_wait3A_100 = tpu.memref_slice %arg9[%add3A_70, %dma_wait3A_99] : memref<10000x128xf32, #tpu.memory_space<vmem_shared>> -> memref<125x128xf32, #tpu.memory_space<vmem_shared>>
        tpu.wait_dma2 semaphore(%run_scoped3A : memref<!tpu.dma_semaphore, #tpu.memory_space<semaphore_mem>>) src(%arg7 : memref<125x128xf32, #tpu.memory_space<vmem>>) dst(%dma_wait3A_100 : memref<125x128xf32, #tpu.memory_space<vmem_shared>>)
        tpu.yield
      }) : () -> ()
      %mul3A_71 = arith.constant 1000 : i32
      %mul3A_72 = arith.muli %arg1, %mul3A_71 : i32
      %add3A_73 = arith.constant 250 : i32
      %add3A_74 = arith.addi %mul3A_72, %add3A_73 : i32
      "tpu.region"() ({
        %run_scoped3A = tpu.sem_alloc : memref<!tpu.dma_semaphore, #tpu.memory_space<semaphore_mem>>
        %dma_start3A = arith.constant 0 : i32
        %dma_start3A_95 = tpu.memref_slice %arg9[%add3A_74, %dma_start3A] : memref<10000x128xf32, #tpu.memory_space<vmem_shared>> -> memref<125x128xf32, #tpu.memory_space<vmem_shared>>
        %dma_start3A_96 = arith.constant 0 : i32
        %dma_start3A_97 = tpu.memref_slice %arg9[%add3A_74, %dma_start3A_96] : memref<10000x128xf32, #tpu.memory_space<vmem_shared>> -> memref<125x128xf32, #tpu.memory_space<vmem_shared>>
        tpu.enqueue_dma source(%arg7 : memref<125x128xf32, #tpu.memory_space<vmem>>) target(%dma_start3A_97 : memref<125x128xf32, #tpu.memory_space<vmem_shared>>) target_semaphore(%run_scoped3A : memref<!tpu.dma_semaphore, #tpu.memory_space<semaphore_mem>>)
        %dma_wait3A = arith.constant 0 : i32
        %dma_wait3A_98 = tpu.memref_slice %arg9[%add3A_74, %dma_wait3A] : memref<10000x128xf32, #tpu.memory_space<vmem_shared>> -> memref<125x128xf32, #tpu.memory_space<vmem_shared>>
        %dma_wait3A_99 = arith.constant 0 : i32
        %dma_wait3A_100 = tpu.memref_slice %arg9[%add3A_74, %dma_wait3A_99] : memref<10000x128xf32, #tpu.memory_space<vmem_shared>> -> memref<125x128xf32, #tpu.memory_space<vmem_shared>>
        tpu.wait_dma2 semaphore(%run_scoped3A : memref<!tpu.dma_semaphore, #tpu.memory_space<semaphore_mem>>) src(%arg7 : memref<125x128xf32, #tpu.memory_space<vmem>>) dst(%dma_wait3A_100 : memref<125x128xf32, #tpu.memory_space<vmem_shared>>)
        tpu.yield
      }) : () -> ()
      %mul3A_75 = arith.constant 1000 : i32
      %mul3A_76 = arith.muli %arg1, %mul3A_75 : i32
      %add3A_77 = arith.constant 375 : i32
      %add3A_78 = arith.addi %mul3A_76, %add3A_77 : i32
      "tpu.region"() ({
        %run_scoped3A = tpu.sem_alloc : memref<!tpu.dma_semaphore, #tpu.memory_space<semaphore_mem>>
        %dma_start3A = arith.constant 0 : i32
        %dma_start3A_95 = tpu.memref_slice %arg9[%add3A_78, %dma_start3A] : memref<10000x128xf32, #tpu.memory_space<vmem_shared>> -> memref<125x128xf32, #tpu.memory_space<vmem_shared>>
        %dma_start3A_96 = arith.constant 0 : i32
        %dma_start3A_97 = tpu.memref_slice %arg9[%add3A_78, %dma_start3A_96] : memref<10000x128xf32, #tpu.memory_space<vmem_shared>> -> memref<125x128xf32, #tpu.memory_space<vmem_shared>>
        tpu.enqueue_dma source(%arg7 : memref<125x128xf32, #tpu.memory_space<vmem>>) target(%dma_start3A_97 : memref<125x128xf32, #tpu.memory_space<vmem_shared>>) target_semaphore(%run_scoped3A : memref<!tpu.dma_semaphore, #tpu.memory_space<semaphore_mem>>)
        %dma_wait3A = arith.constant 0 : i32
        %dma_wait3A_98 = tpu.memref_slice %arg9[%add3A_78, %dma_wait3A] : memref<10000x128xf32, #tpu.memory_space<vmem_shared>> -> memref<125x128xf32, #tpu.memory_space<vmem_shared>>
        %dma_wait3A_99 = arith.constant 0 : i32
        %dma_wait3A_100 = tpu.memref_slice %arg9[%add3A_78, %dma_wait3A_99] : memref<10000x128xf32, #tpu.memory_space<vmem_shared>> -> memref<125x128xf32, #tpu.memory_space<vmem_shared>>
        tpu.wait_dma2 semaphore(%run_scoped3A : memref<!tpu.dma_semaphore, #tpu.memory_space<semaphore_mem>>) src(%arg7 : memref<125x128xf32, #tpu.memory_space<vmem>>) dst(%dma_wait3A_100 : memref<125x128xf32, #tpu.memory_space<vmem_shared>>)
        tpu.yield
      }) : () -> ()
      %mul3A_79 = arith.constant 1000 : i32
      %mul3A_80 = arith.muli %arg1, %mul3A_79 : i32
      %add3A_81 = arith.constant 500 : i32
      %add3A_82 = arith.addi %mul3A_80, %add3A_81 : i32
      "tpu.region"() ({
        %run_scoped3A = tpu.sem_alloc : memref<!tpu.dma_semaphore, #tpu.memory_space<semaphore_mem>>
        %dma_start3A = arith.constant 0 : i32
        %dma_start3A_95 = tpu.memref_slice %arg9[%add3A_82, %dma_start3A] : memref<10000x128xf32, #tpu.memory_space<vmem_shared>> -> memref<125x128xf32, #tpu.memory_space<vmem_shared>>
        %dma_start3A_96 = arith.constant 0 : i32
        %dma_start3A_97 = tpu.memref_slice %arg9[%add3A_82, %dma_start3A_96] : memref<10000x128xf32, #tpu.memory_space<vmem_shared>> -> memref<125x128xf32, #tpu.memory_space<vmem_shared>>
        tpu.enqueue_dma source(%arg7 : memref<125x128xf32, #tpu.memory_space<vmem>>) target(%dma_start3A_97 : memref<125x128xf32, #tpu.memory_space<vmem_shared>>) target_semaphore(%run_scoped3A : memref<!tpu.dma_semaphore, #tpu.memory_space<semaphore_mem>>)
        %dma_wait3A = arith.constant 0 : i32
        %dma_wait3A_98 = tpu.memref_slice %arg9[%add3A_82, %dma_wait3A] : memref<10000x128xf32, #tpu.memory_space<vmem_shared>> -> memref<125x128xf32, #tpu.memory_space<vmem_shared>>
        %dma_wait3A_99 = arith.constant 0 : i32
        %dma_wait3A_100 = tpu.memref_slice %arg9[%add3A_82, %dma_wait3A_99] : memref<10000x128xf32, #tpu.memory_space<vmem_shared>> -> memref<125x128xf32, #tpu.memory_space<vmem_shared>>
        tpu.wait_dma2 semaphore(%run_scoped3A : memref<!tpu.dma_semaphore, #tpu.memory_space<semaphore_mem>>) src(%arg7 : memref<125x128xf32, #tpu.memory_space<vmem>>) dst(%dma_wait3A_100 : memref<125x128xf32, #tpu.memory_space<vmem_shared>>)
        tpu.yield
      }) : () -> ()
      %mul3A_83 = arith.constant 1000 : i32
      %mul3A_84 = arith.muli %arg1, %mul3A_83 : i32
      %add3A_85 = arith.constant 625 : i32
      %add3A_86 = arith.addi %mul3A_84, %add3A_85 : i32
      "tpu.region"() ({
        %run_scoped3A = tpu.sem_alloc : memref<!tpu.dma_semaphore, #tpu.memory_space<semaphore_mem>>
        %dma_start3A = arith.constant 0 : i32
        %dma_start3A_95 = tpu.memref_slice %arg9[%add3A_86, %dma_start3A] : memref<10000x128xf32, #tpu.memory_space<vmem_shared>> -> memref<125x128xf32, #tpu.memory_space<vmem_shared>>
        %dma_start3A_96 = arith.constant 0 : i32
        %dma_start3A_97 = tpu.memref_slice %arg9[%add3A_86, %dma_start3A_96] : memref<10000x128xf32, #tpu.memory_space<vmem_shared>> -> memref<125x128xf32, #tpu.memory_space<vmem_shared>>
        tpu.enqueue_dma source(%arg7 : memref<125x128xf32, #tpu.memory_space<vmem>>) target(%dma_start3A_97 : memref<125x128xf32, #tpu.memory_space<vmem_shared>>) target_semaphore(%run_scoped3A : memref<!tpu.dma_semaphore, #tpu.memory_space<semaphore_mem>>)
        %dma_wait3A = arith.constant 0 : i32
        %dma_wait3A_98 = tpu.memref_slice %arg9[%add3A_86, %dma_wait3A] : memref<10000x128xf32, #tpu.memory_space<vmem_shared>> -> memref<125x128xf32, #tpu.memory_space<vmem_shared>>
        %dma_wait3A_99 = arith.constant 0 : i32
        %dma_wait3A_100 = tpu.memref_slice %arg9[%add3A_86, %dma_wait3A_99] : memref<10000x128xf32, #tpu.memory_space<vmem_shared>> -> memref<125x128xf32, #tpu.memory_space<vmem_shared>>
        tpu.wait_dma2 semaphore(%run_scoped3A : memref<!tpu.dma_semaphore, #tpu.memory_space<semaphore_mem>>) src(%arg7 : memref<125x128xf32, #tpu.memory_space<vmem>>) dst(%dma_wait3A_100 : memref<125x128xf32, #tpu.memory_space<vmem_shared>>)
        tpu.yield
      }) : () -> ()
      %mul3A_87 = arith.constant 1000 : i32
      %mul3A_88 = arith.muli %arg1, %mul3A_87 : i32
      %add3A_89 = arith.constant 750 : i32
      %add3A_90 = arith.addi %mul3A_88, %add3A_89 : i32
      "tpu.region"() ({
        %run_scoped3A = tpu.sem_alloc : memref<!tpu.dma_semaphore, #tpu.memory_space<semaphore_mem>>
        %dma_start3A = arith.constant 0 : i32
        %dma_start3A_95 = tpu.memref_slice %arg9[%add3A_90, %dma_start3A] : memref<10000x128xf32, #tpu.memory_space<vmem_shared>> -> memref<125x128xf32, #tpu.memory_space<vmem_shared>>
        %dma_start3A_96 = arith.constant 0 : i32
        %dma_start3A_97 = tpu.memref_slice %arg9[%add3A_90, %dma_start3A_96] : memref<10000x128xf32, #tpu.memory_space<vmem_shared>> -> memref<125x128xf32, #tpu.memory_space<vmem_shared>>
        tpu.enqueue_dma source(%arg7 : memref<125x128xf32, #tpu.memory_space<vmem>>) target(%dma_start3A_97 : memref<125x128xf32, #tpu.memory_space<vmem_shared>>) target_semaphore(%run_scoped3A : memref<!tpu.dma_semaphore, #tpu.memory_space<semaphore_mem>>)
        %dma_wait3A = arith.constant 0 : i32
        %dma_wait3A_98 = tpu.memref_slice %arg9[%add3A_90, %dma_wait3A] : memref<10000x128xf32, #tpu.memory_space<vmem_shared>> -> memref<125x128xf32, #tpu.memory_space<vmem_shared>>
        %dma_wait3A_99 = arith.constant 0 : i32
        %dma_wait3A_100 = tpu.memref_slice %arg9[%add3A_90, %dma_wait3A_99] : memref<10000x128xf32, #tpu.memory_space<vmem_shared>> -> memref<125x128xf32, #tpu.memory_space<vmem_shared>>
        tpu.wait_dma2 semaphore(%run_scoped3A : memref<!tpu.dma_semaphore, #tpu.memory_space<semaphore_mem>>) src(%arg7 : memref<125x128xf32, #tpu.memory_space<vmem>>) dst(%dma_wait3A_100 : memref<125x128xf32, #tpu.memory_space<vmem_shared>>)
        tpu.yield
      }) : () -> ()
      %mul3A_91 = arith.constant 1000 : i32
      %mul3A_92 = arith.muli %arg1, %mul3A_91 : i32
      %add3A_93 = arith.constant 875 : i32
      %add3A_94 = arith.addi %mul3A_92, %add3A_93 : i32
      "tpu.region"() ({
        %run_scoped3A = tpu.sem_alloc : memref<!tpu.dma_semaphore, #tpu.memory_space<semaphore_mem>>
        %dma_start3A = arith.constant 0 : i32
        %dma_start3A_95 = tpu.memref_slice %arg9[%add3A_94, %dma_start3A] : memref<10000x128xf32, #tpu.memory_space<vmem_shared>> -> memref<125x128xf32, #tpu.memory_space<vmem_shared>>
        %dma_start3A_96 = arith.constant 0 : i32
        %dma_start3A_97 = tpu.memref_slice %arg9[%add3A_94, %dma_start3A_96] : memref<10000x128xf32, #tpu.memory_space<vmem_shared>> -> memref<125x128xf32, #tpu.memory_space<vmem_shared>>
        tpu.enqueue_dma source(%arg7 : memref<125x128xf32, #tpu.memory_space<vmem>>) target(%dma_start3A_97 : memref<125x128xf32, #tpu.memory_space<vmem_shared>>) target_semaphore(%run_scoped3A : memref<!tpu.dma_semaphore, #tpu.memory_space<semaphore_mem>>)
        %dma_wait3A = arith.constant 0 : i32
        %dma_wait3A_98 = tpu.memref_slice %arg9[%add3A_94, %dma_wait3A] : memref<10000x128xf32, #tpu.memory_space<vmem_shared>> -> memref<125x128xf32, #tpu.memory_space<vmem_shared>>
        %dma_wait3A_99 = arith.constant 0 : i32
        %dma_wait3A_100 = tpu.memref_slice %arg9[%add3A_94, %dma_wait3A_99] : memref<10000x128xf32, #tpu.memory_space<vmem_shared>> -> memref<125x128xf32, #tpu.memory_space<vmem_shared>>
        tpu.wait_dma2 semaphore(%run_scoped3A : memref<!tpu.dma_semaphore, #tpu.memory_space<semaphore_mem>>) src(%arg7 : memref<125x128xf32, #tpu.memory_space<vmem>>) dst(%dma_wait3A_100 : memref<125x128xf32, #tpu.memory_space<vmem_shared>>)
        tpu.yield
      }) : () -> ()
    } else {
    }
    %barrier3A = arith.constant 0 : index
    tpu.barrier barrier_id(%barrier3A)
    %jit3A = arith.constant 4 : i32
    %div3A = arith.divsi %arg1, %jit3A : i32
    %sign3A = arith.constant 0 : i32
    %sign3A_10 = arith.cmpi sgt, %arg1, %sign3A : i32
    %sign3A_11 = arith.extui %sign3A_10 : i1 to i32
    %sign3A_12 = arith.constant 0 : i32
    %sign3A_13 = arith.cmpi slt, %arg1, %sign3A_12 : i32
    %sign3A_14 = arith.extui %sign3A_13 : i1 to i32
    %sign3A_15 = arith.subi %sign3A_11, %sign3A_14 : i32
    %sign3A_16 = arith.constant 0 : i32
    %sign3A_17 = arith.cmpi sgt, %jit3A, %sign3A_16 : i32
    %sign3A_18 = arith.extui %sign3A_17 : i1 to i32
    %sign3A_19 = arith.constant 0 : i32
    %sign3A_20 = arith.cmpi slt, %jit3A, %sign3A_19 : i32
    %sign3A_21 = arith.extui %sign3A_20 : i1 to i32
    %sign3A_22 = arith.subi %sign3A_18, %sign3A_21 : i32
    %ne3A = arith.cmpi ne, %sign3A_15, %sign3A_22 : i32
    %rem3A = arith.remsi %arg1, %jit3A : i32
    %ne3A_23 = arith.constant 0 : i32
    %ne3A_24 = arith.cmpi ne, %rem3A, %ne3A_23 : i32
    %and3A = arith.andi %ne3A, %ne3A_24 : i1
    %sub3A = arith.constant 1 : i32
    %sub3A_25 = arith.subi %div3A, %sub3A : i32
    %select_n3A = arith.select %and3A, %sub3A_25, %div3A : i32
    %mul3A = arith.constant 2500 : i32
    %mul3A_26 = arith.muli %select_n3A, %mul3A : i32
    %mul3A_27 = arith.constant 10000 : i32
    %mul3A_28 = arith.muli %arg0, %mul3A_27 : i32
    %add3A = arith.addi %mul3A_26, %mul3A_28 : i32
    %mul3A_29 = arith.constant 2 : i32
    %mul3A_30 = arith.muli %mul3A_29, %select_n3A : i32
    %mul3A_31 = arith.constant 320 : i32
    %mul3A_32 = arith.muli %mul3A_30, %mul3A_31 : i32
    %mul3A_33 = arith.constant 4 : i32
    %mul3A_34 = arith.muli %mul3A_33, %select_n3A : i32
    %sub3A_35 = arith.subi %arg1, %mul3A_34 : i32
    %mul3A_36 = arith.constant 80 : i32
    %mul3A_37 = arith.muli %sub3A_35, %mul3A_36 : i32
    %add3A_38 = arith.addi %mul3A_32, %mul3A_37 : i32
    %mul3A_39 = arith.constant 2 : i32
    %mul3A_40 = arith.muli %mul3A_39, %select_n3A : i32
    %add3A_41 = arith.constant 1 : i32
    %add3A_42 = arith.addi %mul3A_40, %add3A_41 : i32
    %mul3A_43 = arith.constant 320 : i32
    %mul3A_44 = arith.muli %add3A_42, %mul3A_43 : i32
    %mul3A_45 = arith.constant 4 : i32
    %mul3A_46 = arith.muli %mul3A_45, %select_n3A : i32
    %sub3A_47 = arith.subi %arg1, %mul3A_46 : i32
    %mul3A_48 = arith.constant 80 : i32
    %mul3A_49 = arith.muli %sub3A_47, %mul3A_48 : i32
    %add3A_50 = arith.addi %mul3A_44, %mul3A_49 : i32
    %scan3A_51 = arith.constant 0 : i32
    %scan3A_52 = arith.constant 0 : i32
    %scan3A_53 = arith.constant 2 : i32
    %scan3A_54 = arith.addi %scan3A_52, %scan3A_53 : i32
    %scan3A_55 = arith.constant 1 : i32
    scf.for %scan3A_63 = %scan3A_52 to %scan3A_54 step %scan3A_55  : i32 {
      %mul3A_64 = arith.constant 40 : i32
      %mul3A_65 = arith.muli %scan3A_63, %mul3A_64 : i32
      %add3A_66 = arith.addi %add3A_38, %mul3A_65 : i32
      "tpu.region"() ({
        %run_scoped3A = tpu.sem_alloc : memref<!tpu.dma_semaphore, #tpu.memory_space<semaphore_mem>>
        %dma_start3A = arith.constant 0 : i32
        %dma_start3A_101 = tpu.memref_slice %arg3[%add3A_66, %dma_start3A] : memref<2560x125xi32, #tpu.memory_space<hbm>> -> memref<40x125xi32, #tpu.memory_space<hbm>>
        %dma_start3A_102 = arith.constant 0 : i32
        %dma_start3A_103 = tpu.memref_slice %arg3[%add3A_66, %dma_start3A_102] : memref<2560x125xi32, #tpu.memory_space<hbm>> -> memref<40x125xi32, #tpu.memory_space<hbm>>
        tpu.enqueue_dma source(%dma_start3A_103 : memref<40x125xi32, #tpu.memory_space<hbm>>) target(%arg5 : memref<40x125xi32, #tpu.memory_space<vmem>>) target_semaphore(%run_scoped3A : memref<!tpu.dma_semaphore, #tpu.memory_space<semaphore_mem>>)
        %dma_wait3A_104 = arith.constant 0 : i32
        %dma_wait3A_105 = tpu.memref_slice %arg3[%add3A_66, %dma_wait3A_104] : memref<2560x125xi32, #tpu.memory_space<hbm>> -> memref<40x125xi32, #tpu.memory_space<hbm>>
        %dma_wait3A_106 = arith.constant 0 : i32
        %dma_wait3A_107 = tpu.memref_slice %arg3[%add3A_66, %dma_wait3A_106] : memref<2560x125xi32, #tpu.memory_space<hbm>> -> memref<40x125xi32, #tpu.memory_space<hbm>>
        tpu.wait_dma2 semaphore(%run_scoped3A : memref<!tpu.dma_semaphore, #tpu.memory_space<semaphore_mem>>) src(%dma_wait3A_107 : memref<40x125xi32, #tpu.memory_space<hbm>>) dst(%arg5 : memref<40x125xi32, #tpu.memory_space<vmem>>)
        tpu.yield
      }) : () -> ()
      %mul3A_67 = arith.constant 40 : i32
      %mul3A_68 = arith.muli %scan3A_63, %mul3A_67 : i32
      %add3A_69 = arith.addi %add3A_50, %mul3A_68 : i32
      "tpu.region"() ({
        %run_scoped3A = tpu.sem_alloc : memref<!tpu.dma_semaphore, #tpu.memory_space<semaphore_mem>>
        %dma_start3A = arith.constant 0 : i32
        %dma_start3A_101 = tpu.memref_slice %arg3[%add3A_69, %dma_start3A] : memref<2560x125xi32, #tpu.memory_space<hbm>> -> memref<40x125xi32, #tpu.memory_space<hbm>>
        %dma_start3A_102 = arith.constant 0 : i32
        %dma_start3A_103 = tpu.memref_slice %arg3[%add3A_69, %dma_start3A_102] : memref<2560x125xi32, #tpu.memory_space<hbm>> -> memref<40x125xi32, #tpu.memory_space<hbm>>
        tpu.enqueue_dma source(%dma_start3A_103 : memref<40x125xi32, #tpu.memory_space<hbm>>) target(%arg6 : memref<40x125xi32, #tpu.memory_space<vmem>>) target_semaphore(%run_scoped3A : memref<!tpu.dma_semaphore, #tpu.memory_space<semaphore_mem>>)
        %dma_wait3A_104 = arith.constant 0 : i32
        %dma_wait3A_105 = tpu.memref_slice %arg3[%add3A_69, %dma_wait3A_104] : memref<2560x125xi32, #tpu.memory_space<hbm>> -> memref<40x125xi32, #tpu.memory_space<hbm>>
        %dma_wait3A_106 = arith.constant 0 : i32
        %dma_wait3A_107 = tpu.memref_slice %arg3[%add3A_69, %dma_wait3A_106] : memref<2560x125xi32, #tpu.memory_space<hbm>> -> memref<40x125xi32, #tpu.memory_space<hbm>>
        tpu.wait_dma2 semaphore(%run_scoped3A : memref<!tpu.dma_semaphore, #tpu.memory_space<semaphore_mem>>) src(%dma_wait3A_107 : memref<40x125xi32, #tpu.memory_space<hbm>>) dst(%arg6 : memref<40x125xi32, #tpu.memory_space<vmem>>)
        tpu.yield
      }) : () -> ()
      %scan3A_70 = arith.constant 0 : i32
      %scan3A_71 = arith.constant 0 : i32
      %scan3A_72 = arith.constant 40 : i32
      %scan3A_73 = arith.addi %scan3A_71, %scan3A_72 : i32
      %scan3A_74 = arith.constant 1 : i32
      scf.for %scan3A_101 = %scan3A_71 to %scan3A_73 step %scan3A_74  : i32 {
        %get3A = arith.index_cast %scan3A_101 : i32 to index
        %get3A_102 = arith.constant 0 : index
        %get3A_103 = tpu.vector_load %arg5[%get3A, %get3A_102] {strides = array<i32>} : memref<40x125xi32, #tpu.memory_space<vmem>>, vector<1x16xi32>,
        %get3A_104 = vector.shape_cast %get3A_103 : vector<1x16xi32> to vector<16xi32>
        %add3A_105 = vector.broadcast %add3A : i32 to vector<16xi32>
        %add3A_106 = arith.addi %get3A_104, %add3A_105 : vector<16xi32>
        %swap3A = arith.index_cast %scan3A_101 : i32 to index
        %swap3A_107 = arith.constant 0 : index
        %swap3A_108 = tpu.vector_load %arg5[%swap3A, %swap3A_107] {strides = array<i32>} : memref<40x125xi32, #tpu.memory_space<vmem>>, vector<1x16xi32>,
        %swap3A_109 = vector.shape_cast %swap3A_108 : vector<1x16xi32> to vector<16xi32>
        %swap3A_110 = vector.shape_cast %add3A_106 : vector<16xi32> to vector<1x16xi32>
        tpu.vector_store %arg5[%swap3A, %swap3A_107], %swap3A_110 {strides = array<i32>} : memref<40x125xi32, #tpu.memory_space<vmem>>, vector<1x16xi32>,
        %get3A_111 = arith.index_cast %scan3A_101 : i32 to index
        %get3A_112 = arith.constant 16 : index
        %get3A_113 = tpu.vector_load %arg5[%get3A_111, %get3A_112] {strides = array<i32>} : memref<40x125xi32, #tpu.memory_space<vmem>>, vector<1x16xi32>,
        %get3A_114 = vector.shape_cast %get3A_113 : vector<1x16xi32> to vector<16xi32>
        %add3A_115 = vector.broadcast %add3A : i32 to vector<16xi32>
        %add3A_116 = arith.addi %get3A_114, %add3A_115 : vector<16xi32>
        %swap3A_117 = arith.index_cast %scan3A_101 : i32 to index
        %swap3A_118 = arith.constant 16 : index
        %swap3A_119 = tpu.vector_load %arg5[%swap3A_117, %swap3A_118] {strides = array<i32>} : memref<40x125xi32, #tpu.memory_space<vmem>>, vector<1x16xi32>,
        %swap3A_120 = vector.shape_cast %swap3A_119 : vector<1x16xi32> to vector<16xi32>
        %swap3A_121 = vector.shape_cast %add3A_116 : vector<16xi32> to vector<1x16xi32>
        tpu.vector_store %arg5[%swap3A_117, %swap3A_118], %swap3A_121 {strides = array<i32>} : memref<40x125xi32, #tpu.memory_space<vmem>>, vector<1x16xi32>,
        %get3A_122 = arith.index_cast %scan3A_101 : i32 to index
        %get3A_123 = arith.constant 32 : index
        %get3A_124 = tpu.vector_load %arg5[%get3A_122, %get3A_123] {strides = array<i32>} : memref<40x125xi32, #tpu.memory_space<vmem>>, vector<1x16xi32>,
        %get3A_125 = vector.shape_cast %get3A_124 : vector<1x16xi32> to vector<16xi32>
        %add3A_126 = vector.broadcast %add3A : i32 to vector<16xi32>
        %add3A_127 = arith.addi %get3A_125, %add3A_126 : vector<16xi32>
        %swap3A_128 = arith.index_cast %scan3A_101 : i32 to index
        %swap3A_129 = arith.constant 32 : index
        %swap3A_130 = tpu.vector_load %arg5[%swap3A_128, %swap3A_129] {strides = array<i32>} : memref<40x125xi32, #tpu.memory_space<vmem>>, vector<1x16xi32>,
        %swap3A_131 = vector.shape_cast %swap3A_130 : vector<1x16xi32> to vector<16xi32>
        %swap3A_132 = vector.shape_cast %add3A_127 : vector<16xi32> to vector<1x16xi32>
        tpu.vector_store %arg5[%swap3A_128, %swap3A_129], %swap3A_132 {strides = array<i32>} : memref<40x125xi32, #tpu.memory_space<vmem>>, vector<1x16xi32>,
        %get3A_133 = arith.index_cast %scan3A_101 : i32 to index
        %get3A_134 = arith.constant 48 : index
        %get3A_135 = tpu.vector_load %arg5[%get3A_133, %get3A_134] {strides = array<i32>} : memref<40x125xi32, #tpu.memory_space<vmem>>, vector<1x16xi32>,
        %get3A_136 = vector.shape_cast %get3A_135 : vector<1x16xi32> to vector<16xi32>
        %add3A_137 = vector.broadcast %add3A : i32 to vector<16xi32>
        %add3A_138 = arith.addi %get3A_136, %add3A_137 : vector<16xi32>
        %swap3A_139 = arith.index_cast %scan3A_101 : i32 to index
        %swap3A_140 = arith.constant 48 : index
        %swap3A_141 = tpu.vector_load %arg5[%swap3A_139, %swap3A_140] {strides = array<i32>} : memref<40x125xi32, #tpu.memory_space<vmem>>, vector<1x16xi32>,
        %swap3A_142 = vector.shape_cast %swap3A_141 : vector<1x16xi32> to vector<16xi32>
        %swap3A_143 = vector.shape_cast %add3A_138 : vector<16xi32> to vector<1x16xi32>
        tpu.vector_store %arg5[%swap3A_139, %swap3A_140], %swap3A_143 {strides = array<i32>} : memref<40x125xi32, #tpu.memory_space<vmem>>, vector<1x16xi32>,
        %get3A_144 = arith.index_cast %scan3A_101 : i32 to index
        %get3A_145 = arith.constant 64 : index
        %get3A_146 = tpu.vector_load %arg5[%get3A_144, %get3A_145] {strides = array<i32>} : memref<40x125xi32, #tpu.memory_space<vmem>>, vector<1x16xi32>,
        %get3A_147 = vector.shape_cast %get3A_146 : vector<1x16xi32> to vector<16xi32>
        %add3A_148 = vector.broadcast %add3A : i32 to vector<16xi32>
        %add3A_149 = arith.addi %get3A_147, %add3A_148 : vector<16xi32>
        %swap3A_150 = arith.index_cast %scan3A_101 : i32 to index
        %swap3A_151 = arith.constant 64 : index
        %swap3A_152 = tpu.vector_load %arg5[%swap3A_150, %swap3A_151] {strides = array<i32>} : memref<40x125xi32, #tpu.memory_space<vmem>>, vector<1x16xi32>,
        %swap3A_153 = vector.shape_cast %swap3A_152 : vector<1x16xi32> to vector<16xi32>
        %swap3A_154 = vector.shape_cast %add3A_149 : vector<16xi32> to vector<1x16xi32>
        tpu.vector_store %arg5[%swap3A_150, %swap3A_151], %swap3A_154 {strides = array<i32>} : memref<40x125xi32, #tpu.memory_space<vmem>>, vector<1x16xi32>,
        %get3A_155 = arith.index_cast %scan3A_101 : i32 to index
        %get3A_156 = arith.constant 80 : index
        %get3A_157 = tpu.vector_load %arg5[%get3A_155, %get3A_156] {strides = array<i32>} : memref<40x125xi32, #tpu.memory_space<vmem>>, vector<1x16xi32>,
        %get3A_158 = vector.shape_cast %get3A_157 : vector<1x16xi32> to vector<16xi32>
        %add3A_159 = vector.broadcast %add3A : i32 to vector<16xi32>
        %add3A_160 = arith.addi %get3A_158, %add3A_159 : vector<16xi32>
        %swap3A_161 = arith.index_cast %scan3A_101 : i32 to index
        %swap3A_162 = arith.constant 80 : index
        %swap3A_163 = tpu.vector_load %arg5[%swap3A_161, %swap3A_162] {strides = array<i32>} : memref<40x125xi32, #tpu.memory_space<vmem>>, vector<1x16xi32>,
        %swap3A_164 = vector.shape_cast %swap3A_163 : vector<1x16xi32> to vector<16xi32>
        %swap3A_165 = vector.shape_cast %add3A_160 : vector<16xi32> to vector<1x16xi32>
        tpu.vector_store %arg5[%swap3A_161, %swap3A_162], %swap3A_165 {strides = array<i32>} : memref<40x125xi32, #tpu.memory_space<vmem>>, vector<1x16xi32>,
        %get3A_166 = arith.index_cast %scan3A_101 : i32 to index
        %get3A_167 = arith.constant 96 : index
        %get3A_168 = tpu.vector_load %arg5[%get3A_166, %get3A_167] {strides = array<i32>} : memref<40x125xi32, #tpu.memory_space<vmem>>, vector<1x16xi32>,
        %get3A_169 = vector.shape_cast %get3A_168 : vector<1x16xi32> to vector<16xi32>
        %add3A_170 = vector.broadcast %add3A : i32 to vector<16xi32>
        %add3A_171 = arith.addi %get3A_169, %add3A_170 : vector<16xi32>
        %swap3A_172 = arith.index_cast %scan3A_101 : i32 to index
        %swap3A_173 = arith.constant 96 : index
        %swap3A_174 = tpu.vector_load %arg5[%swap3A_172, %swap3A_173] {strides = array<i32>} : memref<40x125xi32, #tpu.memory_space<vmem>>, vector<1x16xi32>,
        %swap3A_175 = vector.shape_cast %swap3A_174 : vector<1x16xi32> to vector<16xi32>
        %swap3A_176 = vector.shape_cast %add3A_171 : vector<16xi32> to vector<1x16xi32>
        tpu.vector_store %arg5[%swap3A_172, %swap3A_173], %swap3A_176 {strides = array<i32>} : memref<40x125xi32, #tpu.memory_space<vmem>>, vector<1x16xi32>,
        %get3A_177 = arith.index_cast %scan3A_101 : i32 to index
        %get3A_178 = arith.constant 109 : index
        %get3A_179 = tpu.vector_load %arg5[%get3A_177, %get3A_178] {strides = array<i32>} : memref<40x125xi32, #tpu.memory_space<vmem>>, vector<1x16xi32>,
        %get3A_180 = vector.shape_cast %get3A_179 : vector<1x16xi32> to vector<16xi32>
        %add3A_181 = vector.broadcast %add3A : i32 to vector<16xi32>
        %add3A_182 = arith.addi %get3A_180, %add3A_181 : vector<16xi32>
        %select_n3A_183 = arith.select %ge3A_2, %add3A_182, %get3A_180 : vector<16xi1>, vector<16xi32>
        %swap3A_184 = arith.index_cast %scan3A_101 : i32 to index
        %swap3A_185 = arith.constant 109 : index
        %swap3A_186 = tpu.vector_load %arg5[%swap3A_184, %swap3A_185] {strides = array<i32>} : memref<40x125xi32, #tpu.memory_space<vmem>>, vector<1x16xi32>,
        %swap3A_187 = vector.shape_cast %swap3A_186 : vector<1x16xi32> to vector<16xi32>
        %swap3A_188 = vector.shape_cast %select_n3A_183 : vector<16xi32> to vector<1x16xi32>
        tpu.vector_store %arg5[%swap3A_184, %swap3A_185], %swap3A_188 {strides = array<i32>} : memref<40x125xi32, #tpu.memory_space<vmem>>, vector<1x16xi32>,
      }
      %scan3A_75 = arith.constant 40 : i32
      %scan3A_76 = arith.constant 0 : i32
      %scan3A_77 = arith.constant 0 : i32
      %scan3A_78 = arith.constant 40 : i32
      %scan3A_79 = arith.addi %scan3A_77, %scan3A_78 : i32
      %scan3A_80 = arith.constant 1 : i32
      scf.for %scan3A_101 = %scan3A_77 to %scan3A_79 step %scan3A_80  : i32 {
        %get3A = arith.index_cast %scan3A_101 : i32 to index
        %get3A_102 = arith.constant 0 : index
        %get3A_103 = tpu.vector_load %arg6[%get3A, %get3A_102] {strides = array<i32>} : memref<40x125xi32, #tpu.memory_space<vmem>>, vector<1x16xi32>,
        %get3A_104 = vector.shape_cast %get3A_103 : vector<1x16xi32> to vector<16xi32>
        %add3A_105 = vector.broadcast %mul3A_26 : i32 to vector<16xi32>
        %add3A_106 = arith.addi %get3A_104, %add3A_105 : vector<16xi32>
        %swap3A = arith.index_cast %scan3A_101 : i32 to index
        %swap3A_107 = arith.constant 0 : index
        %swap3A_108 = tpu.vector_load %arg6[%swap3A, %swap3A_107] {strides = array<i32>} : memref<40x125xi32, #tpu.memory_space<vmem>>, vector<1x16xi32>,
        %swap3A_109 = vector.shape_cast %swap3A_108 : vector<1x16xi32> to vector<16xi32>
        %swap3A_110 = vector.shape_cast %add3A_106 : vector<16xi32> to vector<1x16xi32>
        tpu.vector_store %arg6[%swap3A, %swap3A_107], %swap3A_110 {strides = array<i32>} : memref<40x125xi32, #tpu.memory_space<vmem>>, vector<1x16xi32>,
        %get3A_111 = arith.index_cast %scan3A_101 : i32 to index
        %get3A_112 = arith.constant 16 : index
        %get3A_113 = tpu.vector_load %arg6[%get3A_111, %get3A_112] {strides = array<i32>} : memref<40x125xi32, #tpu.memory_space<vmem>>, vector<1x16xi32>,
        %get3A_114 = vector.shape_cast %get3A_113 : vector<1x16xi32> to vector<16xi32>
        %add3A_115 = vector.broadcast %mul3A_26 : i32 to vector<16xi32>
        %add3A_116 = arith.addi %get3A_114, %add3A_115 : vector<16xi32>
        %swap3A_117 = arith.index_cast %scan3A_101 : i32 to index
        %swap3A_118 = arith.constant 16 : index
        %swap3A_119 = tpu.vector_load %arg6[%swap3A_117, %swap3A_118] {strides = array<i32>} : memref<40x125xi32, #tpu.memory_space<vmem>>, vector<1x16xi32>,
        %swap3A_120 = vector.shape_cast %swap3A_119 : vector<1x16xi32> to vector<16xi32>
        %swap3A_121 = vector.shape_cast %add3A_116 : vector<16xi32> to vector<1x16xi32>
        tpu.vector_store %arg6[%swap3A_117, %swap3A_118], %swap3A_121 {strides = array<i32>} : memref<40x125xi32, #tpu.memory_space<vmem>>, vector<1x16xi32>,
        %get3A_122 = arith.index_cast %scan3A_101 : i32 to index
        %get3A_123 = arith.constant 32 : index
        %get3A_124 = tpu.vector_load %arg6[%get3A_122, %get3A_123] {strides = array<i32>} : memref<40x125xi32, #tpu.memory_space<vmem>>, vector<1x16xi32>,
        %get3A_125 = vector.shape_cast %get3A_124 : vector<1x16xi32> to vector<16xi32>
        %add3A_126 = vector.broadcast %mul3A_26 : i32 to vector<16xi32>
        %add3A_127 = arith.addi %get3A_125, %add3A_126 : vector<16xi32>
        %swap3A_128 = arith.index_cast %scan3A_101 : i32 to index
        %swap3A_129 = arith.constant 32 : index
        %swap3A_130 = tpu.vector_load %arg6[%swap3A_128, %swap3A_129] {strides = array<i32>} : memref<40x125xi32, #tpu.memory_space<vmem>>, vector<1x16xi32>,
        %swap3A_131 = vector.shape_cast %swap3A_130 : vector<1x16xi32> to vector<16xi32>
        %swap3A_132 = vector.shape_cast %add3A_127 : vector<16xi32> to vector<1x16xi32>
        tpu.vector_store %arg6[%swap3A_128, %swap3A_129], %swap3A_132 {strides = array<i32>} : memref<40x125xi32, #tpu.memory_space<vmem>>, vector<1x16xi32>,
        %get3A_133 = arith.index_cast %scan3A_101 : i32 to index
        %get3A_134 = arith.constant 48 : index
        %get3A_135 = tpu.vector_load %arg6[%get3A_133, %get3A_134] {strides = array<i32>} : memref<40x125xi32, #tpu.memory_space<vmem>>, vector<1x16xi32>,
        %get3A_136 = vector.shape_cast %get3A_135 : vector<1x16xi32> to vector<16xi32>
        %add3A_137 = vector.broadcast %mul3A_26 : i32 to vector<16xi32>
        %add3A_138 = arith.addi %get3A_136, %add3A_137 : vector<16xi32>
        %swap3A_139 = arith.index_cast %scan3A_101 : i32 to index
        %swap3A_140 = arith.constant 48 : index
        %swap3A_141 = tpu.vector_load %arg6[%swap3A_139, %swap3A_140] {strides = array<i32>} : memref<40x125xi32, #tpu.memory_space<vmem>>, vector<1x16xi32>,
        %swap3A_142 = vector.shape_cast %swap3A_141 : vector<1x16xi32> to vector<16xi32>
        %swap3A_143 = vector.shape_cast %add3A_138 : vector<16xi32> to vector<1x16xi32>
        tpu.vector_store %arg6[%swap3A_139, %swap3A_140], %swap3A_143 {strides = array<i32>} : memref<40x125xi32, #tpu.memory_space<vmem>>, vector<1x16xi32>,
        %get3A_144 = arith.index_cast %scan3A_101 : i32 to index
        %get3A_145 = arith.constant 64 : index
        %get3A_146 = tpu.vector_load %arg6[%get3A_144, %get3A_145] {strides = array<i32>} : memref<40x125xi32, #tpu.memory_space<vmem>>, vector<1x16xi32>,
        %get3A_147 = vector.shape_cast %get3A_146 : vector<1x16xi32> to vector<16xi32>
        %add3A_148 = vector.broadcast %mul3A_26 : i32 to vector<16xi32>
        %add3A_149 = arith.addi %get3A_147, %add3A_148 : vector<16xi32>
        %swap3A_150 = arith.index_cast %scan3A_101 : i32 to index
        %swap3A_151 = arith.constant 64 : index
        %swap3A_152 = tpu.vector_load %arg6[%swap3A_150, %swap3A_151] {strides = array<i32>} : memref<40x125xi32, #tpu.memory_space<vmem>>, vector<1x16xi32>,
        %swap3A_153 = vector.shape_cast %swap3A_152 : vector<1x16xi32> to vector<16xi32>
        %swap3A_154 = vector.shape_cast %add3A_149 : vector<16xi32> to vector<1x16xi32>
        tpu.vector_store %arg6[%swap3A_150, %swap3A_151], %swap3A_154 {strides = array<i32>} : memref<40x125xi32, #tpu.memory_space<vmem>>, vector<1x16xi32>,
        %get3A_155 = arith.index_cast %scan3A_101 : i32 to index
        %get3A_156 = arith.constant 80 : index
        %get3A_157 = tpu.vector_load %arg6[%get3A_155, %get3A_156] {strides = array<i32>} : memref<40x125xi32, #tpu.memory_space<vmem>>, vector<1x16xi32>,
        %get3A_158 = vector.shape_cast %get3A_157 : vector<1x16xi32> to vector<16xi32>
        %add3A_159 = vector.broadcast %mul3A_26 : i32 to vector<16xi32>
        %add3A_160 = arith.addi %get3A_158, %add3A_159 : vector<16xi32>
        %swap3A_161 = arith.index_cast %scan3A_101 : i32 to index
        %swap3A_162 = arith.constant 80 : index
        %swap3A_163 = tpu.vector_load %arg6[%swap3A_161, %swap3A_162] {strides = array<i32>} : memref<40x125xi32, #tpu.memory_space<vmem>>, vector<1x16xi32>,
        %swap3A_164 = vector.shape_cast %swap3A_163 : vector<1x16xi32> to vector<16xi32>
        %swap3A_165 = vector.shape_cast %add3A_160 : vector<16xi32> to vector<1x16xi32>
        tpu.vector_store %arg6[%swap3A_161, %swap3A_162], %swap3A_165 {strides = array<i32>} : memref<40x125xi32, #tpu.memory_space<vmem>>, vector<1x16xi32>,
        %get3A_166 = arith.index_cast %scan3A_101 : i32 to index
        %get3A_167 = arith.constant 96 : index
        %get3A_168 = tpu.vector_load %arg6[%get3A_166, %get3A_167] {strides = array<i32>} : memref<40x125xi32, #tpu.memory_space<vmem>>, vector<1x16xi32>,
        %get3A_169 = vector.shape_cast %get3A_168 : vector<1x16xi32> to vector<16xi32>
        %add3A_170 = vector.broadcast %mul3A_26 : i32 to vector<16xi32>
        %add3A_171 = arith.addi %get3A_169, %add3A_170 : vector<16xi32>
        %swap3A_172 = arith.index_cast %scan3A_101 : i32 to index
        %swap3A_173 = arith.constant 96 : index
        %swap3A_174 = tpu.vector_load %arg6[%swap3A_172, %swap3A_173] {strides = array<i32>} : memref<40x125xi32, #tpu.memory_space<vmem>>, vector<1x16xi32>,
        %swap3A_175 = vector.shape_cast %swap3A_174 : vector<1x16xi32> to vector<16xi32>
        %swap3A_176 = vector.shape_cast %add3A_171 : vector<16xi32> to vector<1x16xi32>
        tpu.vector_store %arg6[%swap3A_172, %swap3A_173], %swap3A_176 {strides = array<i32>} : memref<40x125xi32, #tpu.memory_space<vmem>>, vector<1x16xi32>,
        %get3A_177 = arith.index_cast %scan3A_101 : i32 to index
        %get3A_178 = arith.constant 109 : index
        %get3A_179 = tpu.vector_load %arg6[%get3A_177, %get3A_178] {strides = array<i32>} : memref<40x125xi32, #tpu.memory_space<vmem>>, vector<1x16xi32>,
        %get3A_180 = vector.shape_cast %get3A_179 : vector<1x16xi32> to vector<16xi32>
        %add3A_181 = vector.broadcast %mul3A_26 : i32 to vector<16xi32>
        %add3A_182 = arith.addi %get3A_180, %add3A_181 : vector<16xi32>
        %select_n3A_183 = arith.select %ge3A_2, %add3A_182, %get3A_180 : vector<16xi1>, vector<16xi32>
        %swap3A_184 = arith.index_cast %scan3A_101 : i32 to index
        %swap3A_185 = arith.constant 109 : index
        %swap3A_186 = tpu.vector_load %arg6[%swap3A_184, %swap3A_185] {strides = array<i32>} : memref<40x125xi32, #tpu.memory_space<vmem>>, vector<1x16xi32>,
        %swap3A_187 = vector.shape_cast %swap3A_186 : vector<1x16xi32> to vector<16xi32>
        %swap3A_188 = vector.shape_cast %select_n3A_183 : vector<16xi32> to vector<1x16xi32>
        tpu.vector_store %arg6[%swap3A_184, %swap3A_185], %swap3A_188 {strides = array<i32>} : memref<40x125xi32, #tpu.memory_space<vmem>>, vector<1x16xi32>,
      }
      %scan3A_81 = arith.constant 40 : i32
      %scan3A_82 = arith.constant 0 : i32
      %scan3A_83 = arith.constant 0 : i32
      %scan3A_84 = arith.constant 20 : i32
      %scan3A_85 = arith.addi %scan3A_83, %scan3A_84 : i32
      %scan3A_86 = arith.constant 1 : i32
      scf.for %scan3A_101 = %scan3A_83 to %scan3A_85 step %scan3A_86  : i32 {
        %mul3A_102 = arith.constant 2 : i32
        %mul3A_103 = arith.muli %mul3A_102, %scan3A_101 : i32
        %add3A_104 = arith.constant 1 : i32
        %add3A_105 = arith.addi %mul3A_103, %add3A_104 : i32
        %gt3A = arith.constant 0 : i32
        %gt3A_106 = arith.cmpi sgt, %scan3A_101, %gt3A : i32
        %convert_element_type3A_107 = arith.extui %gt3A_106 : i1 to i32
        %cond3A_108 = arith.constant 0 : i32
        %cond3A_109 = arith.cmpi ne, %convert_element_type3A_107, %cond3A_108 : i32
        scf.if %cond3A_109 {
          %dma_wait3A_150 = arith.constant 0 : i32
          %dma_wait3A_151 = tpu.memref_slice %arg6[%mul3A_103, %dma_wait3A_150] : memref<40x125xi32, #tpu.memory_space<vmem>> -> memref<1x125xi32, #tpu.memory_space<vmem>>
          %dma_wait3A_152 = tpu.memref_squeeze %dma_wait3A_151 : memref<1x125xi32, #tpu.memory_space<vmem>> -> memref<125xi32, #tpu.memory_space<vmem>>
          %dma_wait3A_153 = arith.constant 0 : i32
          %dma_wait3A_154 = arith.constant 0 : i32
          %dma_wait3A_155 = tpu.memref_slice %arg9[%dma_wait3A_153, %dma_wait3A_154] : memref<10000x128xf32, #tpu.memory_space<vmem_shared>> -> memref<10000x128xf32, #tpu.memory_space<vmem_shared>>
          tpu.wait_indirect_dma semaphore(%arg12 : memref<!tpu.dma_semaphore, #tpu.memory_space<semaphore_mem>>) src(%arg7 : memref<125x128xf32, #tpu.memory_space<vmem>>) dst(%dma_wait3A_155 : memref<10000x128xf32, #tpu.memory_space<vmem_shared>>)
        } else {
        }
        %dma_start3A = arith.constant 0 : i32
        %dma_start3A_110 = tpu.memref_slice %arg5[%mul3A_103, %dma_start3A] : memref<40x125xi32, #tpu.memory_space<vmem>> -> memref<1x125xi32, #tpu.memory_space<vmem>>
        %dma_start3A_111 = tpu.memref_squeeze %dma_start3A_110 : memref<1x125xi32, #tpu.memory_space<vmem>> -> memref<125xi32, #tpu.memory_space<vmem>>
        %dma_start3A_112 = arith.constant 0 : i32
        %dma_start3A_113 = arith.constant 0 : i32
        %dma_start3A_114 = tpu.memref_slice %arg2[%dma_start3A_112, %dma_start3A_113] : memref<20000x128xf32, #tpu.memory_space<hbm>> -> memref<20000x128xf32, #tpu.memory_space<hbm>>
        tpu.enqueue_indirect_dma source(%dma_start3A_114 : memref<20000x128xf32, #tpu.memory_space<hbm>>) target(%arg7 : memref<125x128xf32, #tpu.memory_space<vmem>>) offsets(%dma_start3A_111 : memref<125xi32, #tpu.memory_space<vmem>>) semaphore(%arg10 : memref<!tpu.dma_semaphore, #tpu.memory_space<semaphore_mem>>)
        %gt3A_115 = arith.constant 0 : i32
        %gt3A_116 = arith.cmpi sgt, %scan3A_101, %gt3A_115 : i32
        %convert_element_type3A_117 = arith.extui %gt3A_116 : i1 to i32
        %cond3A_118 = arith.constant 0 : i32
        %cond3A_119 = arith.cmpi ne, %convert_element_type3A_117, %cond3A_118 : i32
        scf.if %cond3A_119 {
          %dma_wait3A_150 = arith.constant 0 : i32
          %dma_wait3A_151 = tpu.memref_slice %arg6[%add3A_105, %dma_wait3A_150] : memref<40x125xi32, #tpu.memory_space<vmem>> -> memref<1x125xi32, #tpu.memory_space<vmem>>
          %dma_wait3A_152 = tpu.memref_squeeze %dma_wait3A_151 : memref<1x125xi32, #tpu.memory_space<vmem>> -> memref<125xi32, #tpu.memory_space<vmem>>
          %dma_wait3A_153 = arith.constant 0 : i32
          %dma_wait3A_154 = arith.constant 0 : i32
          %dma_wait3A_155 = tpu.memref_slice %arg9[%dma_wait3A_153, %dma_wait3A_154] : memref<10000x128xf32, #tpu.memory_space<vmem_shared>> -> memref<10000x128xf32, #tpu.memory_space<vmem_shared>>
          tpu.wait_indirect_dma semaphore(%arg13 : memref<!tpu.dma_semaphore, #tpu.memory_space<semaphore_mem>>) src(%arg8 : memref<125x128xf32, #tpu.memory_space<vmem>>) dst(%dma_wait3A_155 : memref<10000x128xf32, #tpu.memory_space<vmem_shared>>)
        } else {
        }
        %dma_start3A_120 = arith.constant 0 : i32
        %dma_start3A_121 = tpu.memref_slice %arg5[%add3A_105, %dma_start3A_120] : memref<40x125xi32, #tpu.memory_space<vmem>> -> memref<1x125xi32, #tpu.memory_space<vmem>>
        %dma_start3A_122 = tpu.memref_squeeze %dma_start3A_121 : memref<1x125xi32, #tpu.memory_space<vmem>> -> memref<125xi32, #tpu.memory_space<vmem>>
        %dma_start3A_123 = arith.constant 0 : i32
        %dma_start3A_124 = arith.constant 0 : i32
        %dma_start3A_125 = tpu.memref_slice %arg2[%dma_start3A_123, %dma_start3A_124] : memref<20000x128xf32, #tpu.memory_space<hbm>> -> memref<20000x128xf32, #tpu.memory_space<hbm>>
        tpu.enqueue_indirect_dma source(%dma_start3A_125 : memref<20000x128xf32, #tpu.memory_space<hbm>>) target(%arg8 : memref<125x128xf32, #tpu.memory_space<vmem>>) offsets(%dma_start3A_122 : memref<125xi32, #tpu.memory_space<vmem>>) semaphore(%arg11 : memref<!tpu.dma_semaphore, #tpu.memory_space<semaphore_mem>>)
        %dma_wait3A_126 = arith.constant 0 : i32
        %dma_wait3A_127 = tpu.memref_slice %arg5[%mul3A_103, %dma_wait3A_126] : memref<40x125xi32, #tpu.memory_space<vmem>> -> memref<1x125xi32, #tpu.memory_space<vmem>>
        %dma_wait3A_128 = tpu.memref_squeeze %dma_wait3A_127 : memref<1x125xi32, #tpu.memory_space<vmem>> -> memref<125xi32, #tpu.memory_space<vmem>>
        %dma_wait3A_129 = arith.constant 0 : i32
        %dma_wait3A_130 = arith.constant 0 : i32
        %dma_wait3A_131 = tpu.memref_slice %arg2[%dma_wait3A_129, %dma_wait3A_130] : memref<20000x128xf32, #tpu.memory_space<hbm>> -> memref<20000x128xf32, #tpu.memory_space<hbm>>
        tpu.wait_indirect_dma semaphore(%arg10 : memref<!tpu.dma_semaphore, #tpu.memory_space<semaphore_mem>>) src(%dma_wait3A_131 : memref<20000x128xf32, #tpu.memory_space<hbm>>) dst(%arg7 : memref<125x128xf32, #tpu.memory_space<vmem>>)
        %dma_start3A_132 = arith.constant 0 : i32
        %dma_start3A_133 = tpu.memref_slice %arg6[%mul3A_103, %dma_start3A_132] : memref<40x125xi32, #tpu.memory_space<vmem>> -> memref<1x125xi32, #tpu.memory_space<vmem>>
        %dma_start3A_134 = tpu.memref_squeeze %dma_start3A_133 : memref<1x125xi32, #tpu.memory_space<vmem>> -> memref<125xi32, #tpu.memory_space<vmem>>
        %dma_start3A_135 = arith.constant 0 : i32
        %dma_start3A_136 = arith.constant 0 : i32
        %dma_start3A_137 = tpu.memref_slice %arg9[%dma_start3A_135, %dma_start3A_136] : memref<10000x128xf32, #tpu.memory_space<vmem_shared>> -> memref<10000x128xf32, #tpu.memory_space<vmem_shared>>
        tpu.enqueue_indirect_dma source(%arg7 : memref<125x128xf32, #tpu.memory_space<vmem>>) target(%dma_start3A_137 : memref<10000x128xf32, #tpu.memory_space<vmem_shared>>) offsets(%dma_start3A_134 : memref<125xi32, #tpu.memory_space<vmem>>) semaphore(%arg12 : memref<!tpu.dma_semaphore, #tpu.memory_space<semaphore_mem>>) {add = true}
        %dma_wait3A_138 = arith.constant 0 : i32
        %dma_wait3A_139 = tpu.memref_slice %arg5[%add3A_105, %dma_wait3A_138] : memref<40x125xi32, #tpu.memory_space<vmem>> -> memref<1x125xi32, #tpu.memory_space<vmem>>
        %dma_wait3A_140 = tpu.memref_squeeze %dma_wait3A_139 : memref<1x125xi32, #tpu.memory_space<vmem>> -> memref<125xi32, #tpu.memory_space<vmem>>
        %dma_wait3A_141 = arith.constant 0 : i32
        %dma_wait3A_142 = arith.constant 0 : i32
        %dma_wait3A_143 = tpu.memref_slice %arg2[%dma_wait3A_141, %dma_wait3A_142] : memref<20000x128xf32, #tpu.memory_space<hbm>> -> memref<20000x128xf32, #tpu.memory_space<hbm>>
        tpu.wait_indirect_dma semaphore(%arg11 : memref<!tpu.dma_semaphore, #tpu.memory_space<semaphore_mem>>) src(%dma_wait3A_143 : memref<20000x128xf32, #tpu.memory_space<hbm>>) dst(%arg8 : memref<125x128xf32, #tpu.memory_space<vmem>>)
        %dma_start3A_144 = arith.constant 0 : i32
        %dma_start3A_145 = tpu.memref_slice %arg6[%add3A_105, %dma_start3A_144] : memref<40x125xi32, #tpu.memory_space<vmem>> -> memref<1x125xi32, #tpu.memory_space<vmem>>
        %dma_start3A_146 = tpu.memref_squeeze %dma_start3A_145 : memref<1x125xi32, #tpu.memory_space<vmem>> -> memref<125xi32, #tpu.memory_space<vmem>>
        %dma_start3A_147 = arith.constant 0 : i32
        %dma_start3A_148 = arith.constant 0 : i32
        %dma_start3A_149 = tpu.memref_slice %arg9[%dma_start3A_147, %dma_start3A_148] : memref<10000x128xf32, #tpu.memory_space<vmem_shared>> -> memref<10000x128xf32, #tpu.memory_space<vmem_shared>>
        tpu.enqueue_indirect_dma source(%arg8 : memref<125x128xf32, #tpu.memory_space<vmem>>) target(%dma_start3A_149 : memref<10000x128xf32, #tpu.memory_space<vmem_shared>>) offsets(%dma_start3A_146 : memref<125xi32, #tpu.memory_space<vmem>>) semaphore(%arg13 : memref<!tpu.dma_semaphore, #tpu.memory_space<semaphore_mem>>) {add = true}
      }
      %scan3A_87 = arith.constant 20 : i32
      %dma_wait3A = arith.constant 0 : i32
      %dma_wait3A_88 = arith.constant 0 : i32
      %dma_wait3A_89 = tpu.memref_slice %arg6[%dma_wait3A, %dma_wait3A_88] : memref<40x125xi32, #tpu.memory_space<vmem>> -> memref<1x125xi32, #tpu.memory_space<vmem>>
      %dma_wait3A_90 = tpu.memref_squeeze %dma_wait3A_89 : memref<1x125xi32, #tpu.memory_space<vmem>> -> memref<125xi32, #tpu.memory_space<vmem>>
      %dma_wait3A_91 = arith.constant 0 : i32
      %dma_wait3A_92 = arith.constant 0 : i32
      %dma_wait3A_93 = tpu.memref_slice %arg9[%dma_wait3A_91, %dma_wait3A_92] : memref<10000x128xf32, #tpu.memory_space<vmem_shared>> -> memref<10000x128xf32, #tpu.memory_space<vmem_shared>>
      tpu.wait_indirect_dma semaphore(%arg12 : memref<!tpu.dma_semaphore, #tpu.memory_space<semaphore_mem>>) src(%arg7 : memref<125x128xf32, #tpu.memory_space<vmem>>) dst(%dma_wait3A_93 : memref<10000x128xf32, #tpu.memory_space<vmem_shared>>)
      %dma_wait3A_94 = arith.constant 0 : i32
      %dma_wait3A_95 = arith.constant 0 : i32
      %dma_wait3A_96 = tpu.memref_slice %arg6[%dma_wait3A_94, %dma_wait3A_95] : memref<40x125xi32, #tpu.memory_space<vmem>> -> memref<1x125xi32, #tpu.memory_space<vmem>>
      %dma_wait3A_97 = tpu.memref_squeeze %dma_wait3A_96 : memref<1x125xi32, #tpu.memory_space<vmem>> -> memref<125xi32, #tpu.memory_space<vmem>>
      %dma_wait3A_98 = arith.constant 0 : i32
      %dma_wait3A_99 = arith.constant 0 : i32
      %dma_wait3A_100 = tpu.memref_slice %arg9[%dma_wait3A_98, %dma_wait3A_99] : memref<10000x128xf32, #tpu.memory_space<vmem_shared>> -> memref<10000x128xf32, #tpu.memory_space<vmem_shared>>
      tpu.wait_indirect_dma semaphore(%arg13 : memref<!tpu.dma_semaphore, #tpu.memory_space<semaphore_mem>>) src(%arg8 : memref<125x128xf32, #tpu.memory_space<vmem>>) dst(%dma_wait3A_100 : memref<10000x128xf32, #tpu.memory_space<vmem_shared>>)
    }
    %scan3A_56 = arith.constant 2 : i32
    %barrier3A_57 = arith.constant 0 : index
    tpu.barrier barrier_id(%barrier3A_57)
    %lt3A_58 = arith.constant 10 : i32
    %lt3A_59 = arith.cmpi slt, %arg1, %lt3A_58 : i32
    %convert_element_type3A_60 = arith.extui %lt3A_59 : i1 to i32
    %cond3A_61 = arith.constant 0 : i32
    %cond3A_62 = arith.cmpi ne, %convert_element_type3A_60, %cond3A_61 : i32
    scf.if %cond3A_62 {
      %mul3A_63 = arith.constant 1000 : i32
      %mul3A_64 = arith.muli %arg1, %mul3A_63 : i32
      "tpu.region"() ({
        %run_scoped3A = tpu.sem_alloc : memref<!tpu.dma_semaphore, #tpu.memory_space<semaphore_mem>>
        %dma_start3A = arith.constant 0 : i32
        %dma_start3A_65 = tpu.memref_slice %arg4[%arg0, %mul3A_64, %dma_start3A] : memref<2x10000x128xf32, #tpu.memory_space<hbm>> -> memref<1x1000x128xf32, #tpu.memory_space<hbm>>
        %dma_start3A_66 = tpu.memref_squeeze %dma_start3A_65 : memref<1x1000x128xf32, #tpu.memory_space<hbm>> -> memref<1000x128xf32, #tpu.memory_space<hbm>>
        %dma_start3A_67 = arith.constant 0 : i32
        %dma_start3A_68 = tpu.memref_slice %arg9[%mul3A_64, %dma_start3A_67] : memref<10000x128xf32, #tpu.memory_space<vmem_shared>> -> memref<1000x128xf32, #tpu.memory_space<vmem_shared>>
        tpu.enqueue_dma source(%dma_start3A_68 : memref<1000x128xf32, #tpu.memory_space<vmem_shared>>) target(%dma_start3A_66 : memref<1000x128xf32, #tpu.memory_space<hbm>>) target_semaphore(%run_scoped3A : memref<!tpu.dma_semaphore, #tpu.memory_space<semaphore_mem>>)
        %dma_wait3A = arith.constant 0 : i32
        %dma_wait3A_69 = tpu.memref_slice %arg4[%arg0, %mul3A_64, %dma_wait3A] : memref<2x10000x128xf32, #tpu.memory_space<hbm>> -> memref<1x1000x128xf32, #tpu.memory_space<hbm>>
        %dma_wait3A_70 = tpu.memref_squeeze %dma_wait3A_69 : memref<1x1000x128xf32, #tpu.memory_space<hbm>> -> memref<1000x128xf32, #tpu.memory_space<hbm>>
        %dma_wait3A_71 = arith.constant 0 : i32
        %dma_wait3A_72 = tpu.memref_slice %arg9[%mul3A_64, %dma_wait3A_71] : memref<10000x128xf32, #tpu.memory_space<vmem_shared>> -> memref<1000x128xf32, #tpu.memory_space<vmem_shared>>
        tpu.wait_dma2 semaphore(%run_scoped3A : memref<!tpu.dma_semaphore, #tpu.memory_space<semaphore_mem>>) src(%dma_wait3A_72 : memref<1000x128xf32, #tpu.memory_space<vmem_shared>>) dst(%dma_wait3A_70 : memref<1000x128xf32, #tpu.memory_space<hbm>>)
        tpu.yield
      }) : () -> ()
    } else {
    }
    return
  }
}

module attributes {stable_mosaic.version = 14 : i64} {
  func.func @body(%arg0: i32, %arg1: i32, %arg2: memref<1000x256xf32, #tpu.memory_space<vmem>>, %arg3: memref<256x128xf32, #tpu.memory_space<vmem>>, %arg4: memref<1000x128xf32, #tpu.memory_space<vmem>>) attributes {dimension_semantics = [#tpu.dimension_semantics<arbitrary>, #tpu.dimension_semantics<arbitrary>], iteration_bounds = array<i64: 2, 10>, scalar_prefetch = 0 : i64, scratch_operands = 0 : i64, tpu.core_type = #tpu.core_type<tc>, window_params = [{transform_indices = @transform_0, window_bounds = array<i64: 1000, 256>}, {transform_indices = @transform_1, window_bounds = array<i64: 256, 128>}, {transform_indices = @transform_2, window_bounds = array<i64: 1000, 128>}]} {
    %get3A = arith.constant 0 : index
    %get3A_0 = arith.constant 0 : index
    %get3A_1 = vector.load %arg2[%get3A, %get3A_0] : memref<1000x256xf32, #tpu.memory_space<vmem>>, vector<1000x256xf32>
    %get3A_2 = arith.constant 0 : index
    %get3A_3 = arith.constant 0 : index
    %get3A_4 = vector.load %arg3[%get3A_2, %get3A_3] : memref<256x128xf32, #tpu.memory_space<vmem>>, vector<256x128xf32>
    %dot_general3A = arith.constant dense<0.000000e+00> : vector<1000x128xf32>
    %dot_general3A_5 = tpu.matmul %get3A_1, %get3A_4, %dot_general3A {dimension_numbers = #tpu.dot_dimension_numbers<[1], [0], [0], [1], [0, 0, 1, 1], [], []>, precision = #tpu.contract_precision<fp32>, transpose_lhs_hint = false} : vector<1000x256xf32>, vector<256x128xf32>, vector<1000x128xf32> -> vector<1000x128xf32>
    %swap3A = arith.constant 0 : index
    %swap3A_6 = arith.constant 0 : index
    %swap3A_7 = vector.load %arg4[%swap3A, %swap3A_6] : memref<1000x128xf32, #tpu.memory_space<vmem>>, vector<1000x128xf32>
    tpu.vector_store %arg4[%swap3A, %swap3A_6], %dot_general3A_5 {strides = array<i32>} : memref<1000x128xf32, #tpu.memory_space<vmem>>, vector<1000x128xf32>,
    return
  }
  func.func @transform_0(%arg0: i32, %arg1: i32) -> (i32, i32) {
    %c0_i32 = arith.constant 0 : i32
    %c0_i32_0 = arith.constant 0 : i32
    return %arg1, %c0_i32 : i32, i32
  }
  func.func @transform_1(%arg0: i32, %arg1: i32) -> (i32, i32) {
    %c0_i32 = arith.constant 0 : i32
    %c0_i32_0 = arith.constant 0 : i32
    return %c0_i32, %arg0 : i32, i32
  }
  func.func @transform_2(%arg0: i32, %arg1: i32) -> (i32, i32) {
    %mul3A = arith.constant 10 : i32
    %mul3A_0 = arith.muli %arg0, %mul3A : i32
    %add3A = arith.addi %mul3A_0, %arg1 : i32
    %c0_i32 = arith.constant 0 : i32
    %c0_i32_1 = arith.constant 0 : i32
    return %add3A, %c0_i32 : i32, i32
  }
}

module attributes {stable_mosaic.version = 14 : i64} {
  func.func @body(%arg0: i32, %arg1: memref<2x1000x128xf32, #tpu.memory_space<vmem>>, %arg2: memref<2x1000x128xf32, #tpu.memory_space<vmem>>, %arg3: memref<1000x256xf32, #tpu.memory_space<vmem>>, %arg4: memref<256x256xf32, #tpu.memory_space<vmem>>, %arg5: memref<1x256xf32, #tpu.memory_space<vmem>>, %arg6: memref<1x256xf32, #tpu.memory_space<vmem>>, %arg7: memref<1x256xf32, #tpu.memory_space<vmem>>, %arg8: memref<1000x256xf32, #tpu.memory_space<vmem>>) attributes {dimension_semantics = [#tpu.dimension_semantics<arbitrary>], iteration_bounds = array<i64: 10>, scalar_prefetch = 0 : i64, scratch_operands = 0 : i64, tpu.core_type = #tpu.core_type<tc>, window_params = [{transform_indices = @transform_0, window_bounds = array<i64: 2, 1000, 128>}, {transform_indices = @transform_1, window_bounds = array<i64: 2, 1000, 128>}, {transform_indices = @transform_2, window_bounds = array<i64: 1000, 256>}, {pipeline_mode = #tpu.pipeline_mode<synchronous>, transform_indices = @transform_3, window_bounds = array<i64: 256, 256>}, {pipeline_mode = #tpu.pipeline_mode<synchronous>, transform_indices = @transform_4, window_bounds = array<i64: 1, 256>}, {pipeline_mode = #tpu.pipeline_mode<synchronous>, transform_indices = @transform_5, window_bounds = array<i64: 1, 256>}, {pipeline_mode = #tpu.pipeline_mode<synchronous>, transform_indices = @transform_6, window_bounds = array<i64: 1, 256>}, {transform_indices = @transform_7, window_bounds = array<i64: 1000, 256>}]} {
    %get3A = arith.constant 0 : index
    %get3A_0 = arith.constant 0 : index
    %get3A_1 = arith.constant 0 : index
    %get3A_2 = vector.load %arg1[%get3A, %get3A_0, %get3A_1] : memref<2x1000x128xf32, #tpu.memory_space<vmem>>, vector<1x1000x128xf32>
    %get3A_3 = vector.shape_cast %get3A_2 : vector<1x1000x128xf32> to vector<1000x128xf32>
    %get3A_4 = arith.constant 1 : index
    %get3A_5 = arith.constant 0 : index
    %get3A_6 = arith.constant 0 : index
    %get3A_7 = vector.load %arg1[%get3A_4, %get3A_5, %get3A_6] : memref<2x1000x128xf32, #tpu.memory_space<vmem>>, vector<1x1000x128xf32>
    %get3A_8 = vector.shape_cast %get3A_7 : vector<1x1000x128xf32> to vector<1000x128xf32>
    %concatenate3A = tpu.concatenate %get3A_3, %get3A_8 in 1 : vector<1000x128xf32>, vector<1000x128xf32> -> vector<1000x256xf32>
    %get3A_9 = arith.constant 0 : index
    %get3A_10 = arith.constant 0 : index
    %get3A_11 = arith.constant 0 : index
    %get3A_12 = vector.load %arg2[%get3A_9, %get3A_10, %get3A_11] : memref<2x1000x128xf32, #tpu.memory_space<vmem>>, vector<1x1000x128xf32>
    %get3A_13 = vector.shape_cast %get3A_12 : vector<1x1000x128xf32> to vector<1000x128xf32>
    %slice3A = vector.extract_strided_slice %get3A_13 {offsets = [0, 0], sizes = [1000, 1], strides = [1, 1]} : vector<1000x128xf32> to vector<1000x1xf32>
    %get3A_14 = arith.constant 1 : index
    %get3A_15 = arith.constant 0 : index
    %get3A_16 = arith.constant 0 : index
    %get3A_17 = vector.load %arg2[%get3A_14, %get3A_15, %get3A_16] : memref<2x1000x128xf32, #tpu.memory_space<vmem>>, vector<1x1000x128xf32>
    %get3A_18 = vector.shape_cast %get3A_17 : vector<1x1000x128xf32> to vector<1000x128xf32>
    %slice3A_19 = vector.extract_strided_slice %get3A_18 {offsets = [0, 0], sizes = [1000, 1], strides = [1, 1]} : vector<1000x128xf32> to vector<1000x1xf32>
    %add3A = arith.addf %slice3A, %slice3A_19 : vector<1000x1xf32>
    %max3A = arith.constant 1.000000e+00 : f32
    %max3A_20 = vector.broadcast %max3A : f32 to vector<1000x1xf32>
    %max3A_21 = arith.maximumf %add3A, %max3A_20 : vector<1000x1xf32>
    %div3A = arith.constant 1.000000e+00 : f32
    %div3A_22 = vector.broadcast %div3A : f32 to vector<1000x1xf32>
    %div3A_23 = arith.divf %div3A_22, %max3A_21 : vector<1000x1xf32>
    %mul3A = vector.broadcast %div3A_23 : vector<1000x1xf32> to vector<1000x256xf32>
    %mul3A_24 = arith.mulf %concatenate3A, %mul3A : vector<1000x256xf32>
    %get3A_25 = arith.constant 0 : index
    %get3A_26 = arith.constant 0 : index
    %get3A_27 = vector.load %arg5[%get3A_25, %get3A_26] : memref<1x256xf32, #tpu.memory_space<vmem>>, vector<1x256xf32>
    %add3A_28 = vector.broadcast %get3A_27 : vector<1x256xf32> to vector<1000x256xf32>
    %add3A_29 = arith.addf %mul3A_24, %add3A_28 : vector<1000x256xf32>
    %get3A_30 = arith.constant 0 : index
    %get3A_31 = arith.constant 0 : index
    %get3A_32 = vector.load %arg3[%get3A_30, %get3A_31] : memref<1000x256xf32, #tpu.memory_space<vmem>>, vector<1000x256xf32>
    %get3A_33 = arith.constant 0 : index
    %get3A_34 = arith.constant 0 : index
    %get3A_35 = vector.load %arg4[%get3A_33, %get3A_34] : memref<256x256xf32, #tpu.memory_space<vmem>>, vector<256x256xf32>
    %dot_general3A = arith.constant dense<0.000000e+00> : vector<1000x256xf32>
    %dot_general3A_36 = tpu.matmul %get3A_32, %get3A_35, %dot_general3A {dimension_numbers = #tpu.dot_dimension_numbers<[1], [0], [0], [1], [0, 0, 1, 1], [], []>, precision = #tpu.contract_precision<fp32>, transpose_lhs_hint = false} : vector<1000x256xf32>, vector<256x256xf32>, vector<1000x256xf32> -> vector<1000x256xf32>
    %add3A_37 = arith.addf %add3A_29, %dot_general3A_36 : vector<1000x256xf32>
    %reduce_sum3A = arith.constant dense<0.000000e+00> : vector<1000xf32>
    %reduce_sum3A_38 = vector.multi_reduction <add>, %add3A_37, %reduce_sum3A [1] : vector<1000x256xf32> to vector<1000xf32>
    %broadcast_in_dim3A = vector.shape_cast %reduce_sum3A_38 : vector<1000xf32> to vector<1000x1xf32>
    %div3A_39 = arith.constant 2.560000e+02 : f32
    %div3A_40 = vector.broadcast %div3A_39 : f32 to vector<1000x1xf32>
    %div3A_41 = arith.divf %broadcast_in_dim3A, %div3A_40 : vector<1000x1xf32>
    %sub3A = vector.broadcast %div3A_41 : vector<1000x1xf32> to vector<1000x256xf32>
    %sub3A_42 = arith.subf %add3A_37, %sub3A : vector<1000x256xf32>
    %square3A = arith.mulf %sub3A_42, %sub3A_42 : vector<1000x256xf32>
    %reduce_sum3A_43 = arith.constant dense<0.000000e+00> : vector<1000xf32>
    %reduce_sum3A_44 = vector.multi_reduction <add>, %square3A, %reduce_sum3A_43 [1] : vector<1000x256xf32> to vector<1000xf32>
    %broadcast_in_dim3A_45 = vector.shape_cast %reduce_sum3A_44 : vector<1000xf32> to vector<1000x1xf32>
    %div3A_46 = arith.constant 2.560000e+02 : f32
    %div3A_47 = vector.broadcast %div3A_46 : f32 to vector<1000x1xf32>
    %div3A_48 = arith.divf %broadcast_in_dim3A_45, %div3A_47 : vector<1000x1xf32>
    %sub3A_49 = vector.broadcast %div3A_41 : vector<1000x1xf32> to vector<1000x256xf32>
    %sub3A_50 = arith.subf %add3A_37, %sub3A_49 : vector<1000x256xf32>
    %add3A_51 = arith.constant 9.99999974E-6 : f32
    %add3A_52 = vector.broadcast %add3A_51 : f32 to vector<1000x1xf32>
    %add3A_53 = arith.addf %div3A_48, %add3A_52 : vector<1000x1xf32>
    %rsqrt3A = math.rsqrt %add3A_53 : vector<1000x1xf32>
    %mul3A_54 = vector.broadcast %rsqrt3A : vector<1000x1xf32> to vector<1000x256xf32>
    %mul3A_55 = arith.mulf %sub3A_50, %mul3A_54 : vector<1000x256xf32>
    %get3A_56 = arith.constant 0 : index
    %get3A_57 = arith.constant 0 : index
    %get3A_58 = vector.load %arg6[%get3A_56, %get3A_57] : memref<1x256xf32, #tpu.memory_space<vmem>>, vector<1x256xf32>
    %mul3A_59 = vector.broadcast %get3A_58 : vector<1x256xf32> to vector<1000x256xf32>
    %mul3A_60 = arith.mulf %mul3A_55, %mul3A_59 : vector<1000x256xf32>
    %get3A_61 = arith.constant 0 : index
    %get3A_62 = arith.constant 0 : index
    %get3A_63 = vector.load %arg7[%get3A_61, %get3A_62] : memref<1x256xf32, #tpu.memory_space<vmem>>, vector<1x256xf32>
    %add3A_64 = vector.broadcast %get3A_63 : vector<1x256xf32> to vector<1000x256xf32>
    %add3A_65 = arith.addf %mul3A_60, %add3A_64 : vector<1000x256xf32>
    %max3A_66 = arith.constant 0.000000e+00 : f32
    %max3A_67 = vector.broadcast %max3A_66 : f32 to vector<1000x256xf32>
    %max3A_68 = arith.maximumf %add3A_65, %max3A_67 : vector<1000x256xf32>
    %swap3A = arith.constant 0 : index
    %swap3A_69 = arith.constant 0 : index
    %swap3A_70 = vector.load %arg8[%swap3A, %swap3A_69] : memref<1000x256xf32, #tpu.memory_space<vmem>>, vector<1000x256xf32>
    tpu.vector_store %arg8[%swap3A, %swap3A_69], %max3A_68 {strides = array<i32>} : memref<1000x256xf32, #tpu.memory_space<vmem>>, vector<1000x256xf32>,
    return
  }
  func.func @transform_0(%arg0: i32) -> (i32, i32, i32) {
    %c0_i32 = arith.constant 0 : i32
    %c0_i32_0 = arith.constant 0 : i32
    %c0_i32_1 = arith.constant 0 : i32
    return %c0_i32, %arg0, %c0_i32_0 : i32, i32, i32
  }
  func.func @transform_1(%arg0: i32) -> (i32, i32, i32) {
    %c0_i32 = arith.constant 0 : i32
    %c0_i32_0 = arith.constant 0 : i32
    %c0_i32_1 = arith.constant 0 : i32
    return %c0_i32, %arg0, %c0_i32_0 : i32, i32, i32
  }
  func.func @transform_2(%arg0: i32) -> (i32, i32) {
    %c0_i32 = arith.constant 0 : i32
    %c0_i32_0 = arith.constant 0 : i32
    return %arg0, %c0_i32 : i32, i32
  }
  func.func @transform_3(%arg0: i32) -> (i32, i32) {
    %c0_i32 = arith.constant 0 : i32
    %c0_i32_0 = arith.constant 0 : i32
    %c0_i32_1 = arith.constant 0 : i32
    return %c0_i32, %c0_i32_0 : i32, i32
  }
  func.func @transform_4(%arg0: i32) -> (i32, i32) {
    %c0_i32 = arith.constant 0 : i32
    %c0_i32_0 = arith.constant 0 : i32
    %c0_i32_1 = arith.constant 0 : i32
    return %c0_i32, %c0_i32_0 : i32, i32
  }
  func.func @transform_5(%arg0: i32) -> (i32, i32) {
    %c0_i32 = arith.constant 0 : i32
    %c0_i32_0 = arith.constant 0 : i32
    %c0_i32_1 = arith.constant 0 : i32
    return %c0_i32, %c0_i32_0 : i32, i32
  }
  func.func @transform_6(%arg0: i32) -> (i32, i32) {
    %c0_i32 = arith.constant 0 : i32
    %c0_i32_0 = arith.constant 0 : i32
    %c0_i32_1 = arith.constant 0 : i32
    return %c0_i32, %c0_i32_0 : i32, i32
  }
  func.func @transform_7(%arg0: i32) -> (i32, i32) {
    %c0_i32 = arith.constant 0 : i32
    %c0_i32_0 = arith.constant 0 : i32
    return %arg0, %c0_i32 : i32, i32
  }
}

module attributes {stable_mosaic.version = 14 : i64} {
  func.func @body(%arg0: i32, %arg1: memref<2x1000x128xf32, #tpu.memory_space<vmem>>, %arg2: memref<2x1000x128xf32, #tpu.memory_space<vmem>>, %arg3: memref<1000x256xf32, #tpu.memory_space<vmem>>, %arg4: memref<256x256xf32, #tpu.memory_space<vmem>>, %arg5: memref<1x256xf32, #tpu.memory_space<vmem>>, %arg6: memref<1x256xf32, #tpu.memory_space<vmem>>, %arg7: memref<1x256xf32, #tpu.memory_space<vmem>>, %arg8: memref<256x256xf32, #tpu.memory_space<vmem>>, %arg9: memref<1x256xf32, #tpu.memory_space<vmem>>, %arg10: memref<1000x256xf32, #tpu.memory_space<vmem>>) attributes {dimension_semantics = [#tpu.dimension_semantics<arbitrary>], iteration_bounds = array<i64: 10>, scalar_prefetch = 0 : i64, scratch_operands = 0 : i64, tpu.core_type = #tpu.core_type<tc>, window_params = [{transform_indices = @transform_0, window_bounds = array<i64: 2, 1000, 128>}, {transform_indices = @transform_1, window_bounds = array<i64: 2, 1000, 128>}, {transform_indices = @transform_2, window_bounds = array<i64: 1000, 256>}, {pipeline_mode = #tpu.pipeline_mode<synchronous>, transform_indices = @transform_3, window_bounds = array<i64: 256, 256>}, {pipeline_mode = #tpu.pipeline_mode<synchronous>, transform_indices = @transform_4, window_bounds = array<i64: 1, 256>}, {pipeline_mode = #tpu.pipeline_mode<synchronous>, transform_indices = @transform_5, window_bounds = array<i64: 1, 256>}, {pipeline_mode = #tpu.pipeline_mode<synchronous>, transform_indices = @transform_6, window_bounds = array<i64: 1, 256>}, {pipeline_mode = #tpu.pipeline_mode<synchronous>, transform_indices = @transform_7, window_bounds = array<i64: 256, 256>}, {pipeline_mode = #tpu.pipeline_mode<synchronous>, transform_indices = @transform_8, window_bounds = array<i64: 1, 256>}, {transform_indices = @transform_9, window_bounds = array<i64: 1000, 256>}]} {
    %get3A = arith.constant 0 : index
    %get3A_0 = arith.constant 0 : index
    %get3A_1 = arith.constant 0 : index
    %get3A_2 = vector.load %arg1[%get3A, %get3A_0, %get3A_1] : memref<2x1000x128xf32, #tpu.memory_space<vmem>>, vector<1x1000x128xf32>
    %get3A_3 = vector.shape_cast %get3A_2 : vector<1x1000x128xf32> to vector<1000x128xf32>
    %get3A_4 = arith.constant 1 : index
    %get3A_5 = arith.constant 0 : index
    %get3A_6 = arith.constant 0 : index
    %get3A_7 = vector.load %arg1[%get3A_4, %get3A_5, %get3A_6] : memref<2x1000x128xf32, #tpu.memory_space<vmem>>, vector<1x1000x128xf32>
    %get3A_8 = vector.shape_cast %get3A_7 : vector<1x1000x128xf32> to vector<1000x128xf32>
    %concatenate3A = tpu.concatenate %get3A_3, %get3A_8 in 1 : vector<1000x128xf32>, vector<1000x128xf32> -> vector<1000x256xf32>
    %get3A_9 = arith.constant 0 : index
    %get3A_10 = arith.constant 0 : index
    %get3A_11 = arith.constant 0 : index
    %get3A_12 = vector.load %arg2[%get3A_9, %get3A_10, %get3A_11] : memref<2x1000x128xf32, #tpu.memory_space<vmem>>, vector<1x1000x128xf32>
    %get3A_13 = vector.shape_cast %get3A_12 : vector<1x1000x128xf32> to vector<1000x128xf32>
    %slice3A = vector.extract_strided_slice %get3A_13 {offsets = [0, 0], sizes = [1000, 1], strides = [1, 1]} : vector<1000x128xf32> to vector<1000x1xf32>
    %get3A_14 = arith.constant 1 : index
    %get3A_15 = arith.constant 0 : index
    %get3A_16 = arith.constant 0 : index
    %get3A_17 = vector.load %arg2[%get3A_14, %get3A_15, %get3A_16] : memref<2x1000x128xf32, #tpu.memory_space<vmem>>, vector<1x1000x128xf32>
    %get3A_18 = vector.shape_cast %get3A_17 : vector<1x1000x128xf32> to vector<1000x128xf32>
    %slice3A_19 = vector.extract_strided_slice %get3A_18 {offsets = [0, 0], sizes = [1000, 1], strides = [1, 1]} : vector<1000x128xf32> to vector<1000x1xf32>
    %add3A = arith.addf %slice3A, %slice3A_19 : vector<1000x1xf32>
    %max3A = arith.constant 1.000000e+00 : f32
    %max3A_20 = vector.broadcast %max3A : f32 to vector<1000x1xf32>
    %max3A_21 = arith.maximumf %add3A, %max3A_20 : vector<1000x1xf32>
    %div3A = arith.constant 1.000000e+00 : f32
    %div3A_22 = vector.broadcast %div3A : f32 to vector<1000x1xf32>
    %div3A_23 = arith.divf %div3A_22, %max3A_21 : vector<1000x1xf32>
    %mul3A = vector.broadcast %div3A_23 : vector<1000x1xf32> to vector<1000x256xf32>
    %mul3A_24 = arith.mulf %concatenate3A, %mul3A : vector<1000x256xf32>
    %get3A_25 = arith.constant 0 : index
    %get3A_26 = arith.constant 0 : index
    %get3A_27 = vector.load %arg5[%get3A_25, %get3A_26] : memref<1x256xf32, #tpu.memory_space<vmem>>, vector<1x256xf32>
    %add3A_28 = vector.broadcast %get3A_27 : vector<1x256xf32> to vector<1000x256xf32>
    %add3A_29 = arith.addf %mul3A_24, %add3A_28 : vector<1000x256xf32>
    %get3A_30 = arith.constant 0 : index
    %get3A_31 = arith.constant 0 : index
    %get3A_32 = vector.load %arg3[%get3A_30, %get3A_31] : memref<1000x256xf32, #tpu.memory_space<vmem>>, vector<1000x256xf32>
    %get3A_33 = arith.constant 0 : index
    %get3A_34 = arith.constant 0 : index
    %get3A_35 = vector.load %arg4[%get3A_33, %get3A_34] : memref<256x256xf32, #tpu.memory_space<vmem>>, vector<256x256xf32>
    %dot_general3A = arith.constant dense<0.000000e+00> : vector<1000x256xf32>
    %dot_general3A_36 = tpu.matmul %get3A_32, %get3A_35, %dot_general3A {dimension_numbers = #tpu.dot_dimension_numbers<[1], [0], [0], [1], [0, 0, 1, 1], [], []>, precision = #tpu.contract_precision<fp32>, transpose_lhs_hint = false} : vector<1000x256xf32>, vector<256x256xf32>, vector<1000x256xf32> -> vector<1000x256xf32>
    %add3A_37 = arith.addf %add3A_29, %dot_general3A_36 : vector<1000x256xf32>
    %reduce_sum3A = arith.constant dense<0.000000e+00> : vector<1000xf32>
    %reduce_sum3A_38 = vector.multi_reduction <add>, %add3A_37, %reduce_sum3A [1] : vector<1000x256xf32> to vector<1000xf32>
    %broadcast_in_dim3A = vector.shape_cast %reduce_sum3A_38 : vector<1000xf32> to vector<1000x1xf32>
    %div3A_39 = arith.constant 2.560000e+02 : f32
    %div3A_40 = vector.broadcast %div3A_39 : f32 to vector<1000x1xf32>
    %div3A_41 = arith.divf %broadcast_in_dim3A, %div3A_40 : vector<1000x1xf32>
    %sub3A = vector.broadcast %div3A_41 : vector<1000x1xf32> to vector<1000x256xf32>
    %sub3A_42 = arith.subf %add3A_37, %sub3A : vector<1000x256xf32>
    %square3A = arith.mulf %sub3A_42, %sub3A_42 : vector<1000x256xf32>
    %reduce_sum3A_43 = arith.constant dense<0.000000e+00> : vector<1000xf32>
    %reduce_sum3A_44 = vector.multi_reduction <add>, %square3A, %reduce_sum3A_43 [1] : vector<1000x256xf32> to vector<1000xf32>
    %broadcast_in_dim3A_45 = vector.shape_cast %reduce_sum3A_44 : vector<1000xf32> to vector<1000x1xf32>
    %div3A_46 = arith.constant 2.560000e+02 : f32
    %div3A_47 = vector.broadcast %div3A_46 : f32 to vector<1000x1xf32>
    %div3A_48 = arith.divf %broadcast_in_dim3A_45, %div3A_47 : vector<1000x1xf32>
    %sub3A_49 = vector.broadcast %div3A_41 : vector<1000x1xf32> to vector<1000x256xf32>
    %sub3A_50 = arith.subf %add3A_37, %sub3A_49 : vector<1000x256xf32>
    %add3A_51 = arith.constant 9.99999974E-6 : f32
    %add3A_52 = vector.broadcast %add3A_51 : f32 to vector<1000x1xf32>
    %add3A_53 = arith.addf %div3A_48, %add3A_52 : vector<1000x1xf32>
    %rsqrt3A = math.rsqrt %add3A_53 : vector<1000x1xf32>
    %mul3A_54 = vector.broadcast %rsqrt3A : vector<1000x1xf32> to vector<1000x256xf32>
    %mul3A_55 = arith.mulf %sub3A_50, %mul3A_54 : vector<1000x256xf32>
    %get3A_56 = arith.constant 0 : index
    %get3A_57 = arith.constant 0 : index
    %get3A_58 = vector.load %arg6[%get3A_56, %get3A_57] : memref<1x256xf32, #tpu.memory_space<vmem>>, vector<1x256xf32>
    %mul3A_59 = vector.broadcast %get3A_58 : vector<1x256xf32> to vector<1000x256xf32>
    %mul3A_60 = arith.mulf %mul3A_55, %mul3A_59 : vector<1000x256xf32>
    %get3A_61 = arith.constant 0 : index
    %get3A_62 = arith.constant 0 : index
    %get3A_63 = vector.load %arg7[%get3A_61, %get3A_62] : memref<1x256xf32, #tpu.memory_space<vmem>>, vector<1x256xf32>
    %add3A_64 = vector.broadcast %get3A_63 : vector<1x256xf32> to vector<1000x256xf32>
    %add3A_65 = arith.addf %mul3A_60, %add3A_64 : vector<1000x256xf32>
    %max3A_66 = arith.constant 0.000000e+00 : f32
    %max3A_67 = vector.broadcast %max3A_66 : f32 to vector<1000x256xf32>
    %max3A_68 = arith.maximumf %add3A_65, %max3A_67 : vector<1000x256xf32>
    %get3A_69 = arith.constant 0 : index
    %get3A_70 = arith.constant 0 : index
    %get3A_71 = vector.load %arg8[%get3A_69, %get3A_70] : memref<256x256xf32, #tpu.memory_space<vmem>>, vector<256x256xf32>
    %dot_general3A_72 = arith.constant dense<0.000000e+00> : vector<1000x256xf32>
    %dot_general3A_73 = tpu.matmul %max3A_68, %get3A_71, %dot_general3A_72 {dimension_numbers = #tpu.dot_dimension_numbers<[1], [0], [0], [1], [0, 0, 1, 1], [], []>, precision = #tpu.contract_precision<fp32>, transpose_lhs_hint = false} : vector<1000x256xf32>, vector<256x256xf32>, vector<1000x256xf32> -> vector<1000x256xf32>
    %get3A_74 = arith.constant 0 : index
    %get3A_75 = arith.constant 0 : index
    %get3A_76 = vector.load %arg9[%get3A_74, %get3A_75] : memref<1x256xf32, #tpu.memory_space<vmem>>, vector<1x256xf32>
    %add3A_77 = vector.broadcast %get3A_76 : vector<1x256xf32> to vector<1000x256xf32>
    %add3A_78 = arith.addf %dot_general3A_73, %add3A_77 : vector<1000x256xf32>
    %swap3A = arith.constant 0 : index
    %swap3A_79 = arith.constant 0 : index
    %swap3A_80 = vector.load %arg10[%swap3A, %swap3A_79] : memref<1000x256xf32, #tpu.memory_space<vmem>>, vector<1000x256xf32>
    tpu.vector_store %arg10[%swap3A, %swap3A_79], %add3A_78 {strides = array<i32>} : memref<1000x256xf32, #tpu.memory_space<vmem>>, vector<1000x256xf32>,
    return
  }
  func.func @transform_0(%arg0: i32) -> (i32, i32, i32) {
    %c0_i32 = arith.constant 0 : i32
    %c0_i32_0 = arith.constant 0 : i32
    %c0_i32_1 = arith.constant 0 : i32
    return %c0_i32, %arg0, %c0_i32_0 : i32, i32, i32
  }
  func.func @transform_1(%arg0: i32) -> (i32, i32, i32) {
    %c0_i32 = arith.constant 0 : i32
    %c0_i32_0 = arith.constant 0 : i32
    %c0_i32_1 = arith.constant 0 : i32
    return %c0_i32, %arg0, %c0_i32_0 : i32, i32, i32
  }
  func.func @transform_2(%arg0: i32) -> (i32, i32) {
    %c0_i32 = arith.constant 0 : i32
    %c0_i32_0 = arith.constant 0 : i32
    return %arg0, %c0_i32 : i32, i32
  }
  func.func @transform_3(%arg0: i32) -> (i32, i32) {
    %c0_i32 = arith.constant 0 : i32
    %c0_i32_0 = arith.constant 0 : i32
    %c0_i32_1 = arith.constant 0 : i32
    return %c0_i32, %c0_i32_0 : i32, i32
  }
  func.func @transform_4(%arg0: i32) -> (i32, i32) {
    %c0_i32 = arith.constant 0 : i32
    %c0_i32_0 = arith.constant 0 : i32
    %c0_i32_1 = arith.constant 0 : i32
    return %c0_i32, %c0_i32_0 : i32, i32
  }
  func.func @transform_5(%arg0: i32) -> (i32, i32) {
    %c0_i32 = arith.constant 0 : i32
    %c0_i32_0 = arith.constant 0 : i32
    %c0_i32_1 = arith.constant 0 : i32
    return %c0_i32, %c0_i32_0 : i32, i32
  }
  func.func @transform_6(%arg0: i32) -> (i32, i32) {
    %c0_i32 = arith.constant 0 : i32
    %c0_i32_0 = arith.constant 0 : i32
    %c0_i32_1 = arith.constant 0 : i32
    return %c0_i32, %c0_i32_0 : i32, i32
  }
  func.func @transform_7(%arg0: i32) -> (i32, i32) {
    %c0_i32 = arith.constant 0 : i32
    %c0_i32_0 = arith.constant 0 : i32
    %c0_i32_1 = arith.constant 0 : i32
    return %c0_i32, %c0_i32_0 : i32, i32
  }
  func.func @transform_8(%arg0: i32) -> (i32, i32) {
    %c0_i32 = arith.constant 0 : i32
    %c0_i32_0 = arith.constant 0 : i32
    %c0_i32_1 = arith.constant 0 : i32
    return %c0_i32, %c0_i32_0 : i32, i32
  }
  func.func @transform_9(%arg0: i32) -> (i32, i32) {
    %c0_i32 = arith.constant 0 : i32
    %c0_i32_0 = arith.constant 0 : i32
    return %arg0, %c0_i32 : i32, i32
  }
}

</mosaic_0001>

<sc_bundles>
// kernel: kernel.12.cloned.1.call-start
scs
__scs_entry_jumppad:
0x0: {  	(pc) =	sbr.rel $0x88, $3  }
0x1: {  	(tag) =	ssettag $0x0;
	lr =	simm.s32 $0x1  }
0x2: {  	[smem:$0x3F93] =	sst lr;
	_ =	strace $0xD0000000  }
0x3: {  	_ = 	snop  }
0x4: {  	_ = 	snop  }
0x5: {  	_ = 	snop  }
0x6: {  	_ = 	snop  }
0x7: {  	_ = 	snop  }
__scs_overlays_trampoline_lowered:
0x8: {  	[smem:$0x3FA2] =	sst s0  }
0x9: {  	[smem:$0x3FA3] =	sst s1  }
0xa: {  	[smem:$0x3FA4] =	sst s2  }
0xb: {  	[smem:$0x3FA5] =	sst s3  }
0xc: {  	[smem:$0x3FA6] =	sst s4  }
0xd: {  	[smem:$0x3FA7] =	sst s5  }
0xe: {  	[smem:$0x3FA8] =	sst s6  }
0xf: {  	[smem:$0x3FA9] =	sst s7  }
0x10: {  	[smem:$0x3FAA] =	sst s8  }
0x11: {  	[smem:$0x3FAB] =	sst s9;
	s0 =	simm.s32 @!p0 $0x0  }
0x12: {  	s1 =	sld [smem:$0x3F91];
	s0 =	simm.s32 @p0 $0x1  }
0x13: {  	[smem:$0x3FAC] =	sst s0;
	s0 =	simm.s32 @!p1 $0x0  }
0x14: {  	s2 =	sld [smem:$0x3F90];
	s0 =	simm.s32 @p1 $0x1  }
0x15: {  	[smem:$0x3FAD] =	sst s0;
	s0 =	simm.s32 @!p2 $0x0  }
0x16: {  	s3 =	sld [smem:$0x3FDB];
	s0 =	simm.s32 @p2 $0x1  }
0x17: {  	s4 =	simm.s32 $0x1BF5;
	[smem:$0x3FAF] =	sst s0  }
0x18: {  	s0 =	sld [smem:$0x3F92];
	_ =	swait.ge [sflag:s4], $0x0  }
0x19: {  	s7 =	sld [smem:$0x3F93]  }
0x1a: {  	s8 =	sadd.s32 $0xFFFFE003, lr  }
0x1b: {  	s9 =	sadd.s32 $0xFFFFFEF7, lr;
	s5 =	simm.s32 $0xFFFFFFFF;
	p2 =	slt.u32 s8, $0xFFFFF086  }
0x1c: {  	p1 =	slt.u32 s9, $0xF7A;
	s5 =	simm.s32 @!p2 $0x0  }
0x1d: {  	s5 =	simm.s32 @p1 $0x1;
	p0 =	seq.s32 s7, s2  }
0x1e: {  	s7 =	smul.u32 @!p0 $0xF7A, s2;
	p2 =	seq.s32 @!p0 s5, $0x0  }
0x1f: {  	s9 =	smul.u32 $0xF7A, s1;
	s8 =	simm.s32 @!p0 $0x1BF5;
	p2 =	por !p2, p0  }
0x20: {  	[sflag:s8] =	ssyncset.s32 @!p0 $0xFFFFF086;
	s6 =	sadd.s32 @!p0 s3, s7;
	s7 =	simm.s32 @!p0 $0x108  }
0x21: {  	s3 =	sadd.s32 s3, s9;
	s6 =	sadd.s32 @!p0 $0x88, s6;
	s7 =	simm.s32 @p2 $0x1082  }
0x22: {  	[simem:s7], [sflag:s8] =	dma.local @!p0 [hbm:s6], $0xF7A  }
0x23: {  	s9 =	sor.u32 $0xD0000000, s2;
	s6 =	simm.s32 $0x108;
	_ =	swait.ge @!p0 [sflag:s8], $0x0  }
0x24: {  	s3 =	sadd.s32 $0x88, s3;
	s6 =	simm.s32 @!p1 $0x1082;
	[sflag:s4] =	ssyncset.s32 $0xFFFFF086  }
0x25: {  	[simem:s6], [sflag:s4] =	dma.local [hbm:s3], $0xF7A  }
0x26: {  	[smem:$0x3F93] =	sst s1;
	(tag) =	ssettag s2;
	_ =	strace s9  }
0x27: {  	s1 =	sld [smem:$0x3FA3]  }
0x28: {  	s2 =	sld [smem:$0x3FA4]  }
0x29: {  	s4 =	sld [smem:$0x3FA6]  }
0x2a: {  	p0 =	seq.s32 s5, $0x0;
	s5 =	sld [smem:$0x3FA7]  }
0x2b: {  	s6 =	sld [smem:$0x3FA8]  }
0x2c: {  	s7 =	sld [smem:$0x3FA9]  }
0x2d: {  	s3 =	simm.s32 $0x108;
	s8 =	sld [smem:$0x3FAA]  }
0x2e: {  	s3 =	simm.s32 @!p0 $0x1082;
	s9 =	sld [smem:$0x3FAB]  }
0x2f: {  	lr =	sadd.s32 s0, s3;
	s0 =	sld [smem:$0x3FA2]  }
0x30: {  	s3 =	sld [smem:$0x3FA5]  }
0x31: {  	[smem:$0x3FAE] =	sst s10  }
0x32: {  	s10 =	sld [smem:$0x3FAC];
	_ =	sdelay $0x3  }
0x33: {  	p0 =	seq.s32 s10, $0x1;
	s10 =	sld [smem:$0x3FAE];
	_ =	sdelay $0x3  }
0x34: {  	[smem:$0x3FAE] =	sst s10  }
0x35: {  	s10 =	sld [smem:$0x3FAD];
	_ =	sdelay $0x3  }
0x36: {  	p1 =	seq.s32 s10, $0x1;
	s10 =	sld [smem:$0x3FAE];
	_ =	sdelay $0x3  }
0x37: {  	[smem:$0x3FAE] =	sst s10  }
0x38: {  	s10 =	sld [smem:$0x3FAF]  }
0x39: {  	_ = 	snop;
	(pc) =	sbr.ind lr, $3  }
0x3a: {  	_ = 	snop  }
0x3b: {  	_ = 	snop  }
0x3c: {  	p2 =	seq.s32 s10, $0x1;
	s10 =	sld [smem:$0x3FAE]  }
0x3d: {  	_ =	shalt  }
0x3e: {  	_ =	shalt  }
0x3f: {  	_ =	shalt  }
0x40: {  	_ =	shalt  }
0x41: {  	_ =	shalt  }
0x42: {  	_ =	shalt  }
0x43: {  	_ =	shalt  }
0x44: {  	_ =	shalt  }
0x45: {  	_ =	shalt  }
0x46: {  	_ =	shalt  }
0x47: {  	_ =	shalt  }
0x48: {  	_ =	shalt  }
0x49: {  	_ =	shalt  }
0x4a: {  	_ =	shalt  }
0x4b: {  	_ =	shalt  }
0x4c: {  	_ =	shalt  }
0x4d: {  	_ =	shalt  }
0x4e: {  	_ =	shalt  }
0x4f: {  	_ =	shalt  }
0x50: {  	_ =	shalt  }
0x51: {  	_ =	shalt  }
0x52: {  	_ =	shalt  }
0x53: {  	_ =	shalt  }
0x54: {  	_ =	shalt  }
0x55: {  	_ =	shalt  }
0x56: {  	_ =	shalt  }
0x57: {  	_ =	shalt  }
0x58: {  	_ =	shalt  }
0x59: {  	_ =	shalt  }
0x5a: {  	_ =	shalt  }
0x5b: {  	_ =	shalt  }
0x5c: {  	_ =	shalt  }
0x5d: {  	_ =	shalt  }
0x5e: {  	_ =	shalt  }
0x5f: {  	_ =	shalt  }
0x60: {  	_ =	shalt  }
0x61: {  	_ =	shalt  }
0x62: {  	_ =	shalt  }
0x63: {  	_ =	shalt  }
0x64: {  	_ =	shalt  }
0x65: {  	_ =	shalt  }
0x66: {  	_ =	shalt  }
0x67: {  	_ =	shalt  }
0x68: {  	_ =	shalt  }
0x69: {  	_ =	shalt  }
0x6a: {  	_ =	shalt  }
0x6b: {  	_ =	shalt  }
0x6c: {  	_ =	shalt  }
0x6d: {  	_ =	shalt  }
0x6e: {  	_ =	shalt  }
0x6f: {  	_ =	shalt  }
0x70: {  	_ =	shalt  }
0x71: {  	_ =	shalt  }
0x72: {  	_ =	shalt  }
0x73: {  	_ =	shalt  }
0x74: {  	_ =	shalt  }
0x75: {  	_ =	shalt  }
0x76: {  	_ =	shalt  }
0x77: {  	_ =	shalt  }
0x78: {  	_ =	shalt  }
0x79: {  	_ =	shalt  }
0x7a: {  	_ =	shalt  }
0x7b: {  	_ =	shalt  }
0x7c: {  	_ =	shalt  }
0x7d: {  	_ =	shalt  }
0x7e: {  	_ =	shalt  }
0x7f: {  	_ =	shalt  }
0x80: {  	_ =	shalt  }
0x81: {  	_ =	shalt  }
0x82: {  	_ =	shalt  }
0x83: {  	_ =	shalt  }
0x84: {  	_ =	shalt  }
0x85: {  	_ =	shalt  }
0x86: {  	_ =	shalt  }
0x87: {  	_ =	shalt  }
.Lfunc_end0:
.L_simem_size_0:
called_computation.1_lowered:
.L_overlay_start_0:
0x88: {  	s2 =	sld [smem:$0x3FD9]  }
0x89: {  	s3 =	sld [smem:$0x3FFE];
	_ =	sdelay $0x1  }
0x8a: {  	s1 =	srdreg.scid  }
0x8b: {  	s0 =	sand.u32 $0x1, s1  }
0x8c: {  	s17 =	sshll.u32 s0, $0xA;
	s2 =	sadd.s32 s3, s2  }
0x8d: {  	s2 =	sadd.s32 s2, s17  }
0x8e: {  	[smem:$0x3FBA] =	sst s2  }
0x8f: {  	_ = 	snop  }
0x90: {  	s18 =	sld [smem:$0x3FD0];
	(tm) =	ssettm $0x1  }
0x91: {  	s19 =	sld [smem:$0x3FFB];
	_ =	sdelay $0x3  }
0x92: {  	_ =	strace s19  }
0x93: {  	s2 =	sld [smem:$0x3FFC];
	_ =	sdelay $0x3  }
0x94: {  	_ =	strace s2  }
0x95: {  	s2 =	sld [smem:$0x3FFD];
	_ =	sdelay $0x3  }
0x96: {  	_ =	strace s2  }
0x97: {  	_ =	strace $0x8FFFFFFF  }
0x98: {  	s20 =	sld [smem:$0x3FDB];
	_ =	sdelay $0x1  }
0x99: {  	s4 =	simm.s32 $_scs_section_size  }
0x9a: {  	s5 =	simm.s32 $_size__tile_overlayer_lowered;
	s6 =	simm.s32 $_tile_overlayer_lowered  }
0x9b: {  	s7 =	simm.s32 $0x1BFF;
	s21 =	sshll.u32 s6, $0x1;
	s4 =	sadd.s32 s4, s20  }
0x9c: {  	s22 =	simm.s32 $0x0;
	s5 =	sshll.u32 s5, $0x1;
	s6 =	sadd.s32 s21, s4  }
0x9d: {  	[timem:s22], [sflag:s7] =	dma.local [hbm:s6], s5  }
0x9e: {  	_ =	swait.ge [sflag:s7], s5  }
0x9f: {  	s5 =	ssub.s32 $0x0, s5;
	[sflag:s7] =	ssyncset.done $0x0  }
0xa0: {  	[sflag:s7] =	ssyncadd.s32 s5;
	_ =	sdelay $0x1  }
0xa1: {  	s23 =	simm.s32 $0x1B8B  }
0xa2: {  	_ =	swait.ge [sflag:s23], $0x1  }
0xa3: {  	[sflag:s23] =	ssyncset.done $0x0  }
0xa4: {  	[sflag:s23] =	ssyncadd.s32 $0xFFFFFFFF  }
0xa5: {  	s5 =	sld [smem:$0x0]  }
0xa6: {  	s6 =	sand.u32 $0xFFFFFFFE, s1  }
0xa7: {  	p0 =	sne.s32 s1, s6  }
0xa8: {  	s6 =	sshll.u32 @p0 s6, $0xE  }
0xa9: {  	s6 =	sadd.s32 @p0 $0x11B8D, s6;
	s7 =	sshll.u32 @p0 s5, $0x11  }
0xaa: {  	s6 =	sor.u32 @p0 s7, s6  }
0xab: {  	[sflag:s6] =	ssyncadd.remote.s32 @p0 $0x1;
	_ =	sdelay $0x1  }
0xac: {  	s6 =	simm.s32 @p0 $0x1B8D  }
0xad: {  	_ =	swait.eq @p0 [sflag:s6], $0x1  }
0xae: {  	[sflag:s6] =	ssyncadd.s32 @p0 $0xFFFFFFFF  }
0xaf: {  	s7 =	sshll.u32 @!p0 s1, $0xE  }
0xb0: {  	s7 =	sor.u32 @!p0 $0x4000, s7;
	s6 =	simm.s32 @!p0 $0x1B8D  }
0xb1: {  	s5 =	sshll.u32 @!p0 s5, $0x11;
	s7 =	sadd.s32 @!p0 $0x11B8D, s7;
	_ =	swait.eq @!p0 [sflag:s6], $0x1  }
0xb2: {  	s5 =	sor.u32 @!p0 s5, s7;
	[sflag:s6] =	ssyncadd.s32 @!p0 $0xFFFFFFFF  }
0xb3: {  	s25 =	simm.s32 $0x1B8E;
	s24 =	sld [smem:$0x3FFE];
	[sflag:s5] =	ssyncadd.remote.s32 @!p0 $0x1  }
0xb4: {  	s26 =	simm.s32 $execute0_lowered;
	[smem:$0x3FD2] =	sst s25  }
0xb5: {  	s6 =	sshll.u32 s26, $0x1;
	_ =	strace $0x80000049;
	[dreg:$0x1] =	wrdreg $0xFFFFFFFF  }
0xb6: {  	s28 =	simm.s32 $_size_execute0_lowered;
	s4 =	sadd.s32 s4, s6;
	[dreg:$0x0] =	wrdreg $0x0  }
0xb7: {  	s6 =	sshll.u32 s28, $0x1;
	[dreg:$0x2] =	wrdreg s4  }
0xb8: {  	[dreg:$0x3] =	wrdreg s6  }
0xb9: {  	[dreg:$0x4] =	wrdreg $0xC0  }
0xba: {  	_ =	task [dreg:s22], $0x5FFFF  }
0xbb: {  	[dreg:$0x1] =	wrdreg $0xFFFFFFFF  }
0xbc: {  	[dreg:$0x0] =	wrdreg $0x60  }
0xbd: {  	[dreg:$0x2] =	wrdreg s18  }
0xbe: {  	[dreg:$0x3] =	wrdreg s24  }
0xbf: {  	[dreg:$0x4] =	wrdreg $0xA8000  }
0xc0: {  	[dreg:$0x5] =	wrdreg $0xA  }
0xc1: {  	_ =	task.clear_ibuf [dreg:s22], $0x6FFFF;
	_ =	strace $0x90000049  }
0xc2: {  	s29 =	simm.s32 $0xA;
	_ =	strace $0x8000004B  }
0xc3: {  	_ =	swait.ge [sflag:s29], $0x1  }
0xc4: {  	[sflag:s29] =	ssyncadd.s32 $0xFFFFFFFF  }
0xc5: {  	_ =	strace $0x9000004B  }
0xc6: {  	_ =	sfence  }
0xc7: {  	s30 =	sld [smem:$0x0];
	_ =	sdelay $0x2  }
0xc8: {  	s31 =	sshll.u32 s1, $0xD;
	s1 =	sshrl.u32 s1, $0x2  }
0xc9: {  	s4 =	sand.u32 $0x4000, s31;
	s1 =	sadd.s32 s1, s30  }
0xca: {  	s0 =	sor.u32 s4, s0;
	s1 =	sshll.u32 s1, $0x11  }
0xcb: {  	s0 =	sor.u32 s1, s0  }
0xcc: {  	s0 =	sadd.s32 $0x8F2B, s0  }
0xcd: {  	[sflag:s0] =	ssyncadd.remote.s32 $0x1  }
0xce: {  	_ =	sfence.sel $0xFFFF  }
0xcf: {  	[dreg:$0x0] =	wrdreg $0xFFFFFFFF;
	(pc) =	sbr.abs _section_cstart, $3  }
0xd0: {  	[dreg:$0x1] =	wrdreg $0xFFFFFFFF  }
0xd1: {  	_ =	task.clear_ibuf [dreg:s22], $0x2FFFF;
	_ =	strace $0x9FFFFFFF  }
0xd2: {  	(tm) =	ssettm $0x7FFFFFFF  }
0xd3: {  	_ =	shalt  }
tec
execute0_lowered:
.L_overlay_start_1:
0x0: {  	(tag) =	ssettag $0x1  }
0x1: {  	s0 =	rddreg [dreg:$0x0]  }
0x2: {  	s1 =	rddreg [dreg:$0x1];
	s2 =	srdreg.scid  }
0x3: {  	s3 =	rddreg [dreg:$0x2];
	s18 =	stileid.u32;
	s4 =	simm.s32 $0x0  }
0x4: {  	s19 =	simm.s32 $0x1400;
	s20 =	simm.s32 $0x7D;
	s21 =	simm.s32 $0x2800  }
0x5: {  	s29 =	simm.s32 $0x4;
	s30 =	simm.s32 $0x0;
	s7 =	smul.u32 $0x1F400, s18  }
0x6: {  	s31 =	simm.s32 $0x0;
	s2 =	sand.u32 $0x1, s2;
	s8 =	smul.u32 $0x7D000, s18  }
0x7: {  	[smem:$0x7FF] =	sst s4;
	s9 =	sshrl.u32 s18, $0x2;
	s6 =	smul.u32 $0x138800, s2  }
0x8: {  	s5 =	sadd.s32 $0x3C00, s1;
	s25 =	sand.u32 $0x3, s18;
	s28 =	smul.u32 $0x9C4, s9  }
0x9: {  	p0 =	sgt.u32 s18, $0x9;
	s18 =	simm.s32 $0x5;
	s13 =	smul.u32 $0x280, s9  }
0xa: {  	_ =	strace $0x8000004A;
	s22 =	ssub.s32 $0x2, s2;
	s14 =	smul.u32 $0x50, s25  }
0xb: {  	s2 =	smul.u32 $0x2710, s2;
	s25 =	simm.s32 $0x2;
	s23 =	sshrl.u32 s22, $0x1  }
0xc: {  	s24 =	sshrl.u32 s8, $0x2;
	s6 =	sadd.s32 s7, s6;
	s7 =	ssub.s32 s22, s23  }
0xd: {  	s13 =	sadd.s32 s14, s13;
	s2 =	sadd.s32 s2, s28;
	s22 =	simm.s32 $0x80  }
0xe: {  	s23 =	simm.s32 $0x6800;
	v1 =	vmov s28;
	s28 =	simm.s32 $0x3;
	s6 =	sshrl.u32 s6, $0x3  }
0xf: {  	s15 =	sadd.s32 $0x140, s13;
	s1 =	sadd.s32 s6, s1;
	s6 =	sadd.s32 s24, s3  }
0x10: {  	s17 =	smax.u32 s7, $0x1;
	s24 =	simm.s32 $0x1;
	s26 =	sadd.s32 $0x3E80, s6  }
0x11: {  	s8 =	sadd.s32 $0x7D00, s6;
	s9 =	sadd.s32 $0xBB80, s6;
	s10 =	sadd.s32 $0xFA00, s6  }
0x12: {  	s11 =	sadd.s32 $0x13880, s6;
	s12 =	sadd.s32 $0x17700, s6;
	s14 =	sadd.s32 $0x1B580, s6  }
0x13: {  	v2 =	vimm.f32 $0.0e+00;
	vm0 =	vmmov $0x7;
	v0 =	vmov s2;
	s16 =	sadd.s32 $0xAA000, s1;
	[dreg:$0x4] =	wrdreg s26;
	s26 =	simm.s32 $0x1480  }
.LBB2_1:
0x14: {  	s1 =	simm.s32 $0x0;
	s2 =	simm.s32 $0x200  }
.LBB2_2:
0x15: {  	p1 =	sne.s32 s2, $0xF800;
	[tilespmem:s1+$0x2870] =	vst v2  }
0x16: {  	[tilespmem:s1+$0x2800] =	vst v2  }
0x17: {  	[tilespmem:s1+$0x2810] =	vst v2  }
.Ltmp0:
0x18: {  	[tilespmem:s1+$0x2820] =	vst v2;
	(pc) =	sbr.rel @p1 .LBB2_2-.Ltmp0, $4  }
0x19: {  	[tilespmem:s1+$0x2830] =	vst v2  }
0x1a: {  	[tilespmem:s1+$0x2840] =	vst v2  }
0x1b: {  	[tilespmem:s1+$0x2850] =	vst v2  }
0x1c: {  	[tilespmem:s1+$0x2860] =	vst v2;
	s1 =	sshra.s32 s2, $0x2;
	s2 =	sadd.s32 $0x200, s2  }
0x1d: {  	[tilespmem:s1+$0x2870] =	vst v2  }
0x1e: {  	[tilespmem:s1+$0x2800] =	vst v2  }
0x1f: {  	[tilespmem:s1+$0x2810] =	vst v2  }
0x20: {  	[tilespmem:s1+$0x2820] =	vst v2  }
0x21: {  	[tilespmem:s1+$0x2830] =	vst v2  }
0x22: {  	[tilespmem:s1+$0x2840] =	vst v2  }
0x23: {  	[tilespmem:s1+$0x2850] =	vst v2  }
0x24: {  	[tilespmem:s1+$0x2860] =	vst v2;
	s1 =	simm.s32 @!p0 $0x2800;
	s2 =	simm.s32 @!p0 $0x5  }
0x25: {  	[spmem:s6] =	stream.linear.scatter @!p0 [tilespmem:s1], [sflag:$0x5], $0x3E80, $0x38;
	[tilespmem:$0x1E080] =	vst v63  }
0x26: {  	_ =	swait.ge @!p0 [sflag:s2], $0x3E80  }
0x27: {  	[sflag:s2] =	ssyncset.done @!p0 $0x0  }
0x28: {  	s7 =	rddreg [dreg:$0x4];
	[sflag:s2] =	ssyncadd.s32 @!p0 $0xFFFFC180  }
0x29: {  	[spmem:s7] =	stream.linear.scatter @!p0 [tilespmem:s1], [sflag:$0x5], $0x3E80, $0x38;
	[tilespmem:$0x1E080] =	vst v63  }
0x2a: {  	_ =	swait.ge @!p0 [sflag:s2], $0x3E80  }
0x2b: {  	[sflag:s2] =	ssyncset.done @!p0 $0x0  }
0x2c: {  	[sflag:s2] =	ssyncadd.s32 @!p0 $0xFFFFC180  }
0x2d: {  	[spmem:s8] =	stream.linear.scatter @!p0 [tilespmem:s1], [sflag:$0x5], $0x3E80, $0x38;
	[tilespmem:$0x1E080] =	vst v63  }
0x2e: {  	_ =	swait.ge @!p0 [sflag:s2], $0x3E80  }
0x2f: {  	[sflag:s2] =	ssyncset.done @!p0 $0x0  }
0x30: {  	[sflag:s2] =	ssyncadd.s32 @!p0 $0xFFFFC180  }
0x31: {  	[spmem:s9] =	stream.linear.scatter @!p0 [tilespmem:s1], [sflag:$0x5], $0x3E80, $0x38;
	[tilespmem:$0x1E080] =	vst v63  }
0x32: {  	_ =	swait.ge @!p0 [sflag:s2], $0x3E80  }
0x33: {  	[sflag:s2] =	ssyncset.done @!p0 $0x0  }
0x34: {  	[sflag:s2] =	ssyncadd.s32 @!p0 $0xFFFFC180  }
0x35: {  	[spmem:s10] =	stream.linear.scatter @!p0 [tilespmem:s1], [sflag:$0x5], $0x3E80, $0x38;
	[tilespmem:$0x1E080] =	vst v63  }
0x36: {  	_ =	swait.ge @!p0 [sflag:s2], $0x3E80  }
0x37: {  	[sflag:s2] =	ssyncset.done @!p0 $0x0  }
0x38: {  	[sflag:s2] =	ssyncadd.s32 @!p0 $0xFFFFC180  }
0x39: {  	[spmem:s11] =	stream.linear.scatter @!p0 [tilespmem:s1], [sflag:$0x5], $0x3E80, $0x38;
	[tilespmem:$0x1E080] =	vst v63  }
0x3a: {  	_ =	swait.ge @!p0 [sflag:s2], $0x3E80  }
0x3b: {  	[sflag:s2] =	ssyncset.done @!p0 $0x0  }
0x3c: {  	[sflag:s2] =	ssyncadd.s32 @!p0 $0xFFFFC180  }
0x3d: {  	[spmem:s12] =	stream.linear.scatter @!p0 [tilespmem:s1], [sflag:$0x5], $0x3E80, $0x38;
	[tilespmem:$0x1E080] =	vst v63  }
0x3e: {  	_ =	swait.ge @!p0 [sflag:s2], $0x3E80  }
0x3f: {  	[sflag:s2] =	ssyncset.done @!p0 $0x0  }
0x40: {  	[sflag:s2] =	ssyncadd.s32 @!p0 $0xFFFFC180  }
0x41: {  	[spmem:s14] =	stream.linear.scatter @!p0 [tilespmem:s1], [sflag:$0x5], $0x3E80, $0x38;
	[tilespmem:$0x1E080] =	vst v63  }
0x42: {  	_ =	swait.ge @!p0 [sflag:s2], $0x3E80  }
0x43: {  	[sflag:s2] =	ssyncset.done @!p0 $0x0  }
0x44: {  	[sflag:s2] =	ssyncadd.s32 @!p0 $0xFFFFC180  }
0x45: {  	p2 =	por $0x1, $0x1;
	s1 =	simm.s32 $0x0;
	[bflag:$0x0] =	sbarrier.arrive $0xFFFF  }
.LBB2_4:
0x46: {  	s2 =	sadd.s32 s1, s13  }
0x47: {  	s2 =	sshll.u32 s2, $0x4  }
0x48: {  	s2 =	sadd.s32 s5, s2  }
0x49: {  	[tilespmem:s31], [sflag:$0x5] =	stream.linear.gather [hbm4b:s2+s31], $0x1400, $0x38;
	[tilespmem:$0x1E080] =	vst v63  }
0x4a: {  	s7 =	sadd.s32 s1, s15;
	_ =	swait.ge [sflag:s18], $0x1400  }
0x4b: {  	s1 =	sshll.u32 s7, $0x4;
	[sflag:s18] =	ssyncset.done $0x0  }
0x4c: {  	s1 =	sadd.s32 s5, s1;
	[sflag:s18] =	ssyncadd.s32 $0xFFFFEC00  }
0x4d: {  	[tilespmem:s19], [sflag:$0x5] =	stream.linear.gather [hbm4b:s1+s31], $0x1400, $0x38;
	[tilespmem:$0x1E080] =	vst v63  }
0x4e: {  	_ =	swait.ge [sflag:s18], $0x1400  }
0x4f: {  	[sflag:s18] =	ssyncset.done $0x0  }
0x50: {  	s1 =	simm.s32 $0x0;
	[sflag:s18] =	ssyncadd.s32 $0xFFFFEC00  }
0x51: {  	v3 =	vld [tilespmem:s1+$0x60]  }
0x52: {  	v4 =	vld [tilespmem:s1+$0x0]  }
0x53: {  	v5 =	vld [tilespmem:s1+$0x10]  }
0x54: {  	v6 =	vld [tilespmem:s1+$0x20]  }
0x55: {  	v7 =	vld [tilespmem:s1+$0x30]  }
0x56: {  	v8 =	vld [tilespmem:s1+$0x40];
	v3 =	vadd.s32 v0, v3  }
0x57: {  	v9 =	vld [tilespmem:s1+$0x50];
	[tilespmem:s1+$0x60] =	vst v3  }
0x58: {  	v4 =	vadd.s32 v0, v4;
	v3 =	vld [tilespmem:s1+$0x6D]  }
0x59: {  	[tilespmem:s1+$0x0] =	vst v4;
	v4 =	vadd.s32 v0, v5  }
0x5a: {  	[tilespmem:s1+$0x10] =	vst v4;
	v4 =	vadd.s32 v0, v6  }
0x5b: {  	[tilespmem:s1+$0x20] =	vst v4;
	v4 =	vadd.s32 v0, v7  }
0x5c: {  	[tilespmem:s1+$0x30] =	vst v4;
	v4 =	vadd.s32 v0, v8  }
0x5d: {  	[tilespmem:s1+$0x40] =	vst v4;
	v4 =	vadd.s32 v0, v9;
	v5 =	vadd.s32 v0, v3  }
0x5e: {  	p1 =	por p2, p2;
	s7 =	simm.s32 $0x400;
	s2 =	simm.s32 $0x200;
	[tilespmem:s1+$0x50] =	vst v4;
	v3 =	vsel vm0, v3, v5  }
.LBB2_5:
0x5f: {  	p2 =	sne.s32 s7, $0x4E00  }
0x60: {  	[tilespmem:s1+$0x6D] =	vst v3;
	s1 =	sshra.s32 s2, $0x2;
	s2 =	smov.u32 s7;
	s7 =	sadd.s32 $0x200, s7  }
0x61: {  	v3 =	vld [tilespmem:s1+$0x60]  }
0x62: {  	v4 =	vld [tilespmem:s1+$0x0]  }
0x63: {  	v5 =	vld [tilespmem:s1+$0x10]  }
0x64: {  	v6 =	vld [tilespmem:s1+$0x20]  }
0x65: {  	v7 =	vld [tilespmem:s1+$0x30]  }
0x66: {  	v8 =	vld [tilespmem:s1+$0x40];
	v3 =	vadd.s32 v0, v3  }
0x67: {  	v4 =	vadd.s32 v0, v4;
	v9 =	vld [tilespmem:s1+$0x50];
	[tilespmem:s1+$0x60] =	vst v3  }
0x68: {  	[tilespmem:s1+$0x0] =	vst v4;
	v3 =	vadd.s32 v0, v5;
	v4 =	vld [tilespmem:s1+$0x6D]  }
0x69: {  	[tilespmem:s1+$0x10] =	vst v3;
	v3 =	vadd.s32 v0, v6  }
.Ltmp1:
0x6a: {  	[tilespmem:s1+$0x20] =	vst v3;
	v3 =	vadd.s32 v0, v7;
	(pc) =	sbr.rel @p2 .LBB2_5-.Ltmp1, $4  }
0x6b: {  	[tilespmem:s1+$0x30] =	vst v3;
	v3 =	vadd.s32 v0, v8  }
0x6c: {  	[tilespmem:s1+$0x40] =	vst v3;
	v3 =	vadd.s32 v0, v9  }
0x6d: {  	[tilespmem:s1+$0x50] =	vst v3;
	v3 =	vadd.s32 v0, v4  }
0x6e: {  	v3 =	vsel vm0, v4, v3  }
0x6f: {  	s2 =	sshra.s32 s2, $0x2;
	[tilespmem:s1+$0x6D] =	vst v3  }
0x70: {  	v3 =	vld [tilespmem:s2+$0x60]  }
0x71: {  	v4 =	vld [tilespmem:s2+$0x0]  }
0x72: {  	v5 =	vld [tilespmem:s2+$0x10]  }
0x73: {  	v6 =	vld [tilespmem:s2+$0x20]  }
0x74: {  	v7 =	vld [tilespmem:s2+$0x30]  }
0x75: {  	v8 =	vld [tilespmem:s2+$0x40];
	v3 =	vadd.s32 v0, v3  }
0x76: {  	v9 =	vld [tilespmem:s2+$0x50];
	[tilespmem:s2+$0x60] =	vst v3  }
0x77: {  	v3 =	vadd.s32 v0, v4;
	v4 =	vld [tilespmem:s2+$0x6D]  }
0x78: {  	[tilespmem:s2+$0x0] =	vst v3;
	v3 =	vadd.s32 v0, v5  }
0x79: {  	[tilespmem:s2+$0x10] =	vst v3;
	v3 =	vadd.s32 v0, v6  }
0x7a: {  	[tilespmem:s2+$0x20] =	vst v3;
	v3 =	vadd.s32 v0, v7  }
0x7b: {  	[tilespmem:s2+$0x30] =	vst v3;
	v3 =	vadd.s32 v0, v8  }
0x7c: {  	[tilespmem:s2+$0x40] =	vst v3;
	v3 =	vadd.s32 v0, v9;
	v5 =	vadd.s32 v0, v4  }
0x7d: {  	[tilespmem:s2+$0x50] =	vst v3;
	v3 =	vsel vm0, v4, v5  }
0x7e: {  	s1 =	simm.s32 $0x0;
	[tilespmem:s2+$0x6D] =	vst v3  }
0x7f: {  	v3 =	vld [tilespmem:s1+$0x1460]  }
0x80: {  	v4 =	vld [tilespmem:s1+$0x1400]  }
0x81: {  	v5 =	vld [tilespmem:s1+$0x1410]  }
0x82: {  	v60 =	vld [tilespmem:s1+$0x1420]  }
0x83: {  	v61 =	vld [tilespmem:s1+$0x1430]  }
0x84: {  	v62 =	vld [tilespmem:s1+$0x1440];
	v3 =	vadd.s32 v1, v3  }
0x85: {  	v63 =	vld [tilespmem:s1+$0x1450];
	[tilespmem:s1+$0x1460] =	vst v3  }
0x86: {  	v4 =	vadd.s32 v1, v4;
	v3 =	vld [tilespmem:s1+$0x146D]  }
0x87: {  	[tilespmem:s1+$0x1400] =	vst v4;
	v4 =	vadd.s32 v1, v5  }
0x88: {  	[tilespmem:s1+$0x1410] =	vst v4;
	v4 =	vadd.s32 v1, v60  }
0x89: {  	[tilespmem:s1+$0x1420] =	vst v4;
	v4 =	vadd.s32 v1, v61  }
0x8a: {  	[tilespmem:s1+$0x1430] =	vst v4;
	v4 =	vadd.s32 v1, v62  }
0x8b: {  	[tilespmem:s1+$0x1440] =	vst v4;
	v4 =	vadd.s32 v1, v63;
	v5 =	vadd.s32 v1, v3  }
0x8c: {  	s7 =	simm.s32 $0x400;
	s2 =	simm.s32 $0x200;
	[tilespmem:s1+$0x1450] =	vst v4;
	v3 =	vsel vm0, v3, v5  }
.LBB2_7:
0x8d: {  	p2 =	sne.s32 s7, $0x4E00  }
0x8e: {  	[tilespmem:s1+$0x146D] =	vst v3;
	s1 =	sshra.s32 s2, $0x2;
	s2 =	smov.u32 s7;
	s7 =	sadd.s32 $0x200, s7  }
0x8f: {  	v3 =	vld [tilespmem:s1+$0x1460]  }
0x90: {  	v4 =	vld [tilespmem:s1+$0x1400]  }
0x91: {  	v5 =	vld [tilespmem:s1+$0x1410]  }
0x92: {  	v6 =	vld [tilespmem:s1+$0x1420]  }
0x93: {  	v7 =	vld [tilespmem:s1+$0x1430]  }
0x94: {  	v8 =	vld [tilespmem:s1+$0x1440];
	v3 =	vadd.s32 v1, v3  }
0x95: {  	v4 =	vadd.s32 v1, v4;
	v9 =	vld [tilespmem:s1+$0x1450];
	[tilespmem:s1+$0x1460] =	vst v3  }
0x96: {  	[tilespmem:s1+$0x1400] =	vst v4;
	v3 =	vadd.s32 v1, v5;
	v4 =	vld [tilespmem:s1+$0x146D]  }
0x97: {  	[tilespmem:s1+$0x1410] =	vst v3;
	v3 =	vadd.s32 v1, v6  }
.Ltmp2:
0x98: {  	[tilespmem:s1+$0x1420] =	vst v3;
	v3 =	vadd.s32 v1, v7;
	(pc) =	sbr.rel @p2 .LBB2_7-.Ltmp2, $4  }
0x99: {  	[tilespmem:s1+$0x1430] =	vst v3;
	v3 =	vadd.s32 v1, v8  }
0x9a: {  	[tilespmem:s1+$0x1440] =	vst v3;
	v3 =	vadd.s32 v1, v9  }
0x9b: {  	[tilespmem:s1+$0x1450] =	vst v3;
	v3 =	vadd.s32 v1, v4  }
0x9c: {  	v3 =	vsel vm0, v4, v3  }
0x9d: {  	s2 =	sshra.s32 s2, $0x2;
	[tilespmem:s1+$0x146D] =	vst v3  }
0x9e: {  	v3 =	vld [tilespmem:s2+$0x1460]  }
0x9f: {  	v4 =	vld [tilespmem:s2+$0x1400]  }
0xa0: {  	v5 =	vld [tilespmem:s2+$0x1410]  }
0xa1: {  	v6 =	vld [tilespmem:s2+$0x1420]  }
0xa2: {  	v7 =	vld [tilespmem:s2+$0x1430]  }
0xa3: {  	v8 =	vld [tilespmem:s2+$0x1440];
	v3 =	vadd.s32 v1, v3  }
0xa4: {  	v9 =	vld [tilespmem:s2+$0x1450];
	[tilespmem:s2+$0x1460] =	vst v3  }
0xa5: {  	v3 =	vadd.s32 v1, v4;
	v62 =	vld [tilespmem:s2+$0x146D]  }
0xa6: {  	[tilespmem:s2+$0x1400] =	vst v3;
	v3 =	vadd.s32 v1, v5  }
0xa7: {  	[tilespmem:s2+$0x1410] =	vst v3;
	v3 =	vadd.s32 v1, v6  }
0xa8: {  	[tilespmem:s2+$0x1420] =	vst v3;
	v3 =	vadd.s32 v1, v7  }
0xa9: {  	[tilespmem:s2+$0x1430] =	vst v3;
	v3 =	vadd.s32 v1, v8  }
0xaa: {  	[tilespmem:s2+$0x1440] =	vst v3;
	v3 =	vadd.s32 v1, v9;
	v63 =	vadd.s32 v1, v62  }
0xab: {  	[tilespmem:s2+$0x1450] =	vst v3;
	v3 =	vsel vm0, v62, v63  }
0xac: {  	[tilespmem:s2+$0x146D] =	vst v3  }
0xad: {  	[tilespmem:s21], [sflag:$0x1] =	stream.indirect.gather [hbm4b:s0+s20], $0x80, s4, s20, $0xb8;
	[tilespmem:$0x1E080] =	vst v63  }
0xae: {  	_ = 	snop  }
0xaf: {  	[tilespmem:s23], [sflag:$0x2] =	stream.indirect.gather [hbm4b:s0+s20], $0x80, s22, s20, $0xb8;
	[tilespmem:$0x1E080] =	vst v63  }
0xb0: {  	_ =	swait.ge [sflag:s24], $0x3E80  }
0xb1: {  	[sflag:s24] =	ssyncset.done $0x0  }
0xb2: {  	[sflag:s24] =	ssyncadd.s32 $0xFFFFC180  }
0xb3: {  	[spmem:s3] =	stream.indirect.scatter.add.f32 [tilespmem:s21], [sflag:$0x3], $0x80, s19, s20, $0xb8;
	[tilespmem:$0x1E080] =	vst v63  }
0xb4: {  	_ =	swait.ge [sflag:s25], $0x3E80  }
0xb5: {  	[sflag:s25] =	ssyncset.done $0x0  }
0xb6: {  	[sflag:s25] =	ssyncadd.s32 $0xFFFFC180  }
0xb7: {  	[spmem:s3] =	stream.indirect.scatter.add.f32 [tilespmem:s23], [sflag:$0x4], $0x80, s26, s20, $0xb8;
	[tilespmem:$0x1E080] =	vst v63  }
0xb8: {  	_ =	swait.ge [sflag:s28], $0x3E80  }
0xb9: {  	[sflag:s28] =	ssyncset.done $0x0  }
0xba: {  	s7 =	simm.s32 $0x100;
	[sflag:s28] =	ssyncadd.s32 $0xFFFFC180  }
0xbb: {  	[tilespmem:s21], [sflag:$0x1] =	stream.indirect.gather [hbm4b:s0+s20], $0x80, s7, s20, $0xb8;
	[tilespmem:$0x1E080] =	vst v63  }
0xbc: {  	_ =	swait.ge [sflag:s29], $0x3E80  }
0xbd: {  	[sflag:s29] =	ssyncset.done $0x0  }
0xbe: {  	s2 =	simm.s32 $0x180;
	[sflag:s29] =	ssyncadd.s32 $0xFFFFC180  }
0xbf: {  	[tilespmem:s23], [sflag:$0x2] =	stream.indirect.gather [hbm4b:s0+s20], $0x80, s2, s20, $0xb8;
	[tilespmem:$0x1E080] =	vst v63  }
0xc0: {  	_ =	swait.ge [sflag:s24], $0x3E80  }
0xc1: {  	[sflag:s24] =	ssyncset.done $0x0  }
0xc2: {  	s7 =	simm.s32 $0x1500;
	[sflag:s24] =	ssyncadd.s32 $0xFFFFC180  }
0xc3: {  	[spmem:s3] =	stream.indirect.scatter.add.f32 [tilespmem:s21], [sflag:$0x3], $0x80, s7, s20, $0xb8;
	[tilespmem:$0x1E080] =	vst v63  }
0xc4: {  	_ =	swait.ge [sflag:s25], $0x3E80  }
0xc5: {  	[sflag:s25] =	ssyncset.done $0x0  }
0xc6: {  	s1 =	simm.s32 $0xFFFFB800;
	s2 =	simm.s32 $0x1580;
	[sflag:s25] =	ssyncadd.s32 $0xFFFFC180  }
.LBB2_9:
0xc7: {  	[spmem:s3] =	stream.indirect.scatter.add.f32 [tilespmem:s23], [sflag:$0x4], $0x80, s2, s20, $0xb8;
	[tilespmem:$0x1E080] =	vst v63  }
0xc8: {  	s2 =	smov.u32 s1  }
0xc9: {  	p2 =	sne.s32 s1, $0xFFFFFC00;
	s1 =	sadd.s32 $0x400, s1;
	_ =	swait.ge [sflag:s28], $0x3E80  }
0xca: {  	s2 =	sshra.s32 s2, $0x2;
	[sflag:s28] =	ssyncset.done $0x0  }
0xcb: {  	s7 =	sadd.s32 $0x1400, s2;
	[sflag:s28] =	ssyncadd.s32 $0xFFFFC180  }
0xcc: {  	[tilespmem:s21], [sflag:$0x1] =	stream.indirect.gather [hbm4b:s0+s20], $0x80, s7, s20, $0xb8;
	[tilespmem:$0x1E080] =	vst v63  }
0xcd: {  	_ =	swait.ge [sflag:s29], $0x3E80  }
0xce: {  	[sflag:s29] =	ssyncset.done $0x0  }
0xcf: {  	s7 =	sadd.s32 $0x1480, s2;
	[sflag:s29] =	ssyncadd.s32 $0xFFFFC180  }
0xd0: {  	[tilespmem:s23], [sflag:$0x2] =	stream.indirect.gather [hbm4b:s0+s20], $0x80, s7, s20, $0xb8;
	[tilespmem:$0x1E080] =	vst v63  }
0xd1: {  	_ =	swait.ge [sflag:s24], $0x3E80  }
0xd2: {  	[sflag:s24] =	ssyncset.done $0x0  }
.Ltmp3:
0xd3: {  	s7 =	sadd.s32 $0x2800, s2;
	[sflag:s24] =	ssyncadd.s32 $0xFFFFC180;
	(pc) =	sbr.rel @p2 .LBB2_9-.Ltmp3, $4  }
0xd4: {  	[spmem:s3] =	stream.indirect.scatter.add.f32 [tilespmem:s21], [sflag:$0x3], $0x80, s7, s20, $0xb8;
	[tilespmem:$0x1E080] =	vst v63  }
0xd5: {  	_ =	swait.ge [sflag:s25], $0x3E80  }
0xd6: {  	[sflag:s25] =	ssyncset.done $0x0  }
0xd7: {  	s2 =	sadd.s32 $0x2880, s2;
	[sflag:s25] =	ssyncadd.s32 $0xFFFFC180  }
0xd8: {  	[spmem:s3] =	stream.indirect.scatter.add.f32 [tilespmem:s23], [sflag:$0x4], $0x80, s2, s20, $0xb8;
	[tilespmem:$0x1E080] =	vst v63  }
0xd9: {  	_ =	swait.ge [sflag:s28], $0x3E80  }
.Ltmp4:
0xda: {  	[sflag:s28] =	ssyncset.done $0x0;
	(pc) =	sbr.rel @p1 .LBB2_4-.Ltmp4, $4  }
0xdb: {  	[sflag:s28] =	ssyncadd.s32 $0xFFFFC180  }
0xdc: {  	_ =	swait.ge [sflag:s29], $0x3E80  }
0xdd: {  	[sflag:s29] =	ssyncset.done $0x0  }
0xde: {  	s1 =	simm.s32 $0x28;
	p2 =	por $0x0, $0x0;
	[sflag:s29] =	ssyncadd.s32 $0xFFFFC180  }
0xdf: {  	s1 =	stileid.u32  }
0xe0: {  	[bflag:$0x0] =	sbarrier.arrive $0xFFFF;
	s30 =	sadd.s32 $0x1, s30;
	s1 =	sshll.u32 @!p0 s1, $0x6  }
0xe1: {  	s2 =	sshrl.u32 @!p0 s6, $0x3;
	p1 =	sne.s32 s30, s17;
	s1 =	sor.u32 @!p0 $0x1C05, s1  }
0xe2: {  	[hbm:s16], [sflag:s1] =	dma.local @!p0 [spmem:s2], $0x3E80  }
.Ltmp5:
0xe3: {  	_ = 	snop;
	(pc) =	sbr.rel @p1 .LBB2_1-.Ltmp5, $4  }
0xe4: {  	s1 =	simm.s32 @!p0 $0x5  }
0xe5: {  	_ =	swait.ge @!p0 [sflag:s1], $0x3E80  }
0xe6: {  	[sflag:s1] =	ssyncset.done @!p0 $0x0  }
0xe7: {  	[sflag:s1] =	ssyncadd.s32 @!p0 $0xFFFFC180  }
0xe8: {  	_ =	sfence.sel $0x180000  }
0xe9: {  	[bflag:$0x0] =	sbarrier.arrive $0xFFFF  }
0xea: {  	_ =	strace $0x9000004A  }
0xeb: {  	s0 =	stileid.u32;
	[bflag:$0x2] =	sbarrier.arrive $0xFFFF  }
0xec: {  	p0 =	sne.s32 s0, $0x0;
	s0 =	rddreg [dreg:$0x3]  }
0xed: {  	s0 =	sadd.s32 @!p0 $0x100000, s0  }
0xee: {  	[sflag:s0] =	ssyncadd.tile.s32 @!p0 $0x1;
	_ =	shalt  }
.Lfunc_end2:
_tile_overlayer_lowered:
.L_overlay_start_2:
0xef: {  	(tag) =	ssettag $0x2  }
0xf0: {  	s0 =	rddreg [dreg:$0x0];
	s2 =	stileid.u32  }
0xf1: {  	s1 =	rddreg [dreg:$0x1];
	p0 =	sne.s32 s2, $0x0  }
0xf2: {  	s3 =	rddreg [dreg:$0x2];
	[bflag:$0x3] =	sbarrier.arrive $0xFFFF;
	s2 =	simm.s32 @!p0 $0x1C05  }
0xf3: {  	[timem:s3], [sflag:s2] =	dma.local @!p0 [hbm:s0], s1  }
0xf4: {  	s0 =	simm.s32 @!p0 $0x5  }
0xf5: {  	_ =	swait.ge @!p0 [sflag:s0], s1  }
0xf6: {  	s1 =	ssub.s32 @!p0 $0x0, s1;
	[sflag:s0] =	ssyncset.done @!p0 $0x0  }
0xf7: {  	[sflag:s0] =	ssyncadd.s32 @!p0 s1  }
0xf8: {  	[bflag:$0x3] =	sbarrier.arrive $0xFFFF  }
0xf9: {  	_ =	shalt  }

// kernel: kernel.15.cloned.1.call-start
scs
__scs_entry_jumppad:
0x0: {  	(pc) =	sbr.rel $0x88, $3  }
0x1: {  	(tag) =	ssettag $0x0;
	lr =	simm.s32 $0x1  }
0x2: {  	[smem:$0x3F93] =	sst lr;
	_ =	strace $0xD0000000  }
0x3: {  	_ = 	snop  }
0x4: {  	_ = 	snop  }
0x5: {  	_ = 	snop  }
0x6: {  	_ = 	snop  }
0x7: {  	_ = 	snop  }
__scs_overlays_trampoline_lowered:
0x8: {  	[smem:$0x3FA2] =	sst s0  }
0x9: {  	[smem:$0x3FA3] =	sst s1  }
0xa: {  	[smem:$0x3FA4] =	sst s2  }
0xb: {  	[smem:$0x3FA5] =	sst s3  }
0xc: {  	[smem:$0x3FA6] =	sst s4  }
0xd: {  	[smem:$0x3FA7] =	sst s5  }
0xe: {  	[smem:$0x3FA8] =	sst s6  }
0xf: {  	[smem:$0x3FA9] =	sst s7  }
0x10: {  	[smem:$0x3FAA] =	sst s8  }
0x11: {  	[smem:$0x3FAB] =	sst s9;
	s0 =	simm.s32 @!p0 $0x0  }
0x12: {  	s1 =	sld [smem:$0x3F91];
	s0 =	simm.s32 @p0 $0x1  }
0x13: {  	[smem:$0x3FAC] =	sst s0;
	s0 =	simm.s32 @!p1 $0x0  }
0x14: {  	s2 =	sld [smem:$0x3F90];
	s0 =	simm.s32 @p1 $0x1  }
0x15: {  	[smem:$0x3FAD] =	sst s0;
	s0 =	simm.s32 @!p2 $0x0  }
0x16: {  	s3 =	sld [smem:$0x3FDB];
	s0 =	simm.s32 @p2 $0x1  }
0x17: {  	s4 =	simm.s32 $0x1BF5;
	[smem:$0x3FAF] =	sst s0  }
0x18: {  	s0 =	sld [smem:$0x3F92];
	_ =	swait.ge [sflag:s4], $0x0  }
0x19: {  	s7 =	sld [smem:$0x3F93]  }
0x1a: {  	s8 =	sadd.s32 $0xFFFFE003, lr  }
0x1b: {  	s9 =	sadd.s32 $0xFFFFFEF7, lr;
	s5 =	simm.s32 $0xFFFFFFFF;
	p2 =	slt.u32 s8, $0xFFFFF086  }
0x1c: {  	p1 =	slt.u32 s9, $0xF7A;
	s5 =	simm.s32 @!p2 $0x0  }
0x1d: {  	s5 =	simm.s32 @p1 $0x1;
	p0 =	seq.s32 s7, s2  }
0x1e: {  	s7 =	smul.u32 @!p0 $0xF7A, s2;
	p2 =	seq.s32 @!p0 s5, $0x0  }
0x1f: {  	s9 =	smul.u32 $0xF7A, s1;
	s8 =	simm.s32 @!p0 $0x1BF5;
	p2 =	por !p2, p0  }
0x20: {  	[sflag:s8] =	ssyncset.s32 @!p0 $0xFFFFF086;
	s6 =	sadd.s32 @!p0 s3, s7;
	s7 =	simm.s32 @!p0 $0x108  }
0x21: {  	s3 =	sadd.s32 s3, s9;
	s6 =	sadd.s32 @!p0 $0x88, s6;
	s7 =	simm.s32 @p2 $0x1082  }
0x22: {  	[simem:s7], [sflag:s8] =	dma.local @!p0 [hbm:s6], $0xF7A  }
0x23: {  	s9 =	sor.u32 $0xD0000000, s2;
	s6 =	simm.s32 $0x108;
	_ =	swait.ge @!p0 [sflag:s8], $0x0  }
0x24: {  	s3 =	sadd.s32 $0x88, s3;
	s6 =	simm.s32 @!p1 $0x1082;
	[sflag:s4] =	ssyncset.s32 $0xFFFFF086  }
0x25: {  	[simem:s6], [sflag:s4] =	dma.local [hbm:s3], $0xF7A  }
0x26: {  	[smem:$0x3F93] =	sst s1;
	(tag) =	ssettag s2;
	_ =	strace s9  }
0x27: {  	s1 =	sld [smem:$0x3FA3]  }
0x28: {  	s2 =	sld [smem:$0x3FA4]  }
0x29: {  	s4 =	sld [smem:$0x3FA6]  }
0x2a: {  	p0 =	seq.s32 s5, $0x0;
	s5 =	sld [smem:$0x3FA7]  }
0x2b: {  	s6 =	sld [smem:$0x3FA8]  }
0x2c: {  	s7 =	sld [smem:$0x3FA9]  }
0x2d: {  	s3 =	simm.s32 $0x108;
	s8 =	sld [smem:$0x3FAA]  }
0x2e: {  	s3 =	simm.s32 @!p0 $0x1082;
	s9 =	sld [smem:$0x3FAB]  }
0x2f: {  	lr =	sadd.s32 s0, s3;
	s0 =	sld [smem:$0x3FA2]  }
0x30: {  	s3 =	sld [smem:$0x3FA5]  }
0x31: {  	[smem:$0x3FAE] =	sst s10  }
0x32: {  	s10 =	sld [smem:$0x3FAC];
	_ =	sdelay $0x3  }
0x33: {  	p0 =	seq.s32 s10, $0x1;
	s10 =	sld [smem:$0x3FAE];
	_ =	sdelay $0x3  }
0x34: {  	[smem:$0x3FAE] =	sst s10  }
0x35: {  	s10 =	sld [smem:$0x3FAD];
	_ =	sdelay $0x3  }
0x36: {  	p1 =	seq.s32 s10, $0x1;
	s10 =	sld [smem:$0x3FAE];
	_ =	sdelay $0x3  }
0x37: {  	[smem:$0x3FAE] =	sst s10  }
0x38: {  	s10 =	sld [smem:$0x3FAF]  }
0x39: {  	_ = 	snop;
	(pc) =	sbr.ind lr, $3  }
0x3a: {  	_ = 	snop  }
0x3b: {  	_ = 	snop  }
0x3c: {  	p2 =	seq.s32 s10, $0x1;
	s10 =	sld [smem:$0x3FAE]  }
0x3d: {  	_ =	shalt  }
0x3e: {  	_ =	shalt  }
0x3f: {  	_ =	shalt  }
0x40: {  	_ =	shalt  }
0x41: {  	_ =	shalt  }
0x42: {  	_ =	shalt  }
0x43: {  	_ =	shalt  }
0x44: {  	_ =	shalt  }
0x45: {  	_ =	shalt  }
0x46: {  	_ =	shalt  }
0x47: {  	_ =	shalt  }
0x48: {  	_ =	shalt  }
0x49: {  	_ =	shalt  }
0x4a: {  	_ =	shalt  }
0x4b: {  	_ =	shalt  }
0x4c: {  	_ =	shalt  }
0x4d: {  	_ =	shalt  }
0x4e: {  	_ =	shalt  }
0x4f: {  	_ =	shalt  }
0x50: {  	_ =	shalt  }
0x51: {  	_ =	shalt  }
0x52: {  	_ =	shalt  }
0x53: {  	_ =	shalt  }
0x54: {  	_ =	shalt  }
0x55: {  	_ =	shalt  }
0x56: {  	_ =	shalt  }
0x57: {  	_ =	shalt  }
0x58: {  	_ =	shalt  }
0x59: {  	_ =	shalt  }
0x5a: {  	_ =	shalt  }
0x5b: {  	_ =	shalt  }
0x5c: {  	_ =	shalt  }
0x5d: {  	_ =	shalt  }
0x5e: {  	_ =	shalt  }
0x5f: {  	_ =	shalt  }
0x60: {  	_ =	shalt  }
0x61: {  	_ =	shalt  }
0x62: {  	_ =	shalt  }
0x63: {  	_ =	shalt  }
0x64: {  	_ =	shalt  }
0x65: {  	_ =	shalt  }
0x66: {  	_ =	shalt  }
0x67: {  	_ =	shalt  }
0x68: {  	_ =	shalt  }
0x69: {  	_ =	shalt  }
0x6a: {  	_ =	shalt  }
0x6b: {  	_ =	shalt  }
0x6c: {  	_ =	shalt  }
0x6d: {  	_ =	shalt  }
0x6e: {  	_ =	shalt  }
0x6f: {  	_ =	shalt  }
0x70: {  	_ =	shalt  }
0x71: {  	_ =	shalt  }
0x72: {  	_ =	shalt  }
0x73: {  	_ =	shalt  }
0x74: {  	_ =	shalt  }
0x75: {  	_ =	shalt  }
0x76: {  	_ =	shalt  }
0x77: {  	_ =	shalt  }
0x78: {  	_ =	shalt  }
0x79: {  	_ =	shalt  }
0x7a: {  	_ =	shalt  }
0x7b: {  	_ =	shalt  }
0x7c: {  	_ =	shalt  }
0x7d: {  	_ =	shalt  }
0x7e: {  	_ =	shalt  }
0x7f: {  	_ =	shalt  }
0x80: {  	_ =	shalt  }
0x81: {  	_ =	shalt  }
0x82: {  	_ =	shalt  }
0x83: {  	_ =	shalt  }
0x84: {  	_ =	shalt  }
0x85: {  	_ =	shalt  }
0x86: {  	_ =	shalt  }
0x87: {  	_ =	shalt  }
.Lfunc_end0:
.L_simem_size_0:
called_computation.2_lowered:
.L_overlay_start_0:
0x88: {  	s2 =	sld [smem:$0x3FD9]  }
0x89: {  	s3 =	sld [smem:$0x3FFE];
	_ =	sdelay $0x1  }
0x8a: {  	s1 =	srdreg.scid  }
0x8b: {  	s0 =	sand.u32 $0x1, s1  }
0x8c: {  	s17 =	sshll.u32 s0, $0xA;
	s2 =	sadd.s32 s3, s2  }
0x8d: {  	s2 =	sadd.s32 s2, s17  }
0x8e: {  	[smem:$0x3FBA] =	sst s2  }
0x8f: {  	_ = 	snop  }
0x90: {  	s2 =	sld [smem:$0x3FD0];
	(tm) =	ssettm $0x1  }
0x91: {  	s18 =	sld [smem:$0x3FFB];
	_ =	sdelay $0x3  }
0x92: {  	_ =	strace s18  }
0x93: {  	s3 =	sld [smem:$0x3FFC];
	_ =	sdelay $0x3  }
0x94: {  	_ =	strace s3  }
0x95: {  	s3 =	sld [smem:$0x3FFD];
	_ =	sdelay $0x3  }
0x96: {  	_ =	strace s3  }
0x97: {  	_ =	strace $0x8FFFFFFF  }
0x98: {  	s19 =	sld [smem:$0x3FDB];
	_ =	sdelay $0x1  }
0x99: {  	s4 =	simm.s32 $_scs_section_size  }
0x9a: {  	s5 =	simm.s32 $_size__tile_overlayer_lowered;
	s6 =	simm.s32 $_tile_overlayer_lowered  }
0x9b: {  	s22 =	simm.s32 $0x1BFF;
	s21 =	sshll.u32 s6, $0x1;
	s3 =	sadd.s32 s4, s19  }
0x9c: {  	s7 =	simm.s32 $0x0;
	s20 =	sshll.u32 s5, $0x1;
	s5 =	sadd.s32 s21, s3  }
0x9d: {  	[timem:s7], [sflag:s22] =	dma.local [hbm:s5], s20  }
0x9e: {  	_ =	swait.ge [sflag:s22], s20  }
0x9f: {  	s4 =	ssub.s32 $0x0, s20;
	[sflag:s22] =	ssyncset.done $0x0  }
0xa0: {  	[sflag:s22] =	ssyncadd.s32 s4;
	_ =	sdelay $0x1  }
0xa1: {  	s23 =	simm.s32 $0x1B8B  }
0xa2: {  	_ =	swait.ge [sflag:s23], $0x1  }
0xa3: {  	[sflag:s23] =	ssyncset.done $0x0  }
0xa4: {  	s25 =	simm.s32 $0x1B8E;
	s24 =	sld [smem:$0x3FFE];
	[sflag:s23] =	ssyncadd.s32 $0xFFFFFFFF  }
0xa5: {  	s26 =	simm.s32 $execute0_lowered;
	[smem:$0x3FD2] =	sst s25  }
0xa6: {  	s5 =	sshll.u32 s26, $0x1;
	_ =	strace $0x8000004C;
	[dreg:$0x1] =	wrdreg $0xFFFFFFFF  }
0xa7: {  	s28 =	simm.s32 $_size_execute0_lowered;
	s3 =	sadd.s32 s3, s5;
	[dreg:$0x0] =	wrdreg $0x0  }
0xa8: {  	s5 =	sshll.u32 s28, $0x1;
	[dreg:$0x2] =	wrdreg s3  }
0xa9: {  	[dreg:$0x3] =	wrdreg s5  }
0xaa: {  	[dreg:$0x4] =	wrdreg $0xC0  }
0xab: {  	_ =	task [dreg:s7], $0x5FFFF  }
0xac: {  	[dreg:$0x1] =	wrdreg $0xFFFFFFFF  }
0xad: {  	[dreg:$0x0] =	wrdreg $0x60  }
0xae: {  	[dreg:$0x2] =	wrdreg s2  }
0xaf: {  	[dreg:$0x3] =	wrdreg s24  }
0xb0: {  	[dreg:$0x4] =	wrdreg $0xA8000  }
0xb1: {  	[dreg:$0x5] =	wrdreg $0x9  }
0xb2: {  	_ =	task.clear_ibuf [dreg:s7], $0x6FFFF;
	_ =	strace $0x9000004C  }
0xb3: {  	s29 =	simm.s32 $0x9;
	_ =	strace $0x8000004E  }
0xb4: {  	_ =	swait.ge [sflag:s29], $0x1  }
0xb5: {  	[sflag:s29] =	ssyncadd.s32 $0xFFFFFFFF  }
0xb6: {  	_ =	strace $0x9000004E  }
0xb7: {  	_ =	sfence  }
0xb8: {  	s30 =	sld [smem:$0x0];
	_ =	sdelay $0x2  }
0xb9: {  	s31 =	sshll.u32 s1, $0xD;
	s1 =	sshrl.u32 s1, $0x2  }
0xba: {  	s3 =	sand.u32 $0x4000, s31;
	s1 =	sadd.s32 s1, s30  }
0xbb: {  	s0 =	sor.u32 s3, s0;
	s1 =	sshll.u32 s1, $0x11  }
0xbc: {  	s0 =	sor.u32 s1, s0  }
0xbd: {  	s0 =	sadd.s32 $0x8F2B, s0  }
0xbe: {  	[sflag:s0] =	ssyncadd.remote.s32 $0x1  }
0xbf: {  	_ =	sfence.sel $0xFFFF  }
0xc0: {  	[dreg:$0x0] =	wrdreg $0xFFFFFFFF;
	(pc) =	sbr.abs _section_cstart, $3  }
0xc1: {  	[dreg:$0x1] =	wrdreg $0xFFFFFFFF  }
0xc2: {  	_ =	task.clear_ibuf [dreg:s7], $0x2FFFF;
	_ =	strace $0x9FFFFFFF  }
0xc3: {  	(tm) =	ssettm $0x7FFFFFFF  }
tec
execute0_lowered:
.L_overlay_start_1:
0x0: {  	(tag) =	ssettag $0x1  }
0x1: {  	s0 =	rddreg [dreg:$0x0]  }
0x2: {  	s1 =	rddreg [dreg:$0x1];
	s2 =	srdreg.scid  }
0x3: {  	s3 =	rddreg [dreg:$0x2];
	s18 =	stileid.u32;
	s4 =	simm.s32 $0x0  }
0x4: {  	s19 =	simm.s32 $0x1400;
	s20 =	simm.s32 $0x7D;
	s21 =	simm.s32 $0x2800  }
0x5: {  	s29 =	simm.s32 $0x4;
	s30 =	simm.s32 $0x0;
	s7 =	smul.u32 $0x1F400, s18  }
0x6: {  	s31 =	simm.s32 $0x0;
	s2 =	sand.u32 $0x1, s2;
	s8 =	smul.u32 $0x7D000, s18  }
0x7: {  	[smem:$0x7FF] =	sst s4;
	s9 =	sshrl.u32 s18, $0x2;
	s6 =	smul.u32 $0x138800, s2  }
0x8: {  	s5 =	sadd.s32 $0x3C00, s1;
	s25 =	sand.u32 $0x3, s18;
	s28 =	smul.u32 $0x9C4, s9  }
0x9: {  	p0 =	sgt.u32 s18, $0x9;
	s18 =	simm.s32 $0x5;
	s13 =	smul.u32 $0x280, s9  }
0xa: {  	_ =	strace $0x8000004D;
	s22 =	ssub.s32 $0x2, s2;
	s14 =	smul.u32 $0x50, s25  }
0xb: {  	s2 =	smul.u32 $0x2710, s2;
	s25 =	simm.s32 $0x2;
	s23 =	sshrl.u32 s22, $0x1  }
0xc: {  	s24 =	sshrl.u32 s8, $0x2;
	s6 =	sadd.s32 s7, s6;
	s7 =	ssub.s32 s22, s23  }
0xd: {  	s13 =	sadd.s32 s14, s13;
	s2 =	sadd.s32 s2, s28;
	s22 =	simm.s32 $0x80  }
0xe: {  	s23 =	simm.s32 $0x6800;
	v1 =	vmov s28;
	s28 =	simm.s32 $0x3;
	s6 =	sshrl.u32 s6, $0x3  }
0xf: {  	s15 =	sadd.s32 $0x140, s13;
	s1 =	sadd.s32 s6, s1;
	s6 =	sadd.s32 s24, s3  }
0x10: {  	s17 =	smax.u32 s7, $0x1;
	s24 =	simm.s32 $0x1;
	s26 =	sadd.s32 $0x3E80, s6  }
0x11: {  	s8 =	sadd.s32 $0x7D00, s6;
	s9 =	sadd.s32 $0xBB80, s6;
	s10 =	sadd.s32 $0xFA00, s6  }
0x12: {  	s11 =	sadd.s32 $0x13880, s6;
	s12 =	sadd.s32 $0x17700, s6;
	s14 =	sadd.s32 $0x1B580, s6  }
0x13: {  	v2 =	vimm.f32 $0.0e+00;
	vm0 =	vmmov $0x7;
	v0 =	vmov s2;
	s16 =	sadd.s32 $0xAA000, s1;
	[dreg:$0x4] =	wrdreg s26;
	s26 =	simm.s32 $0x1480  }
.LBB2_1:
0x14: {  	s1 =	simm.s32 $0x0;
	s2 =	simm.s32 $0x200  }
.LBB2_2:
0x15: {  	p1 =	sne.s32 s2, $0xF800;
	[tilespmem:s1+$0x2870] =	vst v2  }
0x16: {  	[tilespmem:s1+$0x2800] =	vst v2  }
0x17: {  	[tilespmem:s1+$0x2810] =	vst v2  }
.Ltmp0:
0x18: {  	[tilespmem:s1+$0x2820] =	vst v2;
	(pc) =	sbr.rel @p1 .LBB2_2-.Ltmp0, $4  }
0x19: {  	[tilespmem:s1+$0x2830] =	vst v2  }
0x1a: {  	[tilespmem:s1+$0x2840] =	vst v2  }
0x1b: {  	[tilespmem:s1+$0x2850] =	vst v2  }
0x1c: {  	[tilespmem:s1+$0x2860] =	vst v2;
	s1 =	sshra.s32 s2, $0x2;
	s2 =	sadd.s32 $0x200, s2  }
0x1d: {  	[tilespmem:s1+$0x2870] =	vst v2  }
0x1e: {  	[tilespmem:s1+$0x2800] =	vst v2  }
0x1f: {  	[tilespmem:s1+$0x2810] =	vst v2  }
0x20: {  	[tilespmem:s1+$0x2820] =	vst v2  }
0x21: {  	[tilespmem:s1+$0x2830] =	vst v2  }
0x22: {  	[tilespmem:s1+$0x2840] =	vst v2  }
0x23: {  	[tilespmem:s1+$0x2850] =	vst v2  }
0x24: {  	[tilespmem:s1+$0x2860] =	vst v2;
	s1 =	simm.s32 @!p0 $0x2800;
	s2 =	simm.s32 @!p0 $0x5  }
0x25: {  	[spmem:s6] =	stream.linear.scatter @!p0 [tilespmem:s1], [sflag:$0x5], $0x3E80, $0x38;
	[tilespmem:$0x1E080] =	vst v63  }
0x26: {  	_ =	swait.ge @!p0 [sflag:s2], $0x3E80  }
0x27: {  	[sflag:s2] =	ssyncset.done @!p0 $0x0  }
0x28: {  	s7 =	rddreg [dreg:$0x4];
	[sflag:s2] =	ssyncadd.s32 @!p0 $0xFFFFC180  }
0x29: {  	[spmem:s7] =	stream.linear.scatter @!p0 [tilespmem:s1], [sflag:$0x5], $0x3E80, $0x38;
	[tilespmem:$0x1E080] =	vst v63  }
0x2a: {  	_ =	swait.ge @!p0 [sflag:s2], $0x3E80  }
0x2b: {  	[sflag:s2] =	ssyncset.done @!p0 $0x0  }
0x2c: {  	[sflag:s2] =	ssyncadd.s32 @!p0 $0xFFFFC180  }
0x2d: {  	[spmem:s8] =	stream.linear.scatter @!p0 [tilespmem:s1], [sflag:$0x5], $0x3E80, $0x38;
	[tilespmem:$0x1E080] =	vst v63  }
0x2e: {  	_ =	swait.ge @!p0 [sflag:s2], $0x3E80  }
0x2f: {  	[sflag:s2] =	ssyncset.done @!p0 $0x0  }
0x30: {  	[sflag:s2] =	ssyncadd.s32 @!p0 $0xFFFFC180  }
0x31: {  	[spmem:s9] =	stream.linear.scatter @!p0 [tilespmem:s1], [sflag:$0x5], $0x3E80, $0x38;
	[tilespmem:$0x1E080] =	vst v63  }
0x32: {  	_ =	swait.ge @!p0 [sflag:s2], $0x3E80  }
0x33: {  	[sflag:s2] =	ssyncset.done @!p0 $0x0  }
0x34: {  	[sflag:s2] =	ssyncadd.s32 @!p0 $0xFFFFC180  }
0x35: {  	[spmem:s10] =	stream.linear.scatter @!p0 [tilespmem:s1], [sflag:$0x5], $0x3E80, $0x38;
	[tilespmem:$0x1E080] =	vst v63  }
0x36: {  	_ =	swait.ge @!p0 [sflag:s2], $0x3E80  }
0x37: {  	[sflag:s2] =	ssyncset.done @!p0 $0x0  }
0x38: {  	[sflag:s2] =	ssyncadd.s32 @!p0 $0xFFFFC180  }
0x39: {  	[spmem:s11] =	stream.linear.scatter @!p0 [tilespmem:s1], [sflag:$0x5], $0x3E80, $0x38;
	[tilespmem:$0x1E080] =	vst v63  }
0x3a: {  	_ =	swait.ge @!p0 [sflag:s2], $0x3E80  }
0x3b: {  	[sflag:s2] =	ssyncset.done @!p0 $0x0  }
0x3c: {  	[sflag:s2] =	ssyncadd.s32 @!p0 $0xFFFFC180  }
0x3d: {  	[spmem:s12] =	stream.linear.scatter @!p0 [tilespmem:s1], [sflag:$0x5], $0x3E80, $0x38;
	[tilespmem:$0x1E080] =	vst v63  }
0x3e: {  	_ =	swait.ge @!p0 [sflag:s2], $0x3E80  }
0x3f: {  	[sflag:s2] =	ssyncset.done @!p0 $0x0  }
0x40: {  	[sflag:s2] =	ssyncadd.s32 @!p0 $0xFFFFC180  }
0x41: {  	[spmem:s14] =	stream.linear.scatter @!p0 [tilespmem:s1], [sflag:$0x5], $0x3E80, $0x38;
	[tilespmem:$0x1E080] =	vst v63  }
0x42: {  	_ =	swait.ge @!p0 [sflag:s2], $0x3E80  }
0x43: {  	[sflag:s2] =	ssyncset.done @!p0 $0x0  }
0x44: {  	[sflag:s2] =	ssyncadd.s32 @!p0 $0xFFFFC180  }
0x45: {  	p2 =	por $0x1, $0x1;
	s1 =	simm.s32 $0x0;
	[bflag:$0x0] =	sbarrier.arrive $0xFFFF  }
.LBB2_4:
0x46: {  	s2 =	sadd.s32 s1, s13  }
0x47: {  	s2 =	sshll.u32 s2, $0x4  }
0x48: {  	s2 =	sadd.s32 s5, s2  }
0x49: {  	[tilespmem:s31], [sflag:$0x5] =	stream.linear.gather [hbm4b:s2+s31], $0x1400, $0x38;
	[tilespmem:$0x1E080] =	vst v63  }
0x4a: {  	s7 =	sadd.s32 s1, s15;
	_ =	swait.ge [sflag:s18], $0x1400  }
0x4b: {  	s1 =	sshll.u32 s7, $0x4;
	[sflag:s18] =	ssyncset.done $0x0  }
0x4c: {  	s1 =	sadd.s32 s5, s1;
	[sflag:s18] =	ssyncadd.s32 $0xFFFFEC00  }
0x4d: {  	[tilespmem:s19], [sflag:$0x5] =	stream.linear.gather [hbm4b:s1+s31], $0x1400, $0x38;
	[tilespmem:$0x1E080] =	vst v63  }
0x4e: {  	_ =	swait.ge [sflag:s18], $0x1400  }
0x4f: {  	[sflag:s18] =	ssyncset.done $0x0  }
0x50: {  	s1 =	simm.s32 $0x0;
	[sflag:s18] =	ssyncadd.s32 $0xFFFFEC00  }
0x51: {  	v3 =	vld [tilespmem:s1+$0x60]  }
0x52: {  	v4 =	vld [tilespmem:s1+$0x0]  }
0x53: {  	v5 =	vld [tilespmem:s1+$0x10]  }
0x54: {  	v6 =	vld [tilespmem:s1+$0x20]  }
0x55: {  	v7 =	vld [tilespmem:s1+$0x30]  }
0x56: {  	v8 =	vld [tilespmem:s1+$0x40];
	v3 =	vadd.s32 v0, v3  }
0x57: {  	v9 =	vld [tilespmem:s1+$0x50];
	[tilespmem:s1+$0x60] =	vst v3  }
0x58: {  	v4 =	vadd.s32 v0, v4;
	v3 =	vld [tilespmem:s1+$0x6D]  }
0x59: {  	[tilespmem:s1+$0x0] =	vst v4;
	v4 =	vadd.s32 v0, v5  }
0x5a: {  	[tilespmem:s1+$0x10] =	vst v4;
	v4 =	vadd.s32 v0, v6  }
0x5b: {  	[tilespmem:s1+$0x20] =	vst v4;
	v4 =	vadd.s32 v0, v7  }
0x5c: {  	[tilespmem:s1+$0x30] =	vst v4;
	v4 =	vadd.s32 v0, v8  }
0x5d: {  	[tilespmem:s1+$0x40] =	vst v4;
	v4 =	vadd.s32 v0, v9;
	v5 =	vadd.s32 v0, v3  }
0x5e: {  	p1 =	por p2, p2;
	s7 =	simm.s32 $0x400;
	s2 =	simm.s32 $0x200;
	[tilespmem:s1+$0x50] =	vst v4;
	v3 =	vsel vm0, v3, v5  }
.LBB2_5:
0x5f: {  	p2 =	sne.s32 s7, $0x4E00  }
0x60: {  	[tilespmem:s1+$0x6D] =	vst v3;
	s1 =	sshra.s32 s2, $0x2;
	s2 =	smov.u32 s7;
	s7 =	sadd.s32 $0x200, s7  }
0x61: {  	v3 =	vld [tilespmem:s1+$0x60]  }
0x62: {  	v4 =	vld [tilespmem:s1+$0x0]  }
0x63: {  	v5 =	vld [tilespmem:s1+$0x10]  }
0x64: {  	v6 =	vld [tilespmem:s1+$0x20]  }
0x65: {  	v7 =	vld [tilespmem:s1+$0x30]  }
0x66: {  	v8 =	vld [tilespmem:s1+$0x40];
	v3 =	vadd.s32 v0, v3  }
0x67: {  	v4 =	vadd.s32 v0, v4;
	v9 =	vld [tilespmem:s1+$0x50];
	[tilespmem:s1+$0x60] =	vst v3  }
0x68: {  	[tilespmem:s1+$0x0] =	vst v4;
	v3 =	vadd.s32 v0, v5;
	v4 =	vld [tilespmem:s1+$0x6D]  }
0x69: {  	[tilespmem:s1+$0x10] =	vst v3;
	v3 =	vadd.s32 v0, v6  }
.Ltmp1:
0x6a: {  	[tilespmem:s1+$0x20] =	vst v3;
	v3 =	vadd.s32 v0, v7;
	(pc) =	sbr.rel @p2 .LBB2_5-.Ltmp1, $4  }
0x6b: {  	[tilespmem:s1+$0x30] =	vst v3;
	v3 =	vadd.s32 v0, v8  }
0x6c: {  	[tilespmem:s1+$0x40] =	vst v3;
	v3 =	vadd.s32 v0, v9  }
0x6d: {  	[tilespmem:s1+$0x50] =	vst v3;
	v3 =	vadd.s32 v0, v4  }
0x6e: {  	v3 =	vsel vm0, v4, v3  }
0x6f: {  	s2 =	sshra.s32 s2, $0x2;
	[tilespmem:s1+$0x6D] =	vst v3  }
0x70: {  	v3 =	vld [tilespmem:s2+$0x60]  }
0x71: {  	v4 =	vld [tilespmem:s2+$0x0]  }
0x72: {  	v5 =	vld [tilespmem:s2+$0x10]  }
0x73: {  	v6 =	vld [tilespmem:s2+$0x20]  }
0x74: {  	v7 =	vld [tilespmem:s2+$0x30]  }
0x75: {  	v8 =	vld [tilespmem:s2+$0x40];
	v3 =	vadd.s32 v0, v3  }
0x76: {  	v9 =	vld [tilespmem:s2+$0x50];
	[tilespmem:s2+$0x60] =	vst v3  }
0x77: {  	v3 =	vadd.s32 v0, v4;
	v4 =	vld [tilespmem:s2+$0x6D]  }
0x78: {  	[tilespmem:s2+$0x0] =	vst v3;
	v3 =	vadd.s32 v0, v5  }
0x79: {  	[tilespmem:s2+$0x10] =	vst v3;
	v3 =	vadd.s32 v0, v6  }
0x7a: {  	[tilespmem:s2+$0x20] =	vst v3;
	v3 =	vadd.s32 v0, v7  }
0x7b: {  	[tilespmem:s2+$0x30] =	vst v3;
	v3 =	vadd.s32 v0, v8  }
0x7c: {  	[tilespmem:s2+$0x40] =	vst v3;
	v3 =	vadd.s32 v0, v9;
	v5 =	vadd.s32 v0, v4  }
0x7d: {  	[tilespmem:s2+$0x50] =	vst v3;
	v3 =	vsel vm0, v4, v5  }
0x7e: {  	s1 =	simm.s32 $0x0;
	[tilespmem:s2+$0x6D] =	vst v3  }
0x7f: {  	v3 =	vld [tilespmem:s1+$0x1460]  }
0x80: {  	v4 =	vld [tilespmem:s1+$0x1400]  }
0x81: {  	v5 =	vld [tilespmem:s1+$0x1410]  }
0x82: {  	v60 =	vld [tilespmem:s1+$0x1420]  }
0x83: {  	v61 =	vld [tilespmem:s1+$0x1430]  }
0x84: {  	v62 =	vld [tilespmem:s1+$0x1440];
	v3 =	vadd.s32 v1, v3  }
0x85: {  	v63 =	vld [tilespmem:s1+$0x1450];
	[tilespmem:s1+$0x1460] =	vst v3  }
0x86: {  	v4 =	vadd.s32 v1, v4;
	v3 =	vld [tilespmem:s1+$0x146D]  }
0x87: {  	[tilespmem:s1+$0x1400] =	vst v4;
	v4 =	vadd.s32 v1, v5  }
0x88: {  	[tilespmem:s1+$0x1410] =	vst v4;
	v4 =	vadd.s32 v1, v60  }
0x89: {  	[tilespmem:s1+$0x1420] =	vst v4;
	v4 =	vadd.s32 v1, v61  }
0x8a: {  	[tilespmem:s1+$0x1430] =	vst v4;
	v4 =	vadd.s32 v1, v62  }
0x8b: {  	[tilespmem:s1+$0x1440] =	vst v4;
	v4 =	vadd.s32 v1, v63;
	v5 =	vadd.s32 v1, v3  }
0x8c: {  	s7 =	simm.s32 $0x400;
	s2 =	simm.s32 $0x200;
	[tilespmem:s1+$0x1450] =	vst v4;
	v3 =	vsel vm0, v3, v5  }
.LBB2_7:
0x8d: {  	p2 =	sne.s32 s7, $0x4E00  }
0x8e: {  	[tilespmem:s1+$0x146D] =	vst v3;
	s1 =	sshra.s32 s2, $0x2;
	s2 =	smov.u32 s7;
	s7 =	sadd.s32 $0x200, s7  }
0x8f: {  	v3 =	vld [tilespmem:s1+$0x1460]  }
0x90: {  	v4 =	vld [tilespmem:s1+$0x1400]  }
0x91: {  	v5 =	vld [tilespmem:s1+$0x1410]  }
0x92: {  	v6 =	vld [tilespmem:s1+$0x1420]  }
0x93: {  	v7 =	vld [tilespmem:s1+$0x1430]  }
0x94: {  	v8 =	vld [tilespmem:s1+$0x1440];
	v3 =	vadd.s32 v1, v3  }
0x95: {  	v4 =	vadd.s32 v1, v4;
	v9 =	vld [tilespmem:s1+$0x1450];
	[tilespmem:s1+$0x1460] =	vst v3  }
0x96: {  	[tilespmem:s1+$0x1400] =	vst v4;
	v3 =	vadd.s32 v1, v5;
	v4 =	vld [tilespmem:s1+$0x146D]  }
0x97: {  	[tilespmem:s1+$0x1410] =	vst v3;
	v3 =	vadd.s32 v1, v6  }
.Ltmp2:
0x98: {  	[tilespmem:s1+$0x1420] =	vst v3;
	v3 =	vadd.s32 v1, v7;
	(pc) =	sbr.rel @p2 .LBB2_7-.Ltmp2, $4  }
0x99: {  	[tilespmem:s1+$0x1430] =	vst v3;
	v3 =	vadd.s32 v1, v8  }
0x9a: {  	[tilespmem:s1+$0x1440] =	vst v3;
	v3 =	vadd.s32 v1, v9  }
0x9b: {  	[tilespmem:s1+$0x1450] =	vst v3;
	v3 =	vadd.s32 v1, v4  }
0x9c: {  	v3 =	vsel vm0, v4, v3  }
0x9d: {  	s2 =	sshra.s32 s2, $0x2;
	[tilespmem:s1+$0x146D] =	vst v3  }
0x9e: {  	v3 =	vld [tilespmem:s2+$0x1460]  }
0x9f: {  	v4 =	vld [tilespmem:s2+$0x1400]  }
0xa0: {  	v5 =	vld [tilespmem:s2+$0x1410]  }
0xa1: {  	v6 =	vld [tilespmem:s2+$0x1420]  }
0xa2: {  	v7 =	vld [tilespmem:s2+$0x1430]  }
0xa3: {  	v8 =	vld [tilespmem:s2+$0x1440];
	v3 =	vadd.s32 v1, v3  }
0xa4: {  	v9 =	vld [tilespmem:s2+$0x1450];
	[tilespmem:s2+$0x1460] =	vst v3  }
0xa5: {  	v3 =	vadd.s32 v1, v4;
	v62 =	vld [tilespmem:s2+$0x146D]  }
0xa6: {  	[tilespmem:s2+$0x1400] =	vst v3;
	v3 =	vadd.s32 v1, v5  }
0xa7: {  	[tilespmem:s2+$0x1410] =	vst v3;
	v3 =	vadd.s32 v1, v6  }
0xa8: {  	[tilespmem:s2+$0x1420] =	vst v3;
	v3 =	vadd.s32 v1, v7  }
0xa9: {  	[tilespmem:s2+$0x1430] =	vst v3;
	v3 =	vadd.s32 v1, v8  }
0xaa: {  	[tilespmem:s2+$0x1440] =	vst v3;
	v3 =	vadd.s32 v1, v9;
	v63 =	vadd.s32 v1, v62  }
0xab: {  	[tilespmem:s2+$0x1450] =	vst v3;
	v3 =	vsel vm0, v62, v63  }
0xac: {  	[tilespmem:s2+$0x146D] =	vst v3  }
0xad: {  	[tilespmem:s21], [sflag:$0x1] =	stream.indirect.gather [hbm4b:s0+s20], $0x80, s4, s20, $0xb8;
	[tilespmem:$0x1E080] =	vst v63  }
0xae: {  	_ = 	snop  }
0xaf: {  	[tilespmem:s23], [sflag:$0x2] =	stream.indirect.gather [hbm4b:s0+s20], $0x80, s22, s20, $0xb8;
	[tilespmem:$0x1E080] =	vst v63  }
0xb0: {  	_ =	swait.ge [sflag:s24], $0x3E80  }
0xb1: {  	[sflag:s24] =	ssyncset.done $0x0  }
0xb2: {  	[sflag:s24] =	ssyncadd.s32 $0xFFFFC180  }
0xb3: {  	[spmem:s3] =	stream.indirect.scatter.add.f32 [tilespmem:s21], [sflag:$0x3], $0x80, s19, s20, $0xb8;
	[tilespmem:$0x1E080] =	vst v63  }
0xb4: {  	_ =	swait.ge [sflag:s25], $0x3E80  }
0xb5: {  	[sflag:s25] =	ssyncset.done $0x0  }
0xb6: {  	[sflag:s25] =	ssyncadd.s32 $0xFFFFC180  }
0xb7: {  	[spmem:s3] =	stream.indirect.scatter.add.f32 [tilespmem:s23], [sflag:$0x4], $0x80, s26, s20, $0xb8;
	[tilespmem:$0x1E080] =	vst v63  }
0xb8: {  	_ =	swait.ge [sflag:s28], $0x3E80  }
0xb9: {  	[sflag:s28] =	ssyncset.done $0x0  }
0xba: {  	s7 =	simm.s32 $0x100;
	[sflag:s28] =	ssyncadd.s32 $0xFFFFC180  }
0xbb: {  	[tilespmem:s21], [sflag:$0x1] =	stream.indirect.gather [hbm4b:s0+s20], $0x80, s7, s20, $0xb8;
	[tilespmem:$0x1E080] =	vst v63  }
0xbc: {  	_ =	swait.ge [sflag:s29], $0x3E80  }
0xbd: {  	[sflag:s29] =	ssyncset.done $0x0  }
0xbe: {  	s2 =	simm.s32 $0x180;
	[sflag:s29] =	ssyncadd.s32 $0xFFFFC180  }
0xbf: {  	[tilespmem:s23], [sflag:$0x2] =	stream.indirect.gather [hbm4b:s0+s20], $0x80, s2, s20, $0xb8;
	[tilespmem:$0x1E080] =	vst v63  }
0xc0: {  	_ =	swait.ge [sflag:s24], $0x3E80  }
0xc1: {  	[sflag:s24] =	ssyncset.done $0x0  }
0xc2: {  	s7 =	simm.s32 $0x1500;
	[sflag:s24] =	ssyncadd.s32 $0xFFFFC180  }
0xc3: {  	[spmem:s3] =	stream.indirect.scatter.add.f32 [tilespmem:s21], [sflag:$0x3], $0x80, s7, s20, $0xb8;
	[tilespmem:$0x1E080] =	vst v63  }
0xc4: {  	_ =	swait.ge [sflag:s25], $0x3E80  }
0xc5: {  	[sflag:s25] =	ssyncset.done $0x0  }
0xc6: {  	s1 =	simm.s32 $0xFFFFB800;
	s2 =	simm.s32 $0x1580;
	[sflag:s25] =	ssyncadd.s32 $0xFFFFC180  }
.LBB2_9:
0xc7: {  	[spmem:s3] =	stream.indirect.scatter.add.f32 [tilespmem:s23], [sflag:$0x4], $0x80, s2, s20, $0xb8;
	[tilespmem:$0x1E080] =	vst v63  }
0xc8: {  	s2 =	smov.u32 s1  }
0xc9: {  	p2 =	sne.s32 s1, $0xFFFFFC00;
	s1 =	sadd.s32 $0x400, s1;
	_ =	swait.ge [sflag:s28], $0x3E80  }
0xca: {  	s2 =	sshra.s32 s2, $0x2;
	[sflag:s28] =	ssyncset.done $0x0  }
0xcb: {  	s7 =	sadd.s32 $0x1400, s2;
	[sflag:s28] =	ssyncadd.s32 $0xFFFFC180  }
0xcc: {  	[tilespmem:s21], [sflag:$0x1] =	stream.indirect.gather [hbm4b:s0+s20], $0x80, s7, s20, $0xb8;
	[tilespmem:$0x1E080] =	vst v63  }
0xcd: {  	_ =	swait.ge [sflag:s29], $0x3E80  }
0xce: {  	[sflag:s29] =	ssyncset.done $0x0  }
0xcf: {  	s7 =	sadd.s32 $0x1480, s2;
	[sflag:s29] =	ssyncadd.s32 $0xFFFFC180  }
0xd0: {  	[tilespmem:s23], [sflag:$0x2] =	stream.indirect.gather [hbm4b:s0+s20], $0x80, s7, s20, $0xb8;
	[tilespmem:$0x1E080] =	vst v63  }
0xd1: {  	_ =	swait.ge [sflag:s24], $0x3E80  }
0xd2: {  	[sflag:s24] =	ssyncset.done $0x0  }
.Ltmp3:
0xd3: {  	s7 =	sadd.s32 $0x2800, s2;
	[sflag:s24] =	ssyncadd.s32 $0xFFFFC180;
	(pc) =	sbr.rel @p2 .LBB2_9-.Ltmp3, $4  }
0xd4: {  	[spmem:s3] =	stream.indirect.scatter.add.f32 [tilespmem:s21], [sflag:$0x3], $0x80, s7, s20, $0xb8;
	[tilespmem:$0x1E080] =	vst v63  }
0xd5: {  	_ =	swait.ge [sflag:s25], $0x3E80  }
0xd6: {  	[sflag:s25] =	ssyncset.done $0x0  }
0xd7: {  	s2 =	sadd.s32 $0x2880, s2;
	[sflag:s25] =	ssyncadd.s32 $0xFFFFC180  }
0xd8: {  	[spmem:s3] =	stream.indirect.scatter.add.f32 [tilespmem:s23], [sflag:$0x4], $0x80, s2, s20, $0xb8;
	[tilespmem:$0x1E080] =	vst v63  }
0xd9: {  	_ =	swait.ge [sflag:s28], $0x3E80  }
.Ltmp4:
0xda: {  	[sflag:s28] =	ssyncset.done $0x0;
	(pc) =	sbr.rel @p1 .LBB2_4-.Ltmp4, $4  }
0xdb: {  	[sflag:s28] =	ssyncadd.s32 $0xFFFFC180  }
0xdc: {  	_ =	swait.ge [sflag:s29], $0x3E80  }
0xdd: {  	[sflag:s29] =	ssyncset.done $0x0  }
0xde: {  	s1 =	simm.s32 $0x28;
	p2 =	por $0x0, $0x0;
	[sflag:s29] =	ssyncadd.s32 $0xFFFFC180  }
0xdf: {  	s1 =	stileid.u32  }
0xe0: {  	[bflag:$0x0] =	sbarrier.arrive $0xFFFF;
	s30 =	sadd.s32 $0x1, s30;
	s1 =	sshll.u32 @!p0 s1, $0x6  }
0xe1: {  	s2 =	sshrl.u32 @!p0 s6, $0x3;
	p1 =	sne.s32 s30, s17;
	s1 =	sor.u32 @!p0 $0x1C05, s1  }
0xe2: {  	[hbm:s16], [sflag:s1] =	dma.local @!p0 [spmem:s2], $0x3E80  }
.Ltmp5:
0xe3: {  	_ = 	snop;
	(pc) =	sbr.rel @p1 .LBB2_1-.Ltmp5, $4  }
0xe4: {  	s1 =	simm.s32 @!p0 $0x5  }
0xe5: {  	_ =	swait.ge @!p0 [sflag:s1], $0x3E80  }
0xe6: {  	[sflag:s1] =	ssyncset.done @!p0 $0x0  }
0xe7: {  	[sflag:s1] =	ssyncadd.s32 @!p0 $0xFFFFC180  }
0xe8: {  	_ =	sfence.sel $0x180000  }
0xe9: {  	[bflag:$0x0] =	sbarrier.arrive $0xFFFF  }
0xea: {  	_ =	strace $0x9000004D  }
0xeb: {  	s0 =	stileid.u32;
	[bflag:$0x2] =	sbarrier.arrive $0xFFFF  }
0xec: {  	p0 =	sne.s32 s0, $0x0;
	s0 =	rddreg [dreg:$0x3]  }
0xed: {  	s0 =	sadd.s32 @!p0 $0x100000, s0  }
0xee: {  	[sflag:s0] =	ssyncadd.tile.s32 @!p0 $0x1;
	_ =	shalt  }
.Lfunc_end2:
_tile_overlayer_lowered:
.L_overlay_start_2:
0xef: {  	(tag) =	ssettag $0x2  }
0xf0: {  	s0 =	rddreg [dreg:$0x0];
	s2 =	stileid.u32  }
0xf1: {  	s1 =	rddreg [dreg:$0x1];
	p0 =	sne.s32 s2, $0x0  }
0xf2: {  	s3 =	rddreg [dreg:$0x2];
	[bflag:$0x3] =	sbarrier.arrive $0xFFFF;
	s2 =	simm.s32 @!p0 $0x1C05  }
0xf3: {  	[timem:s3], [sflag:s2] =	dma.local @!p0 [hbm:s0], s1  }
0xf4: {  	s0 =	simm.s32 @!p0 $0x5  }
0xf5: {  	_ =	swait.ge @!p0 [sflag:s0], s1  }
0xf6: {  	s1 =	ssub.s32 @!p0 $0x0, s1;
	[sflag:s0] =	ssyncset.done @!p0 $0x0  }
0xf7: {  	[sflag:s0] =	ssyncadd.s32 @!p0 s1  }
0xf8: {  	[bflag:$0x3] =	sbarrier.arrive $0xFFFF  }
0xf9: {  	_ =	shalt  }

// kernel: kernel.9.cloned.1.call-start
scs
__scs_entry_jumppad:
0x0: {  	(pc) =	sbr.rel $0x88, $3  }
0x1: {  	(tag) =	ssettag $0x0;
	lr =	simm.s32 $0x1  }
0x2: {  	[smem:$0x3F93] =	sst lr;
	_ =	strace $0xD0000000  }
0x3: {  	_ = 	snop  }
0x4: {  	_ = 	snop  }
0x5: {  	_ = 	snop  }
0x6: {  	_ = 	snop  }
0x7: {  	_ = 	snop  }
__scs_overlays_trampoline_lowered:
0x8: {  	[smem:$0x3FA2] =	sst s0  }
0x9: {  	[smem:$0x3FA3] =	sst s1  }
0xa: {  	[smem:$0x3FA4] =	sst s2  }
0xb: {  	[smem:$0x3FA5] =	sst s3  }
0xc: {  	[smem:$0x3FA6] =	sst s4  }
0xd: {  	[smem:$0x3FA7] =	sst s5  }
0xe: {  	[smem:$0x3FA8] =	sst s6  }
0xf: {  	[smem:$0x3FA9] =	sst s7  }
0x10: {  	[smem:$0x3FAA] =	sst s8  }
0x11: {  	[smem:$0x3FAB] =	sst s9;
	s0 =	simm.s32 @!p0 $0x0  }
0x12: {  	s1 =	sld [smem:$0x3F91];
	s0 =	simm.s32 @p0 $0x1  }
0x13: {  	[smem:$0x3FAC] =	sst s0;
	s0 =	simm.s32 @!p1 $0x0  }
0x14: {  	s2 =	sld [smem:$0x3F90];
	s0 =	simm.s32 @p1 $0x1  }
0x15: {  	[smem:$0x3FAD] =	sst s0;
	s0 =	simm.s32 @!p2 $0x0  }
0x16: {  	s3 =	sld [smem:$0x3FDB];
	s0 =	simm.s32 @p2 $0x1  }
0x17: {  	s4 =	simm.s32 $0x1BF5;
	[smem:$0x3FAF] =	sst s0  }
0x18: {  	s0 =	sld [smem:$0x3F92];
	_ =	swait.ge [sflag:s4], $0x0  }
0x19: {  	s7 =	sld [smem:$0x3F93]  }
0x1a: {  	s8 =	sadd.s32 $0xFFFFE003, lr  }
0x1b: {  	s9 =	sadd.s32 $0xFFFFFEF7, lr;
	s5 =	simm.s32 $0xFFFFFFFF;
	p2 =	slt.u32 s8, $0xFFFFF086  }
0x1c: {  	p1 =	slt.u32 s9, $0xF7A;
	s5 =	simm.s32 @!p2 $0x0  }
0x1d: {  	s5 =	simm.s32 @p1 $0x1;
	p0 =	seq.s32 s7, s2  }
0x1e: {  	s7 =	smul.u32 @!p0 $0xF7A, s2;
	p2 =	seq.s32 @!p0 s5, $0x0  }
0x1f: {  	s9 =	smul.u32 $0xF7A, s1;
	s8 =	simm.s32 @!p0 $0x1BF5;
	p2 =	por !p2, p0  }
0x20: {  	[sflag:s8] =	ssyncset.s32 @!p0 $0xFFFFF086;
	s6 =	sadd.s32 @!p0 s3, s7;
	s7 =	simm.s32 @!p0 $0x108  }
0x21: {  	s3 =	sadd.s32 s3, s9;
	s6 =	sadd.s32 @!p0 $0x88, s6;
	s7 =	simm.s32 @p2 $0x1082  }
0x22: {  	[simem:s7], [sflag:s8] =	dma.local @!p0 [hbm:s6], $0xF7A  }
0x23: {  	s9 =	sor.u32 $0xD0000000, s2;
	s6 =	simm.s32 $0x108;
	_ =	swait.ge @!p0 [sflag:s8], $0x0  }
0x24: {  	s3 =	sadd.s32 $0x88, s3;
	s6 =	simm.s32 @!p1 $0x1082;
	[sflag:s4] =	ssyncset.s32 $0xFFFFF086  }
0x25: {  	[simem:s6], [sflag:s4] =	dma.local [hbm:s3], $0xF7A  }
0x26: {  	[smem:$0x3F93] =	sst s1;
	(tag) =	ssettag s2;
	_ =	strace s9  }
0x27: {  	s1 =	sld [smem:$0x3FA3]  }
0x28: {  	s2 =	sld [smem:$0x3FA4]  }
0x29: {  	s4 =	sld [smem:$0x3FA6]  }
0x2a: {  	p0 =	seq.s32 s5, $0x0;
	s5 =	sld [smem:$0x3FA7]  }
0x2b: {  	s6 =	sld [smem:$0x3FA8]  }
0x2c: {  	s7 =	sld [smem:$0x3FA9]  }
0x2d: {  	s3 =	simm.s32 $0x108;
	s8 =	sld [smem:$0x3FAA]  }
0x2e: {  	s3 =	simm.s32 @!p0 $0x1082;
	s9 =	sld [smem:$0x3FAB]  }
0x2f: {  	lr =	sadd.s32 s0, s3;
	s0 =	sld [smem:$0x3FA2]  }
0x30: {  	s3 =	sld [smem:$0x3FA5]  }
0x31: {  	[smem:$0x3FAE] =	sst s10  }
0x32: {  	s10 =	sld [smem:$0x3FAC];
	_ =	sdelay $0x3  }
0x33: {  	p0 =	seq.s32 s10, $0x1;
	s10 =	sld [smem:$0x3FAE];
	_ =	sdelay $0x3  }
0x34: {  	[smem:$0x3FAE] =	sst s10  }
0x35: {  	s10 =	sld [smem:$0x3FAD];
	_ =	sdelay $0x3  }
0x36: {  	p1 =	seq.s32 s10, $0x1;
	s10 =	sld [smem:$0x3FAE];
	_ =	sdelay $0x3  }
0x37: {  	[smem:$0x3FAE] =	sst s10  }
0x38: {  	s10 =	sld [smem:$0x3FAF]  }
0x39: {  	_ = 	snop;
	(pc) =	sbr.ind lr, $3  }
0x3a: {  	_ = 	snop  }
0x3b: {  	_ = 	snop  }
0x3c: {  	p2 =	seq.s32 s10, $0x1;
	s10 =	sld [smem:$0x3FAE]  }
0x3d: {  	_ =	shalt  }
0x3e: {  	_ =	shalt  }
0x3f: {  	_ =	shalt  }
0x40: {  	_ =	shalt  }
0x41: {  	_ =	shalt  }
0x42: {  	_ =	shalt  }
0x43: {  	_ =	shalt  }
0x44: {  	_ =	shalt  }
0x45: {  	_ =	shalt  }
0x46: {  	_ =	shalt  }
0x47: {  	_ =	shalt  }
0x48: {  	_ =	shalt  }
0x49: {  	_ =	shalt  }
0x4a: {  	_ =	shalt  }
0x4b: {  	_ =	shalt  }
0x4c: {  	_ =	shalt  }
0x4d: {  	_ =	shalt  }
0x4e: {  	_ =	shalt  }
0x4f: {  	_ =	shalt  }
0x50: {  	_ =	shalt  }
0x51: {  	_ =	shalt  }
0x52: {  	_ =	shalt  }
0x53: {  	_ =	shalt  }
0x54: {  	_ =	shalt  }
0x55: {  	_ =	shalt  }
0x56: {  	_ =	shalt  }
0x57: {  	_ =	shalt  }
0x58: {  	_ =	shalt  }
0x59: {  	_ =	shalt  }
0x5a: {  	_ =	shalt  }
0x5b: {  	_ =	shalt  }
0x5c: {  	_ =	shalt  }
0x5d: {  	_ =	shalt  }
0x5e: {  	_ =	shalt  }
0x5f: {  	_ =	shalt  }
0x60: {  	_ =	shalt  }
0x61: {  	_ =	shalt  }
0x62: {  	_ =	shalt  }
0x63: {  	_ =	shalt  }
0x64: {  	_ =	shalt  }
0x65: {  	_ =	shalt  }
0x66: {  	_ =	shalt  }
0x67: {  	_ =	shalt  }
0x68: {  	_ =	shalt  }
0x69: {  	_ =	shalt  }
0x6a: {  	_ =	shalt  }
0x6b: {  	_ =	shalt  }
0x6c: {  	_ =	shalt  }
0x6d: {  	_ =	shalt  }
0x6e: {  	_ =	shalt  }
0x6f: {  	_ =	shalt  }
0x70: {  	_ =	shalt  }
0x71: {  	_ =	shalt  }
0x72: {  	_ =	shalt  }
0x73: {  	_ =	shalt  }
0x74: {  	_ =	shalt  }
0x75: {  	_ =	shalt  }
0x76: {  	_ =	shalt  }
0x77: {  	_ =	shalt  }
0x78: {  	_ =	shalt  }
0x79: {  	_ =	shalt  }
0x7a: {  	_ =	shalt  }
0x7b: {  	_ =	shalt  }
0x7c: {  	_ =	shalt  }
0x7d: {  	_ =	shalt  }
0x7e: {  	_ =	shalt  }
0x7f: {  	_ =	shalt  }
0x80: {  	_ =	shalt  }
0x81: {  	_ =	shalt  }
0x82: {  	_ =	shalt  }
0x83: {  	_ =	shalt  }
0x84: {  	_ =	shalt  }
0x85: {  	_ =	shalt  }
0x86: {  	_ =	shalt  }
0x87: {  	_ =	shalt  }
.Lfunc_end0:
.L_simem_size_0:
called_computation_lowered:
.L_overlay_start_0:
0x88: {  	s2 =	sld [smem:$0x3FD9]  }
0x89: {  	s3 =	sld [smem:$0x3FFE];
	_ =	sdelay $0x1  }
0x8a: {  	s1 =	srdreg.scid  }
0x8b: {  	s0 =	sand.u32 $0x1, s1  }
0x8c: {  	s16 =	sshll.u32 s0, $0xA;
	s2 =	sadd.s32 s3, s2  }
0x8d: {  	s2 =	sadd.s32 s2, s16  }
0x8e: {  	[smem:$0x3FBA] =	sst s2  }
0x8f: {  	_ = 	snop  }
0x90: {  	(tm) =	ssettm $0x1  }
0x91: {  	s17 =	sld [smem:$0x3FFB];
	_ =	sdelay $0x3  }
0x92: {  	_ =	strace s17  }
0x93: {  	s2 =	sld [smem:$0x3FFC];
	_ =	sdelay $0x3  }
0x94: {  	_ =	strace s2  }
0x95: {  	s2 =	sld [smem:$0x3FFD];
	_ =	sdelay $0x3  }
0x96: {  	_ =	strace s2  }
0x97: {  	_ =	strace $0x8FFFFFFF  }
0x98: {  	s18 =	sld [smem:$0x3FDB];
	_ =	sdelay $0x1  }
0x99: {  	s19 =	simm.s32 $_scs_section_size  }
0x9a: {  	s4 =	simm.s32 $_size__tile_overlayer_lowered;
	s5 =	simm.s32 $_tile_overlayer_lowered  }
0x9b: {  	s22 =	simm.s32 $0x1BFF;
	s21 =	sshll.u32 s5, $0x1;
	s2 =	sadd.s32 s19, s18  }
0x9c: {  	s6 =	simm.s32 $0x0;
	s20 =	sshll.u32 s4, $0x1;
	s4 =	sadd.s32 s21, s2  }
0x9d: {  	[timem:s6], [sflag:s22] =	dma.local [hbm:s4], s20  }
0x9e: {  	_ =	swait.ge [sflag:s22], s20  }
0x9f: {  	s3 =	ssub.s32 $0x0, s20;
	[sflag:s22] =	ssyncset.done $0x0  }
0xa0: {  	[sflag:s22] =	ssyncadd.s32 s3;
	_ =	sdelay $0x1  }
0xa1: {  	s23 =	simm.s32 $0x1B8B  }
0xa2: {  	_ =	swait.ge [sflag:s23], $0x1  }
0xa3: {  	[sflag:s23] =	ssyncset.done $0x0  }
0xa4: {  	s25 =	simm.s32 $0x1B8E;
	s24 =	sld [smem:$0x3FFE];
	[sflag:s23] =	ssyncadd.s32 $0xFFFFFFFF  }
0xa5: {  	s26 =	simm.s32 $execute0_lowered;
	[smem:$0x3FD2] =	sst s25  }
0xa6: {  	s4 =	sshll.u32 s26, $0x1;
	_ =	strace $0x80000046;
	[dreg:$0x1] =	wrdreg $0xFFFFFFFF  }
0xa7: {  	s28 =	simm.s32 $_size_execute0_lowered;
	s2 =	sadd.s32 s2, s4;
	[dreg:$0x0] =	wrdreg $0x0  }
0xa8: {  	s4 =	sshll.u32 s28, $0x1;
	[dreg:$0x2] =	wrdreg s2  }
0xa9: {  	[dreg:$0x3] =	wrdreg s4  }
0xaa: {  	[dreg:$0x4] =	wrdreg $0xC0  }
0xab: {  	_ =	task [dreg:s6], $0x5FFFF  }
0xac: {  	[dreg:$0x1] =	wrdreg $0xFFFFFFFF  }
0xad: {  	[dreg:$0x0] =	wrdreg $0x60  }
0xae: {  	[dreg:$0x2] =	wrdreg s24  }
0xaf: {  	[dreg:$0x3] =	wrdreg $0x54000  }
0xb0: {  	[dreg:$0x4] =	wrdreg $0x9  }
0xb1: {  	_ =	task.clear_ibuf [dreg:s6], $0x5FFFF;
	_ =	strace $0x90000046  }
0xb2: {  	s29 =	simm.s32 $0x9;
	_ =	strace $0x80000048  }
0xb3: {  	_ =	swait.ge [sflag:s29], $0x1  }
0xb4: {  	[sflag:s29] =	ssyncadd.s32 $0xFFFFFFFF  }
0xb5: {  	_ =	strace $0x90000048  }
0xb6: {  	_ =	sfence  }
0xb7: {  	s30 =	sld [smem:$0x0];
	_ =	sdelay $0x2  }
0xb8: {  	s31 =	sshll.u32 s1, $0xD;
	s1 =	sshrl.u32 s1, $0x2  }
0xb9: {  	s3 =	sand.u32 $0x4000, s31;
	s1 =	sadd.s32 s1, s30  }
0xba: {  	s0 =	sor.u32 s3, s0;
	s1 =	sshll.u32 s1, $0x11  }
0xbb: {  	s0 =	sor.u32 s1, s0  }
0xbc: {  	s0 =	sadd.s32 $0x8F2B, s0  }
0xbd: {  	[sflag:s0] =	ssyncadd.remote.s32 $0x1  }
0xbe: {  	_ =	sfence.sel $0xFFFF  }
0xbf: {  	[dreg:$0x0] =	wrdreg $0xFFFFFFFF;
	(pc) =	sbr.abs _section_cstart, $3  }
0xc0: {  	[dreg:$0x1] =	wrdreg $0xFFFFFFFF  }
0xc1: {  	_ =	task.clear_ibuf [dreg:s6], $0x2FFFF;
	_ =	strace $0x9FFFFFFF  }
0xc2: {  	(tm) =	ssettm $0x7FFFFFFF  }
0xc3: {  	_ =	shalt  }
tec
execute0_lowered:
.L_overlay_start_1:
0x0: {  	(tag) =	ssettag $0x1  }
0x1: {  	s0 =	srdreg.scid;
	s6 =	rddreg [dreg:$0x0];
	s3 =	simm.s32 $0x1  }
0x2: {  	s2 =	rddreg [dreg:$0x1];
	s16 =	simm.s32 $0x3;
	s4 =	sand.u32 $0x1, s0  }
0x3: {  	s18 =	simm.s32 $0x1400;
	s0 =	stileid.u32;
	s1 =	sshll.u32 s4, $0x4  }
0x4: {  	s19 =	simm.s32 $0x80;
	s28 =	sand.u32 $0x7, s0;
	s5 =	sor.u32 s0, s1  }
0x5: {  	s20 =	simm.s32 $0x2;
	p1 =	sne.s32 s28, $0x0;
	p0 =	seq.s32 s5, $0x0  }
0x6: {  	s21 =	simm.s32 $0x0;
	s8 =	smul.u32 $0x138800, s4;
	p0 =	por !p1, !p0  }
0x7: {  	s9 =	smul.u32 $0x1F400, s0;
	s4 =	ssub.s32 $0x2, s4;
	p0 =	por !p0, !p0  }
0x8: {  	s29 =	smul.u32 $0x7D000, s0;
	s7 =	sshrl.u32 s5, $0x3;
	s3 =	simm.s32 @!p0 $0x0  }
0x9: {  	s1 =	rddreg [dreg:$0x2];
	s30 =	sshrl.u32 s4, $0x1;
	s7 =	ssub.s32 s7, s3  }
0xa: {  	s8 =	sadd.s32 s9, s8;
	s15 =	ssub.s32 s4, s30;
	s10 =	sshll.u32 s7, $0x3  }
0xb: {  	s8 =	sshrl.u32 s8, $0x3;
	s11 =	smul.u32 $0x280, s7;
	s5 =	ssub.s32 s5, s10  }
0xc: {  	s31 =	sshrl.u32 s29, $0x2;
	s14 =	sadd.s32 s8, s6;
	s5 =	smul.u32 $0x28, s5  }
0xd: {  	s4 =	simm.s32 $0x1;
	s15 =	smax.u32 s15, $0x1;
	s14 =	sadd.s32 $0xDC00, s14  }
0xe: {  	p0 =	sgt.u32 s0, $0x9;
	s3 =	simm.s32 $0x0;
	s5 =	sadd.s32 s5, s11  }
0xf: {  	[smem:$0x7FF] =	sst s3;
	s17 =	smul.u32 $0x9C4, s7;
	s5 =	sshll.u32 s5, $0x4  }
0x10: {  	_ =	strace $0x80000047;
	s6 =	sadd.s32 s6, s5;
	s5 =	sadd.s32 s31, s2  }
0x11: {  	v0 =	vmov s17;
	s17 =	simm.s32 $0x7D;
	s6 =	sadd.s32 $0x5000, s6;
	s7 =	sadd.s32 $0x3E80, s5  }
0x12: {  	s8 =	sadd.s32 $0x7D00, s5;
	s9 =	sadd.s32 $0xBB80, s5;
	s10 =	sadd.s32 $0xFA00, s5  }
0x13: {  	vm0 =	vmmov $0x7;
	v1 =	vimm.f32 $0.0e+00;
	v2 =	vimm.f32 $1.000000000e+00;
	s11 =	sadd.s32 $0x13880, s5;
	s12 =	sadd.s32 $0x17700, s5;
	s13 =	sadd.s32 $0x1B580, s5  }
.LBB2_1:
0x14: {  	[tilespmem:s3], [sflag:$0x3] =	stream.linear.gather [hbm4b:s6+s3], $0x1400, $0x38;
	[tilespmem:$0x18C80] =	vst v63  }
0x15: {  	_ =	swait.ge [sflag:s16], $0x1400  }
0x16: {  	[sflag:s16] =	ssyncset.done $0x0  }
0x17: {  	s22 =	simm.s32 $0x0;
	[sflag:s16] =	ssyncadd.s32 $0xFFFFEC00  }
0x18: {  	v3 =	vld [tilespmem:s22+$0x60]  }
0x19: {  	v4 =	vld [tilespmem:s22+$0x0]  }
0x1a: {  	v5 =	vld [tilespmem:s22+$0x10]  }
0x1b: {  	v6 =	vld [tilespmem:s22+$0x20]  }
0x1c: {  	v7 =	vld [tilespmem:s22+$0x30]  }
0x1d: {  	v8 =	vld [tilespmem:s22+$0x40];
	v3 =	vadd.s32 v0, v3  }
0x1e: {  	v9 =	vld [tilespmem:s22+$0x50];
	[tilespmem:s22+$0x60] =	vst v3  }
0x1f: {  	v4 =	vadd.s32 v0, v4;
	v3 =	vld [tilespmem:s22+$0x6D]  }
0x20: {  	[tilespmem:s22+$0x0] =	vst v4;
	v4 =	vadd.s32 v0, v5  }
0x21: {  	[tilespmem:s22+$0x10] =	vst v4;
	v4 =	vadd.s32 v0, v6  }
0x22: {  	[tilespmem:s22+$0x20] =	vst v4;
	v4 =	vadd.s32 v0, v7  }
0x23: {  	[tilespmem:s22+$0x30] =	vst v4;
	v4 =	vadd.s32 v0, v8  }
0x24: {  	[tilespmem:s22+$0x40] =	vst v4;
	v4 =	vadd.s32 v0, v9;
	v5 =	vadd.s32 v0, v3  }
0x25: {  	s23 =	simm.s32 $0x200;
	s24 =	simm.s32 $0x400;
	[tilespmem:s22+$0x50] =	vst v4;
	v3 =	vsel vm0, v3, v5  }
.LBB2_2:
0x26: {  	p1 =	sne.s32 s24, $0x4E00  }
0x27: {  	[tilespmem:s22+$0x6D] =	vst v3;
	s22 =	sshra.s32 s23, $0x2;
	s23 =	smov.u32 s24;
	s24 =	sadd.s32 $0x200, s24  }
0x28: {  	v3 =	vld [tilespmem:s22+$0x60]  }
0x29: {  	v4 =	vld [tilespmem:s22+$0x0]  }
0x2a: {  	v5 =	vld [tilespmem:s22+$0x10]  }
0x2b: {  	v6 =	vld [tilespmem:s22+$0x20]  }
0x2c: {  	v7 =	vld [tilespmem:s22+$0x30]  }
0x2d: {  	v8 =	vld [tilespmem:s22+$0x40];
	v3 =	vadd.s32 v0, v3  }
0x2e: {  	v4 =	vadd.s32 v0, v4;
	v9 =	vld [tilespmem:s22+$0x50];
	[tilespmem:s22+$0x60] =	vst v3  }
0x2f: {  	[tilespmem:s22+$0x0] =	vst v4;
	v3 =	vadd.s32 v0, v5;
	v4 =	vld [tilespmem:s22+$0x6D]  }
0x30: {  	[tilespmem:s22+$0x10] =	vst v3;
	v3 =	vadd.s32 v0, v6  }
.Ltmp0:
0x31: {  	[tilespmem:s22+$0x20] =	vst v3;
	v3 =	vadd.s32 v0, v7;
	(pc) =	sbr.rel @p1 .LBB2_2-.Ltmp0, $4  }
0x32: {  	[tilespmem:s22+$0x30] =	vst v3;
	v3 =	vadd.s32 v0, v8  }
0x33: {  	[tilespmem:s22+$0x40] =	vst v3;
	v3 =	vadd.s32 v0, v9  }
0x34: {  	[tilespmem:s22+$0x50] =	vst v3;
	v3 =	vadd.s32 v0, v4  }
0x35: {  	v3 =	vsel vm0, v4, v3  }
0x36: {  	s23 =	sshra.s32 s23, $0x2;
	[tilespmem:s22+$0x6D] =	vst v3  }
0x37: {  	v3 =	vld [tilespmem:s23+$0x60]  }
0x38: {  	v4 =	vld [tilespmem:s23+$0x0]  }
0x39: {  	v5 =	vld [tilespmem:s23+$0x10]  }
0x3a: {  	v6 =	vld [tilespmem:s23+$0x20]  }
0x3b: {  	v7 =	vld [tilespmem:s23+$0x30]  }
0x3c: {  	v8 =	vld [tilespmem:s23+$0x40];
	v3 =	vadd.s32 v0, v3  }
0x3d: {  	v9 =	vld [tilespmem:s23+$0x50];
	[tilespmem:s23+$0x60] =	vst v3  }
0x3e: {  	v3 =	vadd.s32 v0, v4;
	v62 =	vld [tilespmem:s23+$0x6D]  }
0x3f: {  	[tilespmem:s23+$0x0] =	vst v3;
	v3 =	vadd.s32 v0, v5  }
0x40: {  	[tilespmem:s23+$0x10] =	vst v3;
	v3 =	vadd.s32 v0, v6  }
0x41: {  	[tilespmem:s23+$0x20] =	vst v3;
	v3 =	vadd.s32 v0, v7  }
0x42: {  	[tilespmem:s23+$0x30] =	vst v3;
	v3 =	vadd.s32 v0, v8  }
0x43: {  	[tilespmem:s23+$0x40] =	vst v3;
	v3 =	vadd.s32 v0, v9;
	v63 =	vadd.s32 v0, v62  }
0x44: {  	[tilespmem:s23+$0x50] =	vst v3;
	v3 =	vsel vm0, v62, v63  }
0x45: {  	s22 =	simm.s32 $0x0;
	[tilespmem:s23+$0x6D] =	vst v3;
	s23 =	simm.s32 $0x200  }
.LBB2_4:
0x46: {  	p1 =	sne.s32 s23, $0xF800;
	[tilespmem:s22+$0x1470] =	vst v1  }
0x47: {  	[tilespmem:s22+$0x1400] =	vst v1  }
0x48: {  	[tilespmem:s22+$0x1410] =	vst v1  }
.Ltmp1:
0x49: {  	[tilespmem:s22+$0x1420] =	vst v1;
	(pc) =	sbr.rel @p1 .LBB2_4-.Ltmp1, $4  }
0x4a: {  	[tilespmem:s22+$0x1430] =	vst v1  }
0x4b: {  	[tilespmem:s22+$0x1440] =	vst v1  }
0x4c: {  	[tilespmem:s22+$0x1450] =	vst v1  }
0x4d: {  	[tilespmem:s22+$0x1460] =	vst v1;
	s22 =	sshra.s32 s23, $0x2;
	s23 =	sadd.s32 $0x200, s23  }
0x4e: {  	[tilespmem:s22+$0x1470] =	vst v1  }
0x4f: {  	[tilespmem:s22+$0x1400] =	vst v1  }
0x50: {  	[tilespmem:s22+$0x1410] =	vst v1  }
0x51: {  	[tilespmem:s22+$0x1420] =	vst v1  }
0x52: {  	[tilespmem:s22+$0x1430] =	vst v1  }
0x53: {  	[tilespmem:s22+$0x1440] =	vst v1  }
0x54: {  	[tilespmem:s22+$0x1450] =	vst v1  }
0x55: {  	[tilespmem:s22+$0x1460] =	vst v1;
	s22 =	simm.s32 @!p0 $0x1400;
	s23 =	simm.s32 @!p0 $0x3  }
0x56: {  	[spmem:s5] =	stream.linear.scatter @!p0 [tilespmem:s22], [sflag:$0x3], $0x3E80, $0x38;
	[tilespmem:$0x18C80] =	vst v63  }
0x57: {  	_ =	swait.ge @!p0 [sflag:s23], $0x3E80  }
0x58: {  	[sflag:s23] =	ssyncset.done @!p0 $0x0  }
0x59: {  	[sflag:s23] =	ssyncadd.s32 @!p0 $0xFFFFC180  }
0x5a: {  	[spmem:s7] =	stream.linear.scatter @!p0 [tilespmem:s22], [sflag:$0x3], $0x3E80, $0x38;
	[tilespmem:$0x18C80] =	vst v63  }
0x5b: {  	_ =	swait.ge @!p0 [sflag:s23], $0x3E80  }
0x5c: {  	[sflag:s23] =	ssyncset.done @!p0 $0x0  }
0x5d: {  	[sflag:s23] =	ssyncadd.s32 @!p0 $0xFFFFC180  }
0x5e: {  	[spmem:s8] =	stream.linear.scatter @!p0 [tilespmem:s22], [sflag:$0x3], $0x3E80, $0x38;
	[tilespmem:$0x18C80] =	vst v63  }
0x5f: {  	_ =	swait.ge @!p0 [sflag:s23], $0x3E80  }
0x60: {  	[sflag:s23] =	ssyncset.done @!p0 $0x0  }
0x61: {  	[sflag:s23] =	ssyncadd.s32 @!p0 $0xFFFFC180  }
0x62: {  	[spmem:s9] =	stream.linear.scatter @!p0 [tilespmem:s22], [sflag:$0x3], $0x3E80, $0x38;
	[tilespmem:$0x18C80] =	vst v63  }
0x63: {  	_ =	swait.ge @!p0 [sflag:s23], $0x3E80  }
0x64: {  	[sflag:s23] =	ssyncset.done @!p0 $0x0  }
0x65: {  	[sflag:s23] =	ssyncadd.s32 @!p0 $0xFFFFC180  }
0x66: {  	[spmem:s10] =	stream.linear.scatter @!p0 [tilespmem:s22], [sflag:$0x3], $0x3E80, $0x38;
	[tilespmem:$0x18C80] =	vst v63  }
0x67: {  	_ =	swait.ge @!p0 [sflag:s23], $0x3E80  }
0x68: {  	[sflag:s23] =	ssyncset.done @!p0 $0x0  }
0x69: {  	[sflag:s23] =	ssyncadd.s32 @!p0 $0xFFFFC180  }
0x6a: {  	[spmem:s11] =	stream.linear.scatter @!p0 [tilespmem:s22], [sflag:$0x3], $0x3E80, $0x38;
	[tilespmem:$0x18C80] =	vst v63  }
0x6b: {  	_ =	swait.ge @!p0 [sflag:s23], $0x3E80  }
0x6c: {  	[sflag:s23] =	ssyncset.done @!p0 $0x0  }
0x6d: {  	[sflag:s23] =	ssyncadd.s32 @!p0 $0xFFFFC180  }
0x6e: {  	[spmem:s12] =	stream.linear.scatter @!p0 [tilespmem:s22], [sflag:$0x3], $0x3E80, $0x38;
	[tilespmem:$0x18C80] =	vst v63  }
0x6f: {  	_ =	swait.ge @!p0 [sflag:s23], $0x3E80  }
0x70: {  	[sflag:s23] =	ssyncset.done @!p0 $0x0  }
0x71: {  	[sflag:s23] =	ssyncadd.s32 @!p0 $0xFFFFC180  }
0x72: {  	[spmem:s13] =	stream.linear.scatter @!p0 [tilespmem:s22], [sflag:$0x3], $0x3E80, $0x38;
	[tilespmem:$0x18C80] =	vst v63  }
0x73: {  	_ =	swait.ge @!p0 [sflag:s23], $0x3E80  }
0x74: {  	[sflag:s23] =	ssyncset.done @!p0 $0x0  }
0x75: {  	s22 =	simm.s32 $0x0;
	[sflag:s23] =	ssyncadd.s32 @!p0 $0xFFFFC180;
	s23 =	simm.s32 $0x200  }
.LBB2_6:
0x76: {  	p1 =	sne.s32 s23, $0xF800;
	[tilespmem:s22+$0x1470] =	vst v2  }
0x77: {  	[tilespmem:s22+$0x1400] =	vst v2  }
0x78: {  	[tilespmem:s22+$0x1410] =	vst v2  }
.Ltmp2:
0x79: {  	[tilespmem:s22+$0x1420] =	vst v2;
	(pc) =	sbr.rel @p1 .LBB2_6-.Ltmp2, $4  }
0x7a: {  	[tilespmem:s22+$0x1430] =	vst v2  }
0x7b: {  	[tilespmem:s22+$0x1440] =	vst v2  }
0x7c: {  	[tilespmem:s22+$0x1450] =	vst v2  }
0x7d: {  	[tilespmem:s22+$0x1460] =	vst v2;
	s22 =	sshra.s32 s23, $0x2;
	s23 =	sadd.s32 $0x200, s23  }
0x7e: {  	[tilespmem:s22+$0x1470] =	vst v2  }
0x7f: {  	[tilespmem:s22+$0x1400] =	vst v2  }
0x80: {  	[tilespmem:s22+$0x1410] =	vst v2  }
0x81: {  	[tilespmem:s22+$0x1420] =	vst v2  }
0x82: {  	[tilespmem:s22+$0x1430] =	vst v2  }
0x83: {  	[tilespmem:s22+$0x1440] =	vst v2  }
0x84: {  	[tilespmem:s22+$0x1450] =	vst v2  }
0x85: {  	[tilespmem:s22+$0x1460] =	vst v2  }
0x86: {  	[bflag:$0x0] =	sbarrier.arrive $0xFFFF  }
0x87: {  	[spmem:s2] =	stream.indirect.scatter.add.f32 [tilespmem:s18], [sflag:$0x1], $0x80, s3, s17, $0xb8;
	[tilespmem:$0x18C80] =	vst v63  }
0x88: {  	_ = 	snop  }
0x89: {  	[spmem:s2] =	stream.indirect.scatter.add.f32 [tilespmem:s18], [sflag:$0x2], $0x80, s19, s17, $0xb8;
	[tilespmem:$0x18C80] =	vst v63  }
0x8a: {  	_ =	swait.ge [sflag:s4], $0x3E80  }
0x8b: {  	[sflag:s4] =	ssyncset.done $0x0  }
0x8c: {  	s31 =	simm.s32 $0x100;
	[sflag:s4] =	ssyncadd.s32 $0xFFFFC180  }
0x8d: {  	[spmem:s2] =	stream.indirect.scatter.add.f32 [tilespmem:s18], [sflag:$0x1], $0x80, s31, s17, $0xb8;
	[tilespmem:$0x18C80] =	vst v63  }
0x8e: {  	_ =	swait.ge [sflag:s20], $0x3E80  }
0x8f: {  	[sflag:s20] =	ssyncset.done $0x0  }
0x90: {  	s22 =	simm.s32 $0xFFFFB800;
	s23 =	simm.s32 $0x180;
	[sflag:s20] =	ssyncadd.s32 $0xFFFFC180  }
.LBB2_8:
0x91: {  	[spmem:s2] =	stream.indirect.scatter.add.f32 [tilespmem:s18], [sflag:$0x2], $0x80, s23, s17, $0xb8;
	[tilespmem:$0x18C80] =	vst v63  }
0x92: {  	s23 =	smov.u32 s22  }
0x93: {  	p1 =	sne.s32 s22, $0xFFFFFC00;
	s22 =	sadd.s32 $0x400, s22;
	_ =	swait.ge [sflag:s4], $0x3E80  }
0x94: {  	s23 =	sshra.s32 s23, $0x2;
	[sflag:s4] =	ssyncset.done $0x0  }
.Ltmp3:
0x95: {  	s24 =	sadd.s32 $0x1400, s23;
	[sflag:s4] =	ssyncadd.s32 $0xFFFFC180;
	(pc) =	sbr.rel @p1 .LBB2_8-.Ltmp3, $4  }
0x96: {  	[spmem:s2] =	stream.indirect.scatter.add.f32 [tilespmem:s18], [sflag:$0x1], $0x80, s24, s17, $0xb8;
	[tilespmem:$0x18C80] =	vst v63  }
0x97: {  	_ =	swait.ge [sflag:s20], $0x3E80  }
0x98: {  	[sflag:s20] =	ssyncset.done $0x0  }
0x99: {  	s23 =	sadd.s32 $0x1480, s23;
	[sflag:s20] =	ssyncadd.s32 $0xFFFFC180  }
0x9a: {  	[spmem:s2] =	stream.indirect.scatter.add.f32 [tilespmem:s18], [sflag:$0x2], $0x80, s23, s17, $0xb8;
	[tilespmem:$0x18C80] =	vst v63  }
0x9b: {  	_ =	swait.ge [sflag:s4], $0x3E80  }
0x9c: {  	[sflag:s4] =	ssyncset.done $0x0  }
0x9d: {  	[sflag:s4] =	ssyncadd.s32 $0xFFFFC180  }
0x9e: {  	_ =	swait.ge [sflag:s20], $0x3E80  }
0x9f: {  	s22 =	sshll.u32 @!p0 s0, $0x6;
	[sflag:s20] =	ssyncset.done $0x0  }
0xa0: {  	s23 =	sshrl.u32 @!p0 s5, $0x3;
	s21 =	sadd.s32 $0x1, s21;
	[sflag:s20] =	ssyncadd.s32 $0xFFFFC180  }
0xa1: {  	s22 =	sor.u32 @!p0 $0x1C03, s22;
	p1 =	sne.s32 s21, s15;
	[bflag:$0x0] =	sbarrier.arrive $0xFFFF  }
0xa2: {  	[hbm:s14], [sflag:s22] =	dma.local @!p0 [spmem:s23], $0x3E80  }
.Ltmp4:
0xa3: {  	_ = 	snop;
	(pc) =	sbr.rel @p1 .LBB2_1-.Ltmp4, $4  }
0xa4: {  	s22 =	simm.s32 @!p0 $0x3  }
0xa5: {  	_ =	swait.ge @!p0 [sflag:s22], $0x3E80  }
0xa6: {  	[sflag:s22] =	ssyncset.done @!p0 $0x0  }
0xa7: {  	[sflag:s22] =	ssyncadd.s32 @!p0 $0xFFFFC180  }
0xa8: {  	_ =	sfence.sel $0x180000  }
0xa9: {  	[bflag:$0x0] =	sbarrier.arrive $0xFFFF  }
0xaa: {  	p0 =	sne.s32 s0, $0x0;
	_ =	strace $0x90000047  }
0xab: {  	s0 =	sadd.s32 @!p0 $0x100000, s1;
	[bflag:$0x2] =	sbarrier.arrive $0xFFFF  }
0xac: {  	[sflag:s0] =	ssyncadd.tile.s32 @!p0 $0x1;
	_ =	shalt  }
.Lfunc_end2:
_tile_overlayer_lowered:
.L_overlay_start_2:
0xad: {  	(tag) =	ssettag $0x2  }
0xae: {  	s0 =	rddreg [dreg:$0x0];
	s2 =	stileid.u32  }
0xaf: {  	s1 =	rddreg [dreg:$0x1];
	p0 =	sne.s32 s2, $0x0  }
0xb0: {  	s3 =	rddreg [dreg:$0x2];
	[bflag:$0x3] =	sbarrier.arrive $0xFFFF;
	s2 =	simm.s32 @!p0 $0x1C03  }
0xb1: {  	[timem:s3], [sflag:s2] =	dma.local @!p0 [hbm:s0], s1  }
0xb2: {  	s0 =	simm.s32 @!p0 $0x3  }
0xb3: {  	_ =	swait.ge @!p0 [sflag:s0], s1  }
0xb4: {  	s1 =	ssub.s32 @!p0 $0x0, s1;
	[sflag:s0] =	ssyncset.done @!p0 $0x0  }
0xb5: {  	[sflag:s0] =	ssyncadd.s32 @!p0 s1  }
0xb6: {  	[bflag:$0x3] =	sbarrier.arrive $0xFFFF  }
0xb7: {  	_ =	shalt  }

</sc_bundles>
